<compile_context>
chip_gen: v7x
topology: tpu7x:2x2x1
jax: 0.10.2.dev20260603
libtpu: 0.0.44.dev20260713+nightly
codegen_flags: <defaults>
</compile_context>

<pallas_src>
import jax
import jax.numpy as jnp
from jax import lax
from jax.experimental import pallas as pl
from jax.experimental.pallas import tpu as pltpu
from jax.experimental.pallas import tpu_sc as plsc

B = 16384
D = 32
_INFO = plsc.get_sparse_core_info()
NC, NS, L = _INFO.num_cores, _INFO.num_subcores, _INFO.num_lanes
NW = NC * NS
BPW = B // NW
NG = BPW // L
NSLOT = 8
AHEAD = 7


def _mf_body(*refs):
    (uid_hbm, iid_hbm, utab_hbm, itab_hbm, ubias_hbm, ibias_hbm, gb_hbm,
     out_hbm) = refs[:8]
    uid_v, iid_v, ub_v, ib_v, gb_v, out_v = refs[8:14]
    ustg = refs[14:14 + NSLOT]
    istg = refs[14 + NSLOT:14 + 2 * NSLOT]
    usem = refs[14 + 2 * NSLOT:14 + 3 * NSLOT]
    isem = refs[14 + 3 * NSLOT:14 + 4 * NSLOT]
    sem_ub, sem_ib = refs[14 + 4 * NSLOT:]

    wid = lax.axis_index("s") * NC + lax.axis_index("c")
    base = pl.multiple_of(wid * BPW, BPW)

    pltpu.sync_copy(uid_hbm.at[pl.ds(base, BPW)], uid_v)
    pltpu.sync_copy(iid_hbm.at[pl.ds(base, BPW)], iid_v)
    pltpu.sync_copy(gb_hbm, gb_v)

    cp_ub = pltpu.make_async_copy(ubias_hbm.at[uid_v], ub_v, sem_ub)
    cp_ib = pltpu.make_async_copy(ibias_hbm.at[iid_v], ib_v, sem_ib)
    cp_ub.start()
    cp_ib.start()

    def copies(ug, ig, slot):
        uo = pl.multiple_of(lax.shift_right_logical(ug, 7) * 128, 128)
        io = pl.multiple_of(lax.shift_right_logical(ig, 7) * 128, 128)
        cu = pltpu.make_async_copy(
            utab_hbm.at[pl.ds(0, D), pl.ds(uo, 128)], ustg[slot], usem[slot])
        ci = pltpu.make_async_copy(
            itab_hbm.at[pl.ds(0, D), pl.ds(io, 128)], istg[slot], isem[slot])
        return cu, ci

    def fire(ug, ig, slot):
        for cp in copies(ug, ig, slot):
            cp.start()

    def drain(ug, ig, slot):
        for cp in copies(ug, ig, slot):
            cp.wait()

    u16p = uid_v[pl.ds(0, L)]
    i16p = iid_v[pl.ds(0, L)]
    for j in range(AHEAD):
        fire(u16p[j], i16p[j], j % NSLOT)

    cp_ub.wait()
    cp_ib.wait()
    gbv = gb_v[...]
    lane = lax.iota(jnp.int32, L)
    lo16 = lax.iota(jnp.int32, L)
    hi16 = lo16 + L
    zero16 = jnp.zeros((L,), jnp.int32)

    def group(blk, carry):
        gbase = pl.multiple_of(blk * L, L)
        u16 = uid_v[pl.ds(gbase, L)]
        i16 = iid_v[pl.ds(gbase, L)]
        dotv = jnp.zeros((L,), jnp.float32)
        for j in range(L):
            ja = j + AHEAD
            if ja < L:
                fire(u16[ja], i16[ja], ja % NSLOT)
            else:
                @pl.when(blk < NG - 1)
                def _():
                    nb = pl.multiple_of((blk + 1) * L, L)
                    u16n = uid_v[pl.ds(nb, L)]
                    i16n = iid_v[pl.ds(nb, L)]
                    fire(u16n[ja - L], i16n[ja - L], ja % NSLOT)
            slot = j % NSLOT
            drain(u16[j], i16[j], slot)
            ucol = zero16 + (u16[j] & 127)
            icol = zero16 + (i16[j] & 127)
            u0 = plsc.load_gather(ustg[slot], [lo16, ucol])
            u1 = plsc.load_gather(ustg[slot], [hi16, ucol])
            v0 = plsc.load_gather(istg[slot], [lo16, icol])
            v1 = plsc.load_gather(istg[slot], [hi16, icol])
            s = jnp.sum(u0 * v0 + u1 * v1)
            dotv = jnp.where(lane == j, s, dotv)
        p = dotv + ub_v[pl.ds(gbase, L)] + ib_v[pl.ds(gbase, L)] + gbv
        p = jnp.minimum(jnp.maximum(p, 1.0), 10.0)
        out_v[pl.ds(gbase, L)] = p
        return carry

    lax.fori_loop(0, NG, group, 0)
    pltpu.sync_copy(out_v, out_hbm.at[pl.ds(base, BPW)])


@jax.jit
def _mf(user_ids, item_ids, utab_t, itab_t, ubias_flat, ibias_flat, gb16):
    mesh = plsc.VectorSubcoreMesh(core_axis_name="c", subcore_axis_name="s")
    scratch = [
        pltpu.VMEM((BPW,), jnp.int32),
        pltpu.VMEM((BPW,), jnp.int32),
        pltpu.VMEM((BPW,), jnp.float32),
        pltpu.VMEM((BPW,), jnp.float32),
        pltpu.VMEM((L,), jnp.float32),
        pltpu.VMEM((BPW,), jnp.float32),
    ]
    scratch += [pltpu.VMEM((D, 128), jnp.float32) for _ in range(NSLOT)]
    scratch += [pltpu.VMEM((D, 128), jnp.float32) for _ in range(NSLOT)]
    scratch += [pltpu.SemaphoreType.DMA for _ in range(2 * NSLOT)]
    scratch += [pltpu.SemaphoreType.DMA, pltpu.SemaphoreType.DMA]
    run = pl.kernel(
        _mf_body,
        mesh=mesh,
        compiler_params=pltpu.CompilerParams(needs_layout_passes=False),
        out_type=jax.ShapeDtypeStruct((B,), jnp.float32),
        scratch_types=scratch,
    )
    return run(user_ids, item_ids, utab_t, itab_t, ubias_flat, ibias_flat,
               gb16)


def kernel(user_ids, item_ids, user_table, item_table, user_bias, item_bias,
           global_bias):
    utab_t = user_table.T
    itab_t = item_table.T
    ubias_flat = user_bias.reshape(-1)
    ibias_flat = item_bias.reshape(-1)
    gb16 = jnp.broadcast_to(global_bias.astype(jnp.float32), (L,))
    return _mf(user_ids.astype(jnp.int32), item_ids.astype(jnp.int32),
               utab_t, itab_t, ubias_flat, ibias_flat, gb16)

# --- scband reference (transcript-rebuilt; emitter-appended) ---
"""Pipeline reference for scband-simple-mf-9929964388949 (READ-ONLY COPY).

The authoritative reference and input builder live on the scoring server;
editing this copy changes nothing except your own understanding.
"""

import jax, jax.numpy as jnp
import numpy as np

N_USERS = 1000000
N_ITEMS = 1000000
EMBED_DIM = 32
BATCH = 16384

def setup_inputs(seed: int = 0) -> dict:
    key = jax.random.key(seed)
    k1, k2, k3, k4, k5, k6 = jax.random.split(key, 6)
    user_ids = jax.random.randint(k1, (BATCH,), 0, N_USERS, dtype=jnp.int64 if jax.config.read('jax_enable_x64') else jnp.int32)
    item_ids = jax.random.randint(k2, (BATCH,), 0, N_ITEMS, dtype=jnp.int64 if jax.config.read('jax_enable_x64') else jnp.int32)
    # Learned parameters (embeddings initialized with modest scale so dot products
    # land partly within the clamp range [1, 10])
    user_table = jax.random.normal(k3, (N_USERS, EMBED_DIM), dtype=jnp.float32) * 0.5
    item_table = jax.random.normal(k4, (N_ITEMS, EMBED_DIM), dtype=jnp.float32) * 0.5
    user_bias = jnp.zeros((N_USERS, 1), dtype=jnp.float32)
    item_bias = jnp.zeros((N_ITEMS, 1), dtype=jnp.float32)
    global_bias = jnp.zeros((1,), dtype=jnp.float32)
    return {
        'user_ids': user_ids,
        'item_ids': item_ids,
        'user_table': user_table,
        'item_table': item_table,
        'user_bias': user_bias,
        'item_bias': item_bias,
        'global_bias': global_bias,
    }

def reference(user_ids, item_ids, user_table, item_table, user_bias, item_bias, global_bias):
    # Embedding lookups (gather -> SparseCore friendly)
    user_emb = jnp.take(user_table, user_ids, axis=0)   # [B, D]
    item_emb = jnp.take(item_table, item_ids, axis=0)   # [B, D]
    dot_product = (user_emb * item_emb).sum(axis=1)      # [B]
    ub = jnp.take(user_bias, user_ids, axis=0).squeeze(-1)  # [B]
    ib = jnp.take(item_bias, item_ids, axis=0).squeeze(-1)  # [B]
    prediction = dot_product + ub + ib + global_bias     # broadcast [1] -> [B]
    prediction = jnp.clip(prediction, 1.0, 10.0)
    return prediction

if __name__ == "__main__":
    import jax
    _d = setup_inputs()
    print(jax.jit(kernel)(*tuple(_d.values())))

</pallas_src>

<mosaic_0001>
#map = affine_map<(d0, d1) -> (0)>
#map1 = affine_map<(d0, d1) -> (0, 0)>
module attributes {stable_mosaic.version = 14 : i64} {
  func.func @_mf_body(%arg0: i32, %arg1: i32, %arg2: memref<16384xi32, #tpu.memory_space<hbm>>, %arg3: memref<16384xi32, #tpu.memory_space<hbm>>, %arg4: memref<32x1000000xf32, #tpu.memory_space<hbm>>, %arg5: memref<32x1000000xf32, #tpu.memory_space<hbm>>, %arg6: memref<1000000xf32, #tpu.memory_space<hbm>>, %arg7: memref<1000000xf32, #tpu.memory_space<hbm>>, %arg8: memref<16xf32, #tpu.memory_space<hbm>>, %arg9: memref<16384xf32, #tpu.memory_space<hbm>>, %arg10: memref<512xi32, #tpu.memory_space<vmem>>, %arg11: memref<512xi32, #tpu.memory_space<vmem>>, %arg12: memref<512xf32, #tpu.memory_space<vmem>>, %arg13: memref<512xf32, #tpu.memory_space<vmem>>, %arg14: memref<16xf32, #tpu.memory_space<vmem>>, %arg15: memref<512xf32, #tpu.memory_space<vmem>>, %arg16: memref<32x128xf32, #tpu.memory_space<vmem>>, %arg17: memref<32x128xf32, #tpu.memory_space<vmem>>, %arg18: memref<32x128xf32, #tpu.memory_space<vmem>>, %arg19: memref<32x128xf32, #tpu.memory_space<vmem>>, %arg20: memref<32x128xf32, #tpu.memory_space<vmem>>, %arg21: memref<32x128xf32, #tpu.memory_space<vmem>>, %arg22: memref<32x128xf32, #tpu.memory_space<vmem>>, %arg23: memref<32x128xf32, #tpu.memory_space<vmem>>, %arg24: memref<32x128xf32, #tpu.memory_space<vmem>>, %arg25: memref<32x128xf32, #tpu.memory_space<vmem>>, %arg26: memref<32x128xf32, #tpu.memory_space<vmem>>, %arg27: memref<32x128xf32, #tpu.memory_space<vmem>>, %arg28: memref<32x128xf32, #tpu.memory_space<vmem>>, %arg29: memref<32x128xf32, #tpu.memory_space<vmem>>, %arg30: memref<32x128xf32, #tpu.memory_space<vmem>>, %arg31: memref<32x128xf32, #tpu.memory_space<vmem>>, %arg32: memref<!tpu.dma_semaphore, #tpu.memory_space<semaphore_mem>>, %arg33: memref<!tpu.dma_semaphore, #tpu.memory_space<semaphore_mem>>, %arg34: memref<!tpu.dma_semaphore, #tpu.memory_space<semaphore_mem>>, %arg35: memref<!tpu.dma_semaphore, #tpu.memory_space<semaphore_mem>>, %arg36: memref<!tpu.dma_semaphore, #tpu.memory_space<semaphore_mem>>, %arg37: memref<!tpu.dma_semaphore, #tpu.memory_space<semaphore_mem>>, %arg38: memref<!tpu.dma_semaphore, #tpu.memory_space<semaphore_mem>>, %arg39: memref<!tpu.dma_semaphore, #tpu.memory_space<semaphore_mem>>, %arg40: memref<!tpu.dma_semaphore, #tpu.memory_space<semaphore_mem>>, %arg41: memref<!tpu.dma_semaphore, #tpu.memory_space<semaphore_mem>>, %arg42: memref<!tpu.dma_semaphore, #tpu.memory_space<semaphore_mem>>, %arg43: memref<!tpu.dma_semaphore, #tpu.memory_space<semaphore_mem>>, %arg44: memref<!tpu.dma_semaphore, #tpu.memory_space<semaphore_mem>>, %arg45: memref<!tpu.dma_semaphore, #tpu.memory_space<semaphore_mem>>, %arg46: memref<!tpu.dma_semaphore, #tpu.memory_space<semaphore_mem>>, %arg47: memref<!tpu.dma_semaphore, #tpu.memory_space<semaphore_mem>>, %arg48: memref<!tpu.dma_semaphore, #tpu.memory_space<semaphore_mem>>, %arg49: memref<!tpu.dma_semaphore, #tpu.memory_space<semaphore_mem>>) attributes {dimension_semantics = [#tpu.dimension_semantics<core_parallel>, #tpu.dimension_semantics<subcore_parallel>], iteration_bounds = array<i64: 2, 16>, scalar_prefetch = 0 : i64, scratch_operands = 40 : i64, tpu.core_type = #tpu.core_type<sc_vector_subcore>, window_params = [{transform_indices = #map}, {transform_indices = #map}, {transform_indices = #map1}, {transform_indices = #map1}, {transform_indices = #map}, {transform_indices = #map}, {transform_indices = #map}, {transform_indices = #map}]} {
    %mul3A = arith.constant 2 : i32
    %mul3A_0 = arith.muli %arg1, %mul3A : i32
    %add3A = arith.addi %mul3A_0, %arg0 : i32
    %mul3A_1 = arith.constant 512 : i32
    %mul3A_2 = arith.muli %add3A, %mul3A_1 : i32
    %multiple_of3A = tpu.assume_multiple %mul3A_2, 512 : i32
    "tpu.region"() ({
      %run_scoped3A = tpu.sem_alloc : memref<!tpu.dma_semaphore, #tpu.memory_space<semaphore_mem>>
      %dma_start3A_175 = tpu.memref_slice %arg2[%multiple_of3A] : memref<16384xi32, #tpu.memory_space<hbm>> -> memref<512xi32, #tpu.memory_space<hbm>>
      %dma_start3A_176 = tpu.memref_slice %arg2[%multiple_of3A] : memref<16384xi32, #tpu.memory_space<hbm>> -> memref<512xi32, #tpu.memory_space<hbm>>
      tpu.enqueue_dma source(%dma_start3A_176 : memref<512xi32, #tpu.memory_space<hbm>>) target(%arg10 : memref<512xi32, #tpu.memory_space<vmem>>) target_semaphore(%run_scoped3A : memref<!tpu.dma_semaphore, #tpu.memory_space<semaphore_mem>>)
      %dma_wait3A_177 = tpu.memref_slice %arg2[%multiple_of3A] : memref<16384xi32, #tpu.memory_space<hbm>> -> memref<512xi32, #tpu.memory_space<hbm>>
      %dma_wait3A_178 = tpu.memref_slice %arg2[%multiple_of3A] : memref<16384xi32, #tpu.memory_space<hbm>> -> memref<512xi32, #tpu.memory_space<hbm>>
      tpu.wait_dma2 semaphore(%run_scoped3A : memref<!tpu.dma_semaphore, #tpu.memory_space<semaphore_mem>>) src(%dma_wait3A_178 : memref<512xi32, #tpu.memory_space<hbm>>) dst(%arg10 : memref<512xi32, #tpu.memory_space<vmem>>)
      tpu.yield
    }) : () -> ()
    "tpu.region"() ({
      %run_scoped3A = tpu.sem_alloc : memref<!tpu.dma_semaphore, #tpu.memory_space<semaphore_mem>>
      %dma_start3A_175 = tpu.memref_slice %arg3[%multiple_of3A] : memref<16384xi32, #tpu.memory_space<hbm>> -> memref<512xi32, #tpu.memory_space<hbm>>
      %dma_start3A_176 = tpu.memref_slice %arg3[%multiple_of3A] : memref<16384xi32, #tpu.memory_space<hbm>> -> memref<512xi32, #tpu.memory_space<hbm>>
      tpu.enqueue_dma source(%dma_start3A_176 : memref<512xi32, #tpu.memory_space<hbm>>) target(%arg11 : memref<512xi32, #tpu.memory_space<vmem>>) target_semaphore(%run_scoped3A : memref<!tpu.dma_semaphore, #tpu.memory_space<semaphore_mem>>)
      %dma_wait3A_177 = tpu.memref_slice %arg3[%multiple_of3A] : memref<16384xi32, #tpu.memory_space<hbm>> -> memref<512xi32, #tpu.memory_space<hbm>>
      %dma_wait3A_178 = tpu.memref_slice %arg3[%multiple_of3A] : memref<16384xi32, #tpu.memory_space<hbm>> -> memref<512xi32, #tpu.memory_space<hbm>>
      tpu.wait_dma2 semaphore(%run_scoped3A : memref<!tpu.dma_semaphore, #tpu.memory_space<semaphore_mem>>) src(%dma_wait3A_178 : memref<512xi32, #tpu.memory_space<hbm>>) dst(%arg11 : memref<512xi32, #tpu.memory_space<vmem>>)
      tpu.yield
    }) : () -> ()
    "tpu.region"() ({
      %run_scoped3A = tpu.sem_alloc : memref<!tpu.dma_semaphore, #tpu.memory_space<semaphore_mem>>
      tpu.enqueue_dma source(%arg8 : memref<16xf32, #tpu.memory_space<hbm>>) target(%arg14 : memref<16xf32, #tpu.memory_space<vmem>>) target_semaphore(%run_scoped3A : memref<!tpu.dma_semaphore, #tpu.memory_space<semaphore_mem>>)
      tpu.wait_dma2 semaphore(%run_scoped3A : memref<!tpu.dma_semaphore, #tpu.memory_space<semaphore_mem>>) src(%arg8 : memref<16xf32, #tpu.memory_space<hbm>>) dst(%arg14 : memref<16xf32, #tpu.memory_space<vmem>>)
      tpu.yield
    }) : () -> ()
    %dma_start3A = arith.constant 0 : i32
    %dma_start3A_3 = tpu.memref_slice %arg6[%dma_start3A] : memref<1000000xf32, #tpu.memory_space<hbm>> -> memref<1000000xf32, #tpu.memory_space<hbm>>
    tpu.enqueue_indirect_dma source(%dma_start3A_3 : memref<1000000xf32, #tpu.memory_space<hbm>>) target(%arg12 : memref<512xf32, #tpu.memory_space<vmem>>) offsets(%arg10 : memref<512xi32, #tpu.memory_space<vmem>>) semaphore(%arg48 : memref<!tpu.dma_semaphore, #tpu.memory_space<semaphore_mem>>)
    %dma_start3A_4 = arith.constant 0 : i32
    %dma_start3A_5 = tpu.memref_slice %arg7[%dma_start3A_4] : memref<1000000xf32, #tpu.memory_space<hbm>> -> memref<1000000xf32, #tpu.memory_space<hbm>>
    tpu.enqueue_indirect_dma source(%dma_start3A_5 : memref<1000000xf32, #tpu.memory_space<hbm>>) target(%arg13 : memref<512xf32, #tpu.memory_space<vmem>>) offsets(%arg11 : memref<512xi32, #tpu.memory_space<vmem>>) semaphore(%arg49 : memref<!tpu.dma_semaphore, #tpu.memory_space<semaphore_mem>>)
    %get3A = arith.constant 0 : index
    %get3A_6 = tpu.vector_load %arg10[%get3A] {strides = array<i32>} : memref<512xi32, #tpu.memory_space<vmem>>, vector<16xi32>,
    %get3A_7 = arith.constant 0 : index
    %get3A_8 = tpu.vector_load %arg11[%get3A_7] {strides = array<i32>} : memref<512xi32, #tpu.memory_space<vmem>>, vector<16xi32>,
    %slice3A = vector.extract_strided_slice %get3A_6 {offsets = [0], sizes = [1], strides = [1]} : vector<16xi32> to vector<1xi32>
    %squeeze3A = vector.extract %slice3A[0] : i32 from vector<1xi32>
    %slice3A_9 = vector.extract_strided_slice %get3A_8 {offsets = [0], sizes = [1], strides = [1]} : vector<16xi32> to vector<1xi32>
    %squeeze3A_10 = vector.extract %slice3A_9[0] : i32 from vector<1xi32>
    %shift_right_logical3A = arith.constant 7 : i32
    %shift_right_logical3A_11 = arith.shrui %squeeze3A, %shift_right_logical3A : i32
    %mul3A_12 = arith.constant 128 : i32
    %mul3A_13 = arith.muli %shift_right_logical3A_11, %mul3A_12 : i32
    %multiple_of3A_14 = tpu.assume_multiple %mul3A_13, 128 : i32
    %shift_right_logical3A_15 = arith.constant 7 : i32
    %shift_right_logical3A_16 = arith.shrui %squeeze3A_10, %shift_right_logical3A_15 : i32
    %mul3A_17 = arith.constant 128 : i32
    %mul3A_18 = arith.muli %shift_right_logical3A_16, %mul3A_17 : i32
    %multiple_of3A_19 = tpu.assume_multiple %mul3A_18, 128 : i32
    %dma_start3A_20 = arith.constant 0 : i32
    %dma_start3A_21 = tpu.memref_slice %arg4[%dma_start3A_20, %multiple_of3A_14] : memref<32x1000000xf32, #tpu.memory_space<hbm>> -> memref<32x128xf32, #tpu.memory_space<hbm>>
    %dma_start3A_22 = arith.constant 0 : i32
    %dma_start3A_23 = tpu.memref_slice %arg4[%dma_start3A_22, %multiple_of3A_14] : memref<32x1000000xf32, #tpu.memory_space<hbm>> -> memref<32x128xf32, #tpu.memory_space<hbm>>
    tpu.enqueue_dma source(%dma_start3A_23 : memref<32x128xf32, #tpu.memory_space<hbm>>) target(%arg16 : memref<32x128xf32, #tpu.memory_space<vmem>>) target_semaphore(%arg32 : memref<!tpu.dma_semaphore, #tpu.memory_space<semaphore_mem>>)
    %dma_start3A_24 = arith.constant 0 : i32
    %dma_start3A_25 = tpu.memref_slice %arg5[%dma_start3A_24, %multiple_of3A_19] : memref<32x1000000xf32, #tpu.memory_space<hbm>> -> memref<32x128xf32, #tpu.memory_space<hbm>>
    %dma_start3A_26 = arith.constant 0 : i32
    %dma_start3A_27 = tpu.memref_slice %arg5[%dma_start3A_26, %multiple_of3A_19] : memref<32x1000000xf32, #tpu.memory_space<hbm>> -> memref<32x128xf32, #tpu.memory_space<hbm>>
    tpu.enqueue_dma source(%dma_start3A_27 : memref<32x128xf32, #tpu.memory_space<hbm>>) target(%arg24 : memref<32x128xf32, #tpu.memory_space<vmem>>) target_semaphore(%arg40 : memref<!tpu.dma_semaphore, #tpu.memory_space<semaphore_mem>>)
    %slice3A_28 = vector.extract_strided_slice %get3A_6 {offsets = [1], sizes = [1], strides = [1]} : vector<16xi32> to vector<1xi32>
    %squeeze3A_29 = vector.extract %slice3A_28[0] : i32 from vector<1xi32>
    %slice3A_30 = vector.extract_strided_slice %get3A_8 {offsets = [1], sizes = [1], strides = [1]} : vector<16xi32> to vector<1xi32>
    %squeeze3A_31 = vector.extract %slice3A_30[0] : i32 from vector<1xi32>
    %shift_right_logical3A_32 = arith.constant 7 : i32
    %shift_right_logical3A_33 = arith.shrui %squeeze3A_29, %shift_right_logical3A_32 : i32
    %mul3A_34 = arith.constant 128 : i32
    %mul3A_35 = arith.muli %shift_right_logical3A_33, %mul3A_34 : i32
    %multiple_of3A_36 = tpu.assume_multiple %mul3A_35, 128 : i32
    %shift_right_logical3A_37 = arith.constant 7 : i32
    %shift_right_logical3A_38 = arith.shrui %squeeze3A_31, %shift_right_logical3A_37 : i32
    %mul3A_39 = arith.constant 128 : i32
    %mul3A_40 = arith.muli %shift_right_logical3A_38, %mul3A_39 : i32
    %multiple_of3A_41 = tpu.assume_multiple %mul3A_40, 128 : i32
    %dma_start3A_42 = arith.constant 0 : i32
    %dma_start3A_43 = tpu.memref_slice %arg4[%dma_start3A_42, %multiple_of3A_36] : memref<32x1000000xf32, #tpu.memory_space<hbm>> -> memref<32x128xf32, #tpu.memory_space<hbm>>
    %dma_start3A_44 = arith.constant 0 : i32
    %dma_start3A_45 = tpu.memref_slice %arg4[%dma_start3A_44, %multiple_of3A_36] : memref<32x1000000xf32, #tpu.memory_space<hbm>> -> memref<32x128xf32, #tpu.memory_space<hbm>>
    tpu.enqueue_dma source(%dma_start3A_45 : memref<32x128xf32, #tpu.memory_space<hbm>>) target(%arg17 : memref<32x128xf32, #tpu.memory_space<vmem>>) target_semaphore(%arg33 : memref<!tpu.dma_semaphore, #tpu.memory_space<semaphore_mem>>)
    %dma_start3A_46 = arith.constant 0 : i32
    %dma_start3A_47 = tpu.memref_slice %arg5[%dma_start3A_46, %multiple_of3A_41] : memref<32x1000000xf32, #tpu.memory_space<hbm>> -> memref<32x128xf32, #tpu.memory_space<hbm>>
    %dma_start3A_48 = arith.constant 0 : i32
    %dma_start3A_49 = tpu.memref_slice %arg5[%dma_start3A_48, %multiple_of3A_41] : memref<32x1000000xf32, #tpu.memory_space<hbm>> -> memref<32x128xf32, #tpu.memory_space<hbm>>
    tpu.enqueue_dma source(%dma_start3A_49 : memref<32x128xf32, #tpu.memory_space<hbm>>) target(%arg25 : memref<32x128xf32, #tpu.memory_space<vmem>>) target_semaphore(%arg41 : memref<!tpu.dma_semaphore, #tpu.memory_space<semaphore_mem>>)
    %slice3A_50 = vector.extract_strided_slice %get3A_6 {offsets = [2], sizes = [1], strides = [1]} : vector<16xi32> to vector<1xi32>
    %squeeze3A_51 = vector.extract %slice3A_50[0] : i32 from vector<1xi32>
    %slice3A_52 = vector.extract_strided_slice %get3A_8 {offsets = [2], sizes = [1], strides = [1]} : vector<16xi32> to vector<1xi32>
    %squeeze3A_53 = vector.extract %slice3A_52[0] : i32 from vector<1xi32>
    %shift_right_logical3A_54 = arith.constant 7 : i32
    %shift_right_logical3A_55 = arith.shrui %squeeze3A_51, %shift_right_logical3A_54 : i32
    %mul3A_56 = arith.constant 128 : i32
    %mul3A_57 = arith.muli %shift_right_logical3A_55, %mul3A_56 : i32
    %multiple_of3A_58 = tpu.assume_multiple %mul3A_57, 128 : i32
    %shift_right_logical3A_59 = arith.constant 7 : i32
    %shift_right_logical3A_60 = arith.shrui %squeeze3A_53, %shift_right_logical3A_59 : i32
    %mul3A_61 = arith.constant 128 : i32
    %mul3A_62 = arith.muli %shift_right_logical3A_60, %mul3A_61 : i32
    %multiple_of3A_63 = tpu.assume_multiple %mul3A_62, 128 : i32
    %dma_start3A_64 = arith.constant 0 : i32
    %dma_start3A_65 = tpu.memref_slice %arg4[%dma_start3A_64, %multiple_of3A_58] : memref<32x1000000xf32, #tpu.memory_space<hbm>> -> memref<32x128xf32, #tpu.memory_space<hbm>>
    %dma_start3A_66 = arith.constant 0 : i32
    %dma_start3A_67 = tpu.memref_slice %arg4[%dma_start3A_66, %multiple_of3A_58] : memref<32x1000000xf32, #tpu.memory_space<hbm>> -> memref<32x128xf32, #tpu.memory_space<hbm>>
    tpu.enqueue_dma source(%dma_start3A_67 : memref<32x128xf32, #tpu.memory_space<hbm>>) target(%arg18 : memref<32x128xf32, #tpu.memory_space<vmem>>) target_semaphore(%arg34 : memref<!tpu.dma_semaphore, #tpu.memory_space<semaphore_mem>>)
    %dma_start3A_68 = arith.constant 0 : i32
    %dma_start3A_69 = tpu.memref_slice %arg5[%dma_start3A_68, %multiple_of3A_63] : memref<32x1000000xf32, #tpu.memory_space<hbm>> -> memref<32x128xf32, #tpu.memory_space<hbm>>
    %dma_start3A_70 = arith.constant 0 : i32
    %dma_start3A_71 = tpu.memref_slice %arg5[%dma_start3A_70, %multiple_of3A_63] : memref<32x1000000xf32, #tpu.memory_space<hbm>> -> memref<32x128xf32, #tpu.memory_space<hbm>>
    tpu.enqueue_dma source(%dma_start3A_71 : memref<32x128xf32, #tpu.memory_space<hbm>>) target(%arg26 : memref<32x128xf32, #tpu.memory_space<vmem>>) target_semaphore(%arg42 : memref<!tpu.dma_semaphore, #tpu.memory_space<semaphore_mem>>)
    %slice3A_72 = vector.extract_strided_slice %get3A_6 {offsets = [3], sizes = [1], strides = [1]} : vector<16xi32> to vector<1xi32>
    %squeeze3A_73 = vector.extract %slice3A_72[0] : i32 from vector<1xi32>
    %slice3A_74 = vector.extract_strided_slice %get3A_8 {offsets = [3], sizes = [1], strides = [1]} : vector<16xi32> to vector<1xi32>
    %squeeze3A_75 = vector.extract %slice3A_74[0] : i32 from vector<1xi32>
    %shift_right_logical3A_76 = arith.constant 7 : i32
    %shift_right_logical3A_77 = arith.shrui %squeeze3A_73, %shift_right_logical3A_76 : i32
    %mul3A_78 = arith.constant 128 : i32
    %mul3A_79 = arith.muli %shift_right_logical3A_77, %mul3A_78 : i32
    %multiple_of3A_80 = tpu.assume_multiple %mul3A_79, 128 : i32
    %shift_right_logical3A_81 = arith.constant 7 : i32
    %shift_right_logical3A_82 = arith.shrui %squeeze3A_75, %shift_right_logical3A_81 : i32
    %mul3A_83 = arith.constant 128 : i32
    %mul3A_84 = arith.muli %shift_right_logical3A_82, %mul3A_83 : i32
    %multiple_of3A_85 = tpu.assume_multiple %mul3A_84, 128 : i32
    %dma_start3A_86 = arith.constant 0 : i32
    %dma_start3A_87 = tpu.memref_slice %arg4[%dma_start3A_86, %multiple_of3A_80] : memref<32x1000000xf32, #tpu.memory_space<hbm>> -> memref<32x128xf32, #tpu.memory_space<hbm>>
    %dma_start3A_88 = arith.constant 0 : i32
    %dma_start3A_89 = tpu.memref_slice %arg4[%dma_start3A_88, %multiple_of3A_80] : memref<32x1000000xf32, #tpu.memory_space<hbm>> -> memref<32x128xf32, #tpu.memory_space<hbm>>
    tpu.enqueue_dma source(%dma_start3A_89 : memref<32x128xf32, #tpu.memory_space<hbm>>) target(%arg19 : memref<32x128xf32, #tpu.memory_space<vmem>>) target_semaphore(%arg35 : memref<!tpu.dma_semaphore, #tpu.memory_space<semaphore_mem>>)
    %dma_start3A_90 = arith.constant 0 : i32
    %dma_start3A_91 = tpu.memref_slice %arg5[%dma_start3A_90, %multiple_of3A_85] : memref<32x1000000xf32, #tpu.memory_space<hbm>> -> memref<32x128xf32, #tpu.memory_space<hbm>>
    %dma_start3A_92 = arith.constant 0 : i32
    %dma_start3A_93 = tpu.memref_slice %arg5[%dma_start3A_92, %multiple_of3A_85] : memref<32x1000000xf32, #tpu.memory_space<hbm>> -> memref<32x128xf32, #tpu.memory_space<hbm>>
    tpu.enqueue_dma source(%dma_start3A_93 : memref<32x128xf32, #tpu.memory_space<hbm>>) target(%arg27 : memref<32x128xf32, #tpu.memory_space<vmem>>) target_semaphore(%arg43 : memref<!tpu.dma_semaphore, #tpu.memory_space<semaphore_mem>>)
    %slice3A_94 = vector.extract_strided_slice %get3A_6 {offsets = [4], sizes = [1], strides = [1]} : vector<16xi32> to vector<1xi32>
    %squeeze3A_95 = vector.extract %slice3A_94[0] : i32 from vector<1xi32>
    %slice3A_96 = vector.extract_strided_slice %get3A_8 {offsets = [4], sizes = [1], strides = [1]} : vector<16xi32> to vector<1xi32>
    %squeeze3A_97 = vector.extract %slice3A_96[0] : i32 from vector<1xi32>
    %shift_right_logical3A_98 = arith.constant 7 : i32
    %shift_right_logical3A_99 = arith.shrui %squeeze3A_95, %shift_right_logical3A_98 : i32
    %mul3A_100 = arith.constant 128 : i32
    %mul3A_101 = arith.muli %shift_right_logical3A_99, %mul3A_100 : i32
    %multiple_of3A_102 = tpu.assume_multiple %mul3A_101, 128 : i32
    %shift_right_logical3A_103 = arith.constant 7 : i32
    %shift_right_logical3A_104 = arith.shrui %squeeze3A_97, %shift_right_logical3A_103 : i32
    %mul3A_105 = arith.constant 128 : i32
    %mul3A_106 = arith.muli %shift_right_logical3A_104, %mul3A_105 : i32
    %multiple_of3A_107 = tpu.assume_multiple %mul3A_106, 128 : i32
    %dma_start3A_108 = arith.constant 0 : i32
    %dma_start3A_109 = tpu.memref_slice %arg4[%dma_start3A_108, %multiple_of3A_102] : memref<32x1000000xf32, #tpu.memory_space<hbm>> -> memref<32x128xf32, #tpu.memory_space<hbm>>
    %dma_start3A_110 = arith.constant 0 : i32
    %dma_start3A_111 = tpu.memref_slice %arg4[%dma_start3A_110, %multiple_of3A_102] : memref<32x1000000xf32, #tpu.memory_space<hbm>> -> memref<32x128xf32, #tpu.memory_space<hbm>>
    tpu.enqueue_dma source(%dma_start3A_111 : memref<32x128xf32, #tpu.memory_space<hbm>>) target(%arg20 : memref<32x128xf32, #tpu.memory_space<vmem>>) target_semaphore(%arg36 : memref<!tpu.dma_semaphore, #tpu.memory_space<semaphore_mem>>)
    %dma_start3A_112 = arith.constant 0 : i32
    %dma_start3A_113 = tpu.memref_slice %arg5[%dma_start3A_112, %multiple_of3A_107] : memref<32x1000000xf32, #tpu.memory_space<hbm>> -> memref<32x128xf32, #tpu.memory_space<hbm>>
    %dma_start3A_114 = arith.constant 0 : i32
    %dma_start3A_115 = tpu.memref_slice %arg5[%dma_start3A_114, %multiple_of3A_107] : memref<32x1000000xf32, #tpu.memory_space<hbm>> -> memref<32x128xf32, #tpu.memory_space<hbm>>
    tpu.enqueue_dma source(%dma_start3A_115 : memref<32x128xf32, #tpu.memory_space<hbm>>) target(%arg28 : memref<32x128xf32, #tpu.memory_space<vmem>>) target_semaphore(%arg44 : memref<!tpu.dma_semaphore, #tpu.memory_space<semaphore_mem>>)
    %slice3A_116 = vector.extract_strided_slice %get3A_6 {offsets = [5], sizes = [1], strides = [1]} : vector<16xi32> to vector<1xi32>
    %squeeze3A_117 = vector.extract %slice3A_116[0] : i32 from vector<1xi32>
    %slice3A_118 = vector.extract_strided_slice %get3A_8 {offsets = [5], sizes = [1], strides = [1]} : vector<16xi32> to vector<1xi32>
    %squeeze3A_119 = vector.extract %slice3A_118[0] : i32 from vector<1xi32>
    %shift_right_logical3A_120 = arith.constant 7 : i32
    %shift_right_logical3A_121 = arith.shrui %squeeze3A_117, %shift_right_logical3A_120 : i32
    %mul3A_122 = arith.constant 128 : i32
    %mul3A_123 = arith.muli %shift_right_logical3A_121, %mul3A_122 : i32
    %multiple_of3A_124 = tpu.assume_multiple %mul3A_123, 128 : i32
    %shift_right_logical3A_125 = arith.constant 7 : i32
    %shift_right_logical3A_126 = arith.shrui %squeeze3A_119, %shift_right_logical3A_125 : i32
    %mul3A_127 = arith.constant 128 : i32
    %mul3A_128 = arith.muli %shift_right_logical3A_126, %mul3A_127 : i32
    %multiple_of3A_129 = tpu.assume_multiple %mul3A_128, 128 : i32
    %dma_start3A_130 = arith.constant 0 : i32
    %dma_start3A_131 = tpu.memref_slice %arg4[%dma_start3A_130, %multiple_of3A_124] : memref<32x1000000xf32, #tpu.memory_space<hbm>> -> memref<32x128xf32, #tpu.memory_space<hbm>>
    %dma_start3A_132 = arith.constant 0 : i32
    %dma_start3A_133 = tpu.memref_slice %arg4[%dma_start3A_132, %multiple_of3A_124] : memref<32x1000000xf32, #tpu.memory_space<hbm>> -> memref<32x128xf32, #tpu.memory_space<hbm>>
    tpu.enqueue_dma source(%dma_start3A_133 : memref<32x128xf32, #tpu.memory_space<hbm>>) target(%arg21 : memref<32x128xf32, #tpu.memory_space<vmem>>) target_semaphore(%arg37 : memref<!tpu.dma_semaphore, #tpu.memory_space<semaphore_mem>>)
    %dma_start3A_134 = arith.constant 0 : i32
    %dma_start3A_135 = tpu.memref_slice %arg5[%dma_start3A_134, %multiple_of3A_129] : memref<32x1000000xf32, #tpu.memory_space<hbm>> -> memref<32x128xf32, #tpu.memory_space<hbm>>
    %dma_start3A_136 = arith.constant 0 : i32
    %dma_start3A_137 = tpu.memref_slice %arg5[%dma_start3A_136, %multiple_of3A_129] : memref<32x1000000xf32, #tpu.memory_space<hbm>> -> memref<32x128xf32, #tpu.memory_space<hbm>>
    tpu.enqueue_dma source(%dma_start3A_137 : memref<32x128xf32, #tpu.memory_space<hbm>>) target(%arg29 : memref<32x128xf32, #tpu.memory_space<vmem>>) target_semaphore(%arg45 : memref<!tpu.dma_semaphore, #tpu.memory_space<semaphore_mem>>)
    %slice3A_138 = vector.extract_strided_slice %get3A_6 {offsets = [6], sizes = [1], strides = [1]} : vector<16xi32> to vector<1xi32>
    %squeeze3A_139 = vector.extract %slice3A_138[0] : i32 from vector<1xi32>
    %slice3A_140 = vector.extract_strided_slice %get3A_8 {offsets = [6], sizes = [1], strides = [1]} : vector<16xi32> to vector<1xi32>
    %squeeze3A_141 = vector.extract %slice3A_140[0] : i32 from vector<1xi32>
    %shift_right_logical3A_142 = arith.constant 7 : i32
    %shift_right_logical3A_143 = arith.shrui %squeeze3A_139, %shift_right_logical3A_142 : i32
    %mul3A_144 = arith.constant 128 : i32
    %mul3A_145 = arith.muli %shift_right_logical3A_143, %mul3A_144 : i32
    %multiple_of3A_146 = tpu.assume_multiple %mul3A_145, 128 : i32
    %shift_right_logical3A_147 = arith.constant 7 : i32
    %shift_right_logical3A_148 = arith.shrui %squeeze3A_141, %shift_right_logical3A_147 : i32
    %mul3A_149 = arith.constant 128 : i32
    %mul3A_150 = arith.muli %shift_right_logical3A_148, %mul3A_149 : i32
    %multiple_of3A_151 = tpu.assume_multiple %mul3A_150, 128 : i32
    %dma_start3A_152 = arith.constant 0 : i32
    %dma_start3A_153 = tpu.memref_slice %arg4[%dma_start3A_152, %multiple_of3A_146] : memref<32x1000000xf32, #tpu.memory_space<hbm>> -> memref<32x128xf32, #tpu.memory_space<hbm>>
    %dma_start3A_154 = arith.constant 0 : i32
    %dma_start3A_155 = tpu.memref_slice %arg4[%dma_start3A_154, %multiple_of3A_146] : memref<32x1000000xf32, #tpu.memory_space<hbm>> -> memref<32x128xf32, #tpu.memory_space<hbm>>
    tpu.enqueue_dma source(%dma_start3A_155 : memref<32x128xf32, #tpu.memory_space<hbm>>) target(%arg22 : memref<32x128xf32, #tpu.memory_space<vmem>>) target_semaphore(%arg38 : memref<!tpu.dma_semaphore, #tpu.memory_space<semaphore_mem>>)
    %dma_start3A_156 = arith.constant 0 : i32
    %dma_start3A_157 = tpu.memref_slice %arg5[%dma_start3A_156, %multiple_of3A_151] : memref<32x1000000xf32, #tpu.memory_space<hbm>> -> memref<32x128xf32, #tpu.memory_space<hbm>>
    %dma_start3A_158 = arith.constant 0 : i32
    %dma_start3A_159 = tpu.memref_slice %arg5[%dma_start3A_158, %multiple_of3A_151] : memref<32x1000000xf32, #tpu.memory_space<hbm>> -> memref<32x128xf32, #tpu.memory_space<hbm>>
    tpu.enqueue_dma source(%dma_start3A_159 : memref<32x128xf32, #tpu.memory_space<hbm>>) target(%arg30 : memref<32x128xf32, #tpu.memory_space<vmem>>) target_semaphore(%arg46 : memref<!tpu.dma_semaphore, #tpu.memory_space<semaphore_mem>>)
    %dma_wait3A = arith.constant 0 : i32
    %dma_wait3A_160 = tpu.memref_slice %arg6[%dma_wait3A] : memref<1000000xf32, #tpu.memory_space<hbm>> -> memref<1000000xf32, #tpu.memory_space<hbm>>
    tpu.wait_indirect_dma semaphore(%arg48 : memref<!tpu.dma_semaphore, #tpu.memory_space<semaphore_mem>>) src(%dma_wait3A_160 : memref<1000000xf32, #tpu.memory_space<hbm>>) dst(%arg12 : memref<512xf32, #tpu.memory_space<vmem>>)
    %dma_wait3A_161 = arith.constant 0 : i32
    %dma_wait3A_162 = tpu.memref_slice %arg7[%dma_wait3A_161] : memref<1000000xf32, #tpu.memory_space<hbm>> -> memref<1000000xf32, #tpu.memory_space<hbm>>
    tpu.wait_indirect_dma semaphore(%arg49 : memref<!tpu.dma_semaphore, #tpu.memory_space<semaphore_mem>>) src(%dma_wait3A_162 : memref<1000000xf32, #tpu.memory_space<hbm>>) dst(%arg13 : memref<512xf32, #tpu.memory_space<vmem>>)
    %get3A_163 = arith.constant 0 : index
    %get3A_164 = tpu.vector_load %arg14[%get3A_163] {strides = array<i32>} : memref<16xf32, #tpu.memory_space<vmem>>, vector<16xf32>,
    %iota3A = tpu.iota {dimensions = array<i32: 0>} : vector<16xi32>
    %iota3A_165 = tpu.iota {dimensions = array<i32: 0>} : vector<16xi32>
    %add3A_166 = arith.constant 16 : i32
    %add3A_167 = vector.broadcast %add3A_166 : i32 to vector<16xi32>
    %add3A_168 = arith.addi %iota3A_165, %add3A_167 : vector<16xi32>
    %broadcast_in_dim3A = arith.constant 0 : i32
    %broadcast_in_dim3A_169 = vector.broadcast %broadcast_in_dim3A : i32 to vector<16xi32>
    %scan3A = arith.constant 0 : i32
    %scan3A_170 = arith.constant 0 : i32
    %scan3A_171 = arith.constant 32 : i32
    %scan3A_172 = arith.addi %scan3A_170, %scan3A_171 : i32
    %scan3A_173 = arith.constant 1 : i32
    scf.for %scan3A_175 = %scan3A_170 to %scan3A_172 step %scan3A_173  : i32 {
      %mul3A_176 = arith.constant 16 : i32
      %mul3A_177 = arith.muli %scan3A_175, %mul3A_176 : i32
      %multiple_of3A_178 = tpu.assume_multiple %mul3A_177, 16 : i32
      %get3A_179 = arith.index_cast %multiple_of3A_178 : i32 to index
      %get3A_180 = tpu.vector_load %arg10[%get3A_179] {strides = array<i32>} : memref<512xi32, #tpu.memory_space<vmem>>, vector<16xi32>,
      %get3A_181 = arith.index_cast %multiple_of3A_178 : i32 to index
      %get3A_182 = tpu.vector_load %arg11[%get3A_181] {strides = array<i32>} : memref<512xi32, #tpu.memory_space<vmem>>, vector<16xi32>,
      %broadcast_in_dim3A_183 = arith.constant 0.000000e+00 : f32
      %broadcast_in_dim3A_184 = vector.broadcast %broadcast_in_dim3A_183 : f32 to vector<16xf32>
      %slice3A_185 = vector.extract_strided_slice %get3A_180 {offsets = [7], sizes = [1], strides = [1]} : vector<16xi32> to vector<1xi32>
      %squeeze3A_186 = vector.extract %slice3A_185[0] : i32 from vector<1xi32>
      %slice3A_187 = vector.extract_strided_slice %get3A_182 {offsets = [7], sizes = [1], strides = [1]} : vector<16xi32> to vector<1xi32>
      %squeeze3A_188 = vector.extract %slice3A_187[0] : i32 from vector<1xi32>
      %shift_right_logical3A_189 = arith.constant 7 : i32
      %shift_right_logical3A_190 = arith.shrui %squeeze3A_186, %shift_right_logical3A_189 : i32
      %mul3A_191 = arith.constant 128 : i32
      %mul3A_192 = arith.muli %shift_right_logical3A_190, %mul3A_191 : i32
      %multiple_of3A_193 = tpu.assume_multiple %mul3A_192, 128 : i32
      %shift_right_logical3A_194 = arith.constant 7 : i32
      %shift_right_logical3A_195 = arith.shrui %squeeze3A_188, %shift_right_logical3A_194 : i32
      %mul3A_196 = arith.constant 128 : i32
      %mul3A_197 = arith.muli %shift_right_logical3A_195, %mul3A_196 : i32
      %multiple_of3A_198 = tpu.assume_multiple %mul3A_197, 128 : i32
      %dma_start3A_199 = arith.constant 0 : i32
      %dma_start3A_200 = tpu.memref_slice %arg4[%dma_start3A_199, %multiple_of3A_193] : memref<32x1000000xf32, #tpu.memory_space<hbm>> -> memref<32x128xf32, #tpu.memory_space<hbm>>
      %dma_start3A_201 = arith.constant 0 : i32
      %dma_start3A_202 = tpu.memref_slice %arg4[%dma_start3A_201, %multiple_of3A_193] : memref<32x1000000xf32, #tpu.memory_space<hbm>> -> memref<32x128xf32, #tpu.memory_space<hbm>>
      tpu.enqueue_dma source(%dma_start3A_202 : memref<32x128xf32, #tpu.memory_space<hbm>>) target(%arg23 : memref<32x128xf32, #tpu.memory_space<vmem>>) target_semaphore(%arg39 : memref<!tpu.dma_semaphore, #tpu.memory_space<semaphore_mem>>)
      %dma_start3A_203 = arith.constant 0 : i32
      %dma_start3A_204 = tpu.memref_slice %arg5[%dma_start3A_203, %multiple_of3A_198] : memref<32x1000000xf32, #tpu.memory_space<hbm>> -> memref<32x128xf32, #tpu.memory_space<hbm>>
      %dma_start3A_205 = arith.constant 0 : i32
      %dma_start3A_206 = tpu.memref_slice %arg5[%dma_start3A_205, %multiple_of3A_198] : memref<32x1000000xf32, #tpu.memory_space<hbm>> -> memref<32x128xf32, #tpu.memory_space<hbm>>
      tpu.enqueue_dma source(%dma_start3A_206 : memref<32x128xf32, #tpu.memory_space<hbm>>) target(%arg31 : memref<32x128xf32, #tpu.memory_space<vmem>>) target_semaphore(%arg47 : memref<!tpu.dma_semaphore, #tpu.memory_space<semaphore_mem>>)
      %slice3A_207 = vector.extract_strided_slice %get3A_180 {offsets = [0], sizes = [1], strides = [1]} : vector<16xi32> to vector<1xi32>
      %squeeze3A_208 = vector.extract %slice3A_207[0] : i32 from vector<1xi32>
      %slice3A_209 = vector.extract_strided_slice %get3A_182 {offsets = [0], sizes = [1], strides = [1]} : vector<16xi32> to vector<1xi32>
      %squeeze3A_210 = vector.extract %slice3A_209[0] : i32 from vector<1xi32>
      %shift_right_logical3A_211 = arith.constant 7 : i32
      %shift_right_logical3A_212 = arith.shrui %squeeze3A_208, %shift_right_logical3A_211 : i32
      %mul3A_213 = arith.constant 128 : i32
      %mul3A_214 = arith.muli %shift_right_logical3A_212, %mul3A_213 : i32
      %multiple_of3A_215 = tpu.assume_multiple %mul3A_214, 128 : i32
      %shift_right_logical3A_216 = arith.constant 7 : i32
      %shift_right_logical3A_217 = arith.shrui %squeeze3A_210, %shift_right_logical3A_216 : i32
      %mul3A_218 = arith.constant 128 : i32
      %mul3A_219 = arith.muli %shift_right_logical3A_217, %mul3A_218 : i32
      %multiple_of3A_220 = tpu.assume_multiple %mul3A_219, 128 : i32
      %dma_wait3A_221 = arith.constant 0 : i32
      %dma_wait3A_222 = tpu.memref_slice %arg4[%dma_wait3A_221, %multiple_of3A_215] : memref<32x1000000xf32, #tpu.memory_space<hbm>> -> memref<32x128xf32, #tpu.memory_space<hbm>>
      %dma_wait3A_223 = arith.constant 0 : i32
      %dma_wait3A_224 = tpu.memref_slice %arg4[%dma_wait3A_223, %multiple_of3A_215] : memref<32x1000000xf32, #tpu.memory_space<hbm>> -> memref<32x128xf32, #tpu.memory_space<hbm>>
      tpu.wait_dma2 semaphore(%arg32 : memref<!tpu.dma_semaphore, #tpu.memory_space<semaphore_mem>>) src(%dma_wait3A_224 : memref<32x128xf32, #tpu.memory_space<hbm>>) dst(%arg16 : memref<32x128xf32, #tpu.memory_space<vmem>>)
      %dma_wait3A_225 = arith.constant 0 : i32
      %dma_wait3A_226 = tpu.memref_slice %arg5[%dma_wait3A_225, %multiple_of3A_220] : memref<32x1000000xf32, #tpu.memory_space<hbm>> -> memref<32x128xf32, #tpu.memory_space<hbm>>
      %dma_wait3A_227 = arith.constant 0 : i32
      %dma_wait3A_228 = tpu.memref_slice %arg5[%dma_wait3A_227, %multiple_of3A_220] : memref<32x1000000xf32, #tpu.memory_space<hbm>> -> memref<32x128xf32, #tpu.memory_space<hbm>>
      tpu.wait_dma2 semaphore(%arg40 : memref<!tpu.dma_semaphore, #tpu.memory_space<semaphore_mem>>) src(%dma_wait3A_228 : memref<32x128xf32, #tpu.memory_space<hbm>>) dst(%arg24 : memref<32x128xf32, #tpu.memory_space<vmem>>)
      %slice3A_229 = vector.extract_strided_slice %get3A_180 {offsets = [0], sizes = [1], strides = [1]} : vector<16xi32> to vector<1xi32>
      %squeeze3A_230 = vector.extract %slice3A_229[0] : i32 from vector<1xi32>
      %and3A = arith.constant 127 : i32
      %and3A_231 = arith.andi %squeeze3A_230, %and3A : i32
      %add3A_232 = vector.broadcast %and3A_231 : i32 to vector<16xi32>
      %add3A_233 = arith.addi %broadcast_in_dim3A_169, %add3A_232 : vector<16xi32>
      %slice3A_234 = vector.extract_strided_slice %get3A_182 {offsets = [0], sizes = [1], strides = [1]} : vector<16xi32> to vector<1xi32>
      %squeeze3A_235 = vector.extract %slice3A_234[0] : i32 from vector<1xi32>
      %and3A_236 = arith.constant 127 : i32
      %and3A_237 = arith.andi %squeeze3A_235, %and3A_236 : i32
      %add3A_238 = vector.broadcast %and3A_237 : i32 to vector<16xi32>
      %add3A_239 = arith.addi %broadcast_in_dim3A_169, %add3A_238 : vector<16xi32>
      %gather3A = tpu.vector_load_idx %arg16[%iota3A_165, %add3A_233] : memref<32x128xf32, #tpu.memory_space<vmem>>[vector<16xi32>, vector<16xi32>], vector<16xf32>,
      %gather3A_240 = tpu.vector_load_idx %arg16[%add3A_168, %add3A_233] : memref<32x128xf32, #tpu.memory_space<vmem>>[vector<16xi32>, vector<16xi32>], vector<16xf32>,
      %gather3A_241 = tpu.vector_load_idx %arg24[%iota3A_165, %add3A_239] : memref<32x128xf32, #tpu.memory_space<vmem>>[vector<16xi32>, vector<16xi32>], vector<16xf32>,
      %gather3A_242 = tpu.vector_load_idx %arg24[%add3A_168, %add3A_239] : memref<32x128xf32, #tpu.memory_space<vmem>>[vector<16xi32>, vector<16xi32>], vector<16xf32>,
      %mul3A_243 = arith.mulf %gather3A, %gather3A_241 : vector<16xf32>
      %mul3A_244 = arith.mulf %gather3A_240, %gather3A_242 : vector<16xf32>
      %add3A_245 = arith.addf %mul3A_243, %mul3A_244 : vector<16xf32>
      %reduce_sum3A = arith.constant true
      %reduce_sum3A_246 = vector.broadcast %reduce_sum3A : i1 to vector<16xi1>
      %reduce_sum3A_247 = tpu.scan <sum>, %add3A_245 masked %reduce_sum3A_246 : vector<16xf32>, vector<16xi1> -> vector<16xf32>
      %reduce_sum3A_248 = vector.extract %reduce_sum3A_247[15] : f32 from vector<16xf32>
      %eq3A = arith.constant 0 : i32
      %eq3A_249 = vector.broadcast %eq3A : i32 to vector<16xi32>
      %eq3A_250 = arith.cmpi eq, %iota3A, %eq3A_249 : vector<16xi32>
      %broadcast_in_dim3A_251 = vector.broadcast %reduce_sum3A_248 : f32 to vector<16xf32>
      %select_n3A = arith.select %eq3A_250, %broadcast_in_dim3A_251, %broadcast_in_dim3A_184 : vector<16xi1>, vector<16xf32>
      %slice3A_252 = vector.extract_strided_slice %get3A_180 {offsets = [8], sizes = [1], strides = [1]} : vector<16xi32> to vector<1xi32>
      %squeeze3A_253 = vector.extract %slice3A_252[0] : i32 from vector<1xi32>
      %slice3A_254 = vector.extract_strided_slice %get3A_182 {offsets = [8], sizes = [1], strides = [1]} : vector<16xi32> to vector<1xi32>
      %squeeze3A_255 = vector.extract %slice3A_254[0] : i32 from vector<1xi32>
      %shift_right_logical3A_256 = arith.constant 7 : i32
      %shift_right_logical3A_257 = arith.shrui %squeeze3A_253, %shift_right_logical3A_256 : i32
      %mul3A_258 = arith.constant 128 : i32
      %mul3A_259 = arith.muli %shift_right_logical3A_257, %mul3A_258 : i32
      %multiple_of3A_260 = tpu.assume_multiple %mul3A_259, 128 : i32
      %shift_right_logical3A_261 = arith.constant 7 : i32
      %shift_right_logical3A_262 = arith.shrui %squeeze3A_255, %shift_right_logical3A_261 : i32
      %mul3A_263 = arith.constant 128 : i32
      %mul3A_264 = arith.muli %shift_right_logical3A_262, %mul3A_263 : i32
      %multiple_of3A_265 = tpu.assume_multiple %mul3A_264, 128 : i32
      %dma_start3A_266 = arith.constant 0 : i32
      %dma_start3A_267 = tpu.memref_slice %arg4[%dma_start3A_266, %multiple_of3A_260] : memref<32x1000000xf32, #tpu.memory_space<hbm>> -> memref<32x128xf32, #tpu.memory_space<hbm>>
      %dma_start3A_268 = arith.constant 0 : i32
      %dma_start3A_269 = tpu.memref_slice %arg4[%dma_start3A_268, %multiple_of3A_260] : memref<32x1000000xf32, #tpu.memory_space<hbm>> -> memref<32x128xf32, #tpu.memory_space<hbm>>
      tpu.enqueue_dma source(%dma_start3A_269 : memref<32x128xf32, #tpu.memory_space<hbm>>) target(%arg16 : memref<32x128xf32, #tpu.memory_space<vmem>>) target_semaphore(%arg32 : memref<!tpu.dma_semaphore, #tpu.memory_space<semaphore_mem>>)
      %dma_start3A_270 = arith.constant 0 : i32
      %dma_start3A_271 = tpu.memref_slice %arg5[%dma_start3A_270, %multiple_of3A_265] : memref<32x1000000xf32, #tpu.memory_space<hbm>> -> memref<32x128xf32, #tpu.memory_space<hbm>>
      %dma_start3A_272 = arith.constant 0 : i32
      %dma_start3A_273 = tpu.memref_slice %arg5[%dma_start3A_272, %multiple_of3A_265] : memref<32x1000000xf32, #tpu.memory_space<hbm>> -> memref<32x128xf32, #tpu.memory_space<hbm>>
      tpu.enqueue_dma source(%dma_start3A_273 : memref<32x128xf32, #tpu.memory_space<hbm>>) target(%arg24 : memref<32x128xf32, #tpu.memory_space<vmem>>) target_semaphore(%arg40 : memref<!tpu.dma_semaphore, #tpu.memory_space<semaphore_mem>>)
      %slice3A_274 = vector.extract_strided_slice %get3A_180 {offsets = [1], sizes = [1], strides = [1]} : vector<16xi32> to vector<1xi32>
      %squeeze3A_275 = vector.extract %slice3A_274[0] : i32 from vector<1xi32>
      %slice3A_276 = vector.extract_strided_slice %get3A_182 {offsets = [1], sizes = [1], strides = [1]} : vector<16xi32> to vector<1xi32>
      %squeeze3A_277 = vector.extract %slice3A_276[0] : i32 from vector<1xi32>
      %shift_right_logical3A_278 = arith.constant 7 : i32
      %shift_right_logical3A_279 = arith.shrui %squeeze3A_275, %shift_right_logical3A_278 : i32
      %mul3A_280 = arith.constant 128 : i32
      %mul3A_281 = arith.muli %shift_right_logical3A_279, %mul3A_280 : i32
      %multiple_of3A_282 = tpu.assume_multiple %mul3A_281, 128 : i32
      %shift_right_logical3A_283 = arith.constant 7 : i32
      %shift_right_logical3A_284 = arith.shrui %squeeze3A_277, %shift_right_logical3A_283 : i32
      %mul3A_285 = arith.constant 128 : i32
      %mul3A_286 = arith.muli %shift_right_logical3A_284, %mul3A_285 : i32
      %multiple_of3A_287 = tpu.assume_multiple %mul3A_286, 128 : i32
      %dma_wait3A_288 = arith.constant 0 : i32
      %dma_wait3A_289 = tpu.memref_slice %arg4[%dma_wait3A_288, %multiple_of3A_282] : memref<32x1000000xf32, #tpu.memory_space<hbm>> -> memref<32x128xf32, #tpu.memory_space<hbm>>
      %dma_wait3A_290 = arith.constant 0 : i32
      %dma_wait3A_291 = tpu.memref_slice %arg4[%dma_wait3A_290, %multiple_of3A_282] : memref<32x1000000xf32, #tpu.memory_space<hbm>> -> memref<32x128xf32, #tpu.memory_space<hbm>>
      tpu.wait_dma2 semaphore(%arg33 : memref<!tpu.dma_semaphore, #tpu.memory_space<semaphore_mem>>) src(%dma_wait3A_291 : memref<32x128xf32, #tpu.memory_space<hbm>>) dst(%arg17 : memref<32x128xf32, #tpu.memory_space<vmem>>)
      %dma_wait3A_292 = arith.constant 0 : i32
      %dma_wait3A_293 = tpu.memref_slice %arg5[%dma_wait3A_292, %multiple_of3A_287] : memref<32x1000000xf32, #tpu.memory_space<hbm>> -> memref<32x128xf32, #tpu.memory_space<hbm>>
      %dma_wait3A_294 = arith.constant 0 : i32
      %dma_wait3A_295 = tpu.memref_slice %arg5[%dma_wait3A_294, %multiple_of3A_287] : memref<32x1000000xf32, #tpu.memory_space<hbm>> -> memref<32x128xf32, #tpu.memory_space<hbm>>
      tpu.wait_dma2 semaphore(%arg41 : memref<!tpu.dma_semaphore, #tpu.memory_space<semaphore_mem>>) src(%dma_wait3A_295 : memref<32x128xf32, #tpu.memory_space<hbm>>) dst(%arg25 : memref<32x128xf32, #tpu.memory_space<vmem>>)
      %slice3A_296 = vector.extract_strided_slice %get3A_180 {offsets = [1], sizes = [1], strides = [1]} : vector<16xi32> to vector<1xi32>
      %squeeze3A_297 = vector.extract %slice3A_296[0] : i32 from vector<1xi32>
      %and3A_298 = arith.constant 127 : i32
      %and3A_299 = arith.andi %squeeze3A_297, %and3A_298 : i32
      %add3A_300 = vector.broadcast %and3A_299 : i32 to vector<16xi32>
      %add3A_301 = arith.addi %broadcast_in_dim3A_169, %add3A_300 : vector<16xi32>
      %slice3A_302 = vector.extract_strided_slice %get3A_182 {offsets = [1], sizes = [1], strides = [1]} : vector<16xi32> to vector<1xi32>
      %squeeze3A_303 = vector.extract %slice3A_302[0] : i32 from vector<1xi32>
      %and3A_304 = arith.constant 127 : i32
      %and3A_305 = arith.andi %squeeze3A_303, %and3A_304 : i32
      %add3A_306 = vector.broadcast %and3A_305 : i32 to vector<16xi32>
      %add3A_307 = arith.addi %broadcast_in_dim3A_169, %add3A_306 : vector<16xi32>
      %gather3A_308 = tpu.vector_load_idx %arg17[%iota3A_165, %add3A_301] : memref<32x128xf32, #tpu.memory_space<vmem>>[vector<16xi32>, vector<16xi32>], vector<16xf32>,
      %gather3A_309 = tpu.vector_load_idx %arg17[%add3A_168, %add3A_301] : memref<32x128xf32, #tpu.memory_space<vmem>>[vector<16xi32>, vector<16xi32>], vector<16xf32>,
      %gather3A_310 = tpu.vector_load_idx %arg25[%iota3A_165, %add3A_307] : memref<32x128xf32, #tpu.memory_space<vmem>>[vector<16xi32>, vector<16xi32>], vector<16xf32>,
      %gather3A_311 = tpu.vector_load_idx %arg25[%add3A_168, %add3A_307] : memref<32x128xf32, #tpu.memory_space<vmem>>[vector<16xi32>, vector<16xi32>], vector<16xf32>,
      %mul3A_312 = arith.mulf %gather3A_308, %gather3A_310 : vector<16xf32>
      %mul3A_313 = arith.mulf %gather3A_309, %gather3A_311 : vector<16xf32>
      %add3A_314 = arith.addf %mul3A_312, %mul3A_313 : vector<16xf32>
      %reduce_sum3A_315 = arith.constant true
      %reduce_sum3A_316 = vector.broadcast %reduce_sum3A_315 : i1 to vector<16xi1>
      %reduce_sum3A_317 = tpu.scan <sum>, %add3A_314 masked %reduce_sum3A_316 : vector<16xf32>, vector<16xi1> -> vector<16xf32>
      %reduce_sum3A_318 = vector.extract %reduce_sum3A_317[15] : f32 from vector<16xf32>
      %eq3A_319 = arith.constant 1 : i32
      %eq3A_320 = vector.broadcast %eq3A_319 : i32 to vector<16xi32>
      %eq3A_321 = arith.cmpi eq, %iota3A, %eq3A_320 : vector<16xi32>
      %broadcast_in_dim3A_322 = vector.broadcast %reduce_sum3A_318 : f32 to vector<16xf32>
      %select_n3A_323 = arith.select %eq3A_321, %broadcast_in_dim3A_322, %select_n3A : vector<16xi1>, vector<16xf32>
      %slice3A_324 = vector.extract_strided_slice %get3A_180 {offsets = [9], sizes = [1], strides = [1]} : vector<16xi32> to vector<1xi32>
      %squeeze3A_325 = vector.extract %slice3A_324[0] : i32 from vector<1xi32>
      %slice3A_326 = vector.extract_strided_slice %get3A_182 {offsets = [9], sizes = [1], strides = [1]} : vector<16xi32> to vector<1xi32>
      %squeeze3A_327 = vector.extract %slice3A_326[0] : i32 from vector<1xi32>
      %shift_right_logical3A_328 = arith.constant 7 : i32
      %shift_right_logical3A_329 = arith.shrui %squeeze3A_325, %shift_right_logical3A_328 : i32
      %mul3A_330 = arith.constant 128 : i32
      %mul3A_331 = arith.muli %shift_right_logical3A_329, %mul3A_330 : i32
      %multiple_of3A_332 = tpu.assume_multiple %mul3A_331, 128 : i32
      %shift_right_logical3A_333 = arith.constant 7 : i32
      %shift_right_logical3A_334 = arith.shrui %squeeze3A_327, %shift_right_logical3A_333 : i32
      %mul3A_335 = arith.constant 128 : i32
      %mul3A_336 = arith.muli %shift_right_logical3A_334, %mul3A_335 : i32
      %multiple_of3A_337 = tpu.assume_multiple %mul3A_336, 128 : i32
      %dma_start3A_338 = arith.constant 0 : i32
      %dma_start3A_339 = tpu.memref_slice %arg4[%dma_start3A_338, %multiple_of3A_332] : memref<32x1000000xf32, #tpu.memory_space<hbm>> -> memref<32x128xf32, #tpu.memory_space<hbm>>
      %dma_start3A_340 = arith.constant 0 : i32
      %dma_start3A_341 = tpu.memref_slice %arg4[%dma_start3A_340, %multiple_of3A_332] : memref<32x1000000xf32, #tpu.memory_space<hbm>> -> memref<32x128xf32, #tpu.memory_space<hbm>>
      tpu.enqueue_dma source(%dma_start3A_341 : memref<32x128xf32, #tpu.memory_space<hbm>>) target(%arg17 : memref<32x128xf32, #tpu.memory_space<vmem>>) target_semaphore(%arg33 : memref<!tpu.dma_semaphore, #tpu.memory_space<semaphore_mem>>)
      %dma_start3A_342 = arith.constant 0 : i32
      %dma_start3A_343 = tpu.memref_slice %arg5[%dma_start3A_342, %multiple_of3A_337] : memref<32x1000000xf32, #tpu.memory_space<hbm>> -> memref<32x128xf32, #tpu.memory_space<hbm>>
      %dma_start3A_344 = arith.constant 0 : i32
      %dma_start3A_345 = tpu.memref_slice %arg5[%dma_start3A_344, %multiple_of3A_337] : memref<32x1000000xf32, #tpu.memory_space<hbm>> -> memref<32x128xf32, #tpu.memory_space<hbm>>
      tpu.enqueue_dma source(%dma_start3A_345 : memref<32x128xf32, #tpu.memory_space<hbm>>) target(%arg25 : memref<32x128xf32, #tpu.memory_space<vmem>>) target_semaphore(%arg41 : memref<!tpu.dma_semaphore, #tpu.memory_space<semaphore_mem>>)
      %slice3A_346 = vector.extract_strided_slice %get3A_180 {offsets = [2], sizes = [1], strides = [1]} : vector<16xi32> to vector<1xi32>
      %squeeze3A_347 = vector.extract %slice3A_346[0] : i32 from vector<1xi32>
      %slice3A_348 = vector.extract_strided_slice %get3A_182 {offsets = [2], sizes = [1], strides = [1]} : vector<16xi32> to vector<1xi32>
      %squeeze3A_349 = vector.extract %slice3A_348[0] : i32 from vector<1xi32>
      %shift_right_logical3A_350 = arith.constant 7 : i32
      %shift_right_logical3A_351 = arith.shrui %squeeze3A_347, %shift_right_logical3A_350 : i32
      %mul3A_352 = arith.constant 128 : i32
      %mul3A_353 = arith.muli %shift_right_logical3A_351, %mul3A_352 : i32
      %multiple_of3A_354 = tpu.assume_multiple %mul3A_353, 128 : i32
      %shift_right_logical3A_355 = arith.constant 7 : i32
      %shift_right_logical3A_356 = arith.shrui %squeeze3A_349, %shift_right_logical3A_355 : i32
      %mul3A_357 = arith.constant 128 : i32
      %mul3A_358 = arith.muli %shift_right_logical3A_356, %mul3A_357 : i32
      %multiple_of3A_359 = tpu.assume_multiple %mul3A_358, 128 : i32
      %dma_wait3A_360 = arith.constant 0 : i32
      %dma_wait3A_361 = tpu.memref_slice %arg4[%dma_wait3A_360, %multiple_of3A_354] : memref<32x1000000xf32, #tpu.memory_space<hbm>> -> memref<32x128xf32, #tpu.memory_space<hbm>>
      %dma_wait3A_362 = arith.constant 0 : i32
      %dma_wait3A_363 = tpu.memref_slice %arg4[%dma_wait3A_362, %multiple_of3A_354] : memref<32x1000000xf32, #tpu.memory_space<hbm>> -> memref<32x128xf32, #tpu.memory_space<hbm>>
      tpu.wait_dma2 semaphore(%arg34 : memref<!tpu.dma_semaphore, #tpu.memory_space<semaphore_mem>>) src(%dma_wait3A_363 : memref<32x128xf32, #tpu.memory_space<hbm>>) dst(%arg18 : memref<32x128xf32, #tpu.memory_space<vmem>>)
      %dma_wait3A_364 = arith.constant 0 : i32
      %dma_wait3A_365 = tpu.memref_slice %arg5[%dma_wait3A_364, %multiple_of3A_359] : memref<32x1000000xf32, #tpu.memory_space<hbm>> -> memref<32x128xf32, #tpu.memory_space<hbm>>
      %dma_wait3A_366 = arith.constant 0 : i32
      %dma_wait3A_367 = tpu.memref_slice %arg5[%dma_wait3A_366, %multiple_of3A_359] : memref<32x1000000xf32, #tpu.memory_space<hbm>> -> memref<32x128xf32, #tpu.memory_space<hbm>>
      tpu.wait_dma2 semaphore(%arg42 : memref<!tpu.dma_semaphore, #tpu.memory_space<semaphore_mem>>) src(%dma_wait3A_367 : memref<32x128xf32, #tpu.memory_space<hbm>>) dst(%arg26 : memref<32x128xf32, #tpu.memory_space<vmem>>)
      %slice3A_368 = vector.extract_strided_slice %get3A_180 {offsets = [2], sizes = [1], strides = [1]} : vector<16xi32> to vector<1xi32>
      %squeeze3A_369 = vector.extract %slice3A_368[0] : i32 from vector<1xi32>
      %and3A_370 = arith.constant 127 : i32
      %and3A_371 = arith.andi %squeeze3A_369, %and3A_370 : i32
      %add3A_372 = vector.broadcast %and3A_371 : i32 to vector<16xi32>
      %add3A_373 = arith.addi %broadcast_in_dim3A_169, %add3A_372 : vector<16xi32>
      %slice3A_374 = vector.extract_strided_slice %get3A_182 {offsets = [2], sizes = [1], strides = [1]} : vector<16xi32> to vector<1xi32>
      %squeeze3A_375 = vector.extract %slice3A_374[0] : i32 from vector<1xi32>
      %and3A_376 = arith.constant 127 : i32
      %and3A_377 = arith.andi %squeeze3A_375, %and3A_376 : i32
      %add3A_378 = vector.broadcast %and3A_377 : i32 to vector<16xi32>
      %add3A_379 = arith.addi %broadcast_in_dim3A_169, %add3A_378 : vector<16xi32>
      %gather3A_380 = tpu.vector_load_idx %arg18[%iota3A_165, %add3A_373] : memref<32x128xf32, #tpu.memory_space<vmem>>[vector<16xi32>, vector<16xi32>], vector<16xf32>,
      %gather3A_381 = tpu.vector_load_idx %arg18[%add3A_168, %add3A_373] : memref<32x128xf32, #tpu.memory_space<vmem>>[vector<16xi32>, vector<16xi32>], vector<16xf32>,
      %gather3A_382 = tpu.vector_load_idx %arg26[%iota3A_165, %add3A_379] : memref<32x128xf32, #tpu.memory_space<vmem>>[vector<16xi32>, vector<16xi32>], vector<16xf32>,
      %gather3A_383 = tpu.vector_load_idx %arg26[%add3A_168, %add3A_379] : memref<32x128xf32, #tpu.memory_space<vmem>>[vector<16xi32>, vector<16xi32>], vector<16xf32>,
      %mul3A_384 = arith.mulf %gather3A_380, %gather3A_382 : vector<16xf32>
      %mul3A_385 = arith.mulf %gather3A_381, %gather3A_383 : vector<16xf32>
      %add3A_386 = arith.addf %mul3A_384, %mul3A_385 : vector<16xf32>
      %reduce_sum3A_387 = arith.constant true
      %reduce_sum3A_388 = vector.broadcast %reduce_sum3A_387 : i1 to vector<16xi1>
      %reduce_sum3A_389 = tpu.scan <sum>, %add3A_386 masked %reduce_sum3A_388 : vector<16xf32>, vector<16xi1> -> vector<16xf32>
      %reduce_sum3A_390 = vector.extract %reduce_sum3A_389[15] : f32 from vector<16xf32>
      %eq3A_391 = arith.constant 2 : i32
      %eq3A_392 = vector.broadcast %eq3A_391 : i32 to vector<16xi32>
      %eq3A_393 = arith.cmpi eq, %iota3A, %eq3A_392 : vector<16xi32>
      %broadcast_in_dim3A_394 = vector.broadcast %reduce_sum3A_390 : f32 to vector<16xf32>
      %select_n3A_395 = arith.select %eq3A_393, %broadcast_in_dim3A_394, %select_n3A_323 : vector<16xi1>, vector<16xf32>
      %slice3A_396 = vector.extract_strided_slice %get3A_180 {offsets = [10], sizes = [1], strides = [1]} : vector<16xi32> to vector<1xi32>
      %squeeze3A_397 = vector.extract %slice3A_396[0] : i32 from vector<1xi32>
      %slice3A_398 = vector.extract_strided_slice %get3A_182 {offsets = [10], sizes = [1], strides = [1]} : vector<16xi32> to vector<1xi32>
      %squeeze3A_399 = vector.extract %slice3A_398[0] : i32 from vector<1xi32>
      %shift_right_logical3A_400 = arith.constant 7 : i32
      %shift_right_logical3A_401 = arith.shrui %squeeze3A_397, %shift_right_logical3A_400 : i32
      %mul3A_402 = arith.constant 128 : i32
      %mul3A_403 = arith.muli %shift_right_logical3A_401, %mul3A_402 : i32
      %multiple_of3A_404 = tpu.assume_multiple %mul3A_403, 128 : i32
      %shift_right_logical3A_405 = arith.constant 7 : i32
      %shift_right_logical3A_406 = arith.shrui %squeeze3A_399, %shift_right_logical3A_405 : i32
      %mul3A_407 = arith.constant 128 : i32
      %mul3A_408 = arith.muli %shift_right_logical3A_406, %mul3A_407 : i32
      %multiple_of3A_409 = tpu.assume_multiple %mul3A_408, 128 : i32
      %dma_start3A_410 = arith.constant 0 : i32
      %dma_start3A_411 = tpu.memref_slice %arg4[%dma_start3A_410, %multiple_of3A_404] : memref<32x1000000xf32, #tpu.memory_space<hbm>> -> memref<32x128xf32, #tpu.memory_space<hbm>>
      %dma_start3A_412 = arith.constant 0 : i32
      %dma_start3A_413 = tpu.memref_slice %arg4[%dma_start3A_412, %multiple_of3A_404] : memref<32x1000000xf32, #tpu.memory_space<hbm>> -> memref<32x128xf32, #tpu.memory_space<hbm>>
      tpu.enqueue_dma source(%dma_start3A_413 : memref<32x128xf32, #tpu.memory_space<hbm>>) target(%arg18 : memref<32x128xf32, #tpu.memory_space<vmem>>) target_semaphore(%arg34 : memref<!tpu.dma_semaphore, #tpu.memory_space<semaphore_mem>>)
      %dma_start3A_414 = arith.constant 0 : i32
      %dma_start3A_415 = tpu.memref_slice %arg5[%dma_start3A_414, %multiple_of3A_409] : memref<32x1000000xf32, #tpu.memory_space<hbm>> -> memref<32x128xf32, #tpu.memory_space<hbm>>
      %dma_start3A_416 = arith.constant 0 : i32
      %dma_start3A_417 = tpu.memref_slice %arg5[%dma_start3A_416, %multiple_of3A_409] : memref<32x1000000xf32, #tpu.memory_space<hbm>> -> memref<32x128xf32, #tpu.memory_space<hbm>>
      tpu.enqueue_dma source(%dma_start3A_417 : memref<32x128xf32, #tpu.memory_space<hbm>>) target(%arg26 : memref<32x128xf32, #tpu.memory_space<vmem>>) target_semaphore(%arg42 : memref<!tpu.dma_semaphore, #tpu.memory_space<semaphore_mem>>)
      %slice3A_418 = vector.extract_strided_slice %get3A_180 {offsets = [3], sizes = [1], strides = [1]} : vector<16xi32> to vector<1xi32>
      %squeeze3A_419 = vector.extract %slice3A_418[0] : i32 from vector<1xi32>
      %slice3A_420 = vector.extract_strided_slice %get3A_182 {offsets = [3], sizes = [1], strides = [1]} : vector<16xi32> to vector<1xi32>
      %squeeze3A_421 = vector.extract %slice3A_420[0] : i32 from vector<1xi32>
      %shift_right_logical3A_422 = arith.constant 7 : i32
      %shift_right_logical3A_423 = arith.shrui %squeeze3A_419, %shift_right_logical3A_422 : i32
      %mul3A_424 = arith.constant 128 : i32
      %mul3A_425 = arith.muli %shift_right_logical3A_423, %mul3A_424 : i32
      %multiple_of3A_426 = tpu.assume_multiple %mul3A_425, 128 : i32
      %shift_right_logical3A_427 = arith.constant 7 : i32
      %shift_right_logical3A_428 = arith.shrui %squeeze3A_421, %shift_right_logical3A_427 : i32
      %mul3A_429 = arith.constant 128 : i32
      %mul3A_430 = arith.muli %shift_right_logical3A_428, %mul3A_429 : i32
      %multiple_of3A_431 = tpu.assume_multiple %mul3A_430, 128 : i32
      %dma_wait3A_432 = arith.constant 0 : i32
      %dma_wait3A_433 = tpu.memref_slice %arg4[%dma_wait3A_432, %multiple_of3A_426] : memref<32x1000000xf32, #tpu.memory_space<hbm>> -> memref<32x128xf32, #tpu.memory_space<hbm>>
      %dma_wait3A_434 = arith.constant 0 : i32
      %dma_wait3A_435 = tpu.memref_slice %arg4[%dma_wait3A_434, %multiple_of3A_426] : memref<32x1000000xf32, #tpu.memory_space<hbm>> -> memref<32x128xf32, #tpu.memory_space<hbm>>
      tpu.wait_dma2 semaphore(%arg35 : memref<!tpu.dma_semaphore, #tpu.memory_space<semaphore_mem>>) src(%dma_wait3A_435 : memref<32x128xf32, #tpu.memory_space<hbm>>) dst(%arg19 : memref<32x128xf32, #tpu.memory_space<vmem>>)
      %dma_wait3A_436 = arith.constant 0 : i32
      %dma_wait3A_437 = tpu.memref_slice %arg5[%dma_wait3A_436, %multiple_of3A_431] : memref<32x1000000xf32, #tpu.memory_space<hbm>> -> memref<32x128xf32, #tpu.memory_space<hbm>>
      %dma_wait3A_438 = arith.constant 0 : i32
      %dma_wait3A_439 = tpu.memref_slice %arg5[%dma_wait3A_438, %multiple_of3A_431] : memref<32x1000000xf32, #tpu.memory_space<hbm>> -> memref<32x128xf32, #tpu.memory_space<hbm>>
      tpu.wait_dma2 semaphore(%arg43 : memref<!tpu.dma_semaphore, #tpu.memory_space<semaphore_mem>>) src(%dma_wait3A_439 : memref<32x128xf32, #tpu.memory_space<hbm>>) dst(%arg27 : memref<32x128xf32, #tpu.memory_space<vmem>>)
      %slice3A_440 = vector.extract_strided_slice %get3A_180 {offsets = [3], sizes = [1], strides = [1]} : vector<16xi32> to vector<1xi32>
      %squeeze3A_441 = vector.extract %slice3A_440[0] : i32 from vector<1xi32>
      %and3A_442 = arith.constant 127 : i32
      %and3A_443 = arith.andi %squeeze3A_441, %and3A_442 : i32
      %add3A_444 = vector.broadcast %and3A_443 : i32 to vector<16xi32>
      %add3A_445 = arith.addi %broadcast_in_dim3A_169, %add3A_444 : vector<16xi32>
      %slice3A_446 = vector.extract_strided_slice %get3A_182 {offsets = [3], sizes = [1], strides = [1]} : vector<16xi32> to vector<1xi32>
      %squeeze3A_447 = vector.extract %slice3A_446[0] : i32 from vector<1xi32>
      %and3A_448 = arith.constant 127 : i32
      %and3A_449 = arith.andi %squeeze3A_447, %and3A_448 : i32
      %add3A_450 = vector.broadcast %and3A_449 : i32 to vector<16xi32>
      %add3A_451 = arith.addi %broadcast_in_dim3A_169, %add3A_450 : vector<16xi32>
      %gather3A_452 = tpu.vector_load_idx %arg19[%iota3A_165, %add3A_445] : memref<32x128xf32, #tpu.memory_space<vmem>>[vector<16xi32>, vector<16xi32>], vector<16xf32>,
      %gather3A_453 = tpu.vector_load_idx %arg19[%add3A_168, %add3A_445] : memref<32x128xf32, #tpu.memory_space<vmem>>[vector<16xi32>, vector<16xi32>], vector<16xf32>,
      %gather3A_454 = tpu.vector_load_idx %arg27[%iota3A_165, %add3A_451] : memref<32x128xf32, #tpu.memory_space<vmem>>[vector<16xi32>, vector<16xi32>], vector<16xf32>,
      %gather3A_455 = tpu.vector_load_idx %arg27[%add3A_168, %add3A_451] : memref<32x128xf32, #tpu.memory_space<vmem>>[vector<16xi32>, vector<16xi32>], vector<16xf32>,
      %mul3A_456 = arith.mulf %gather3A_452, %gather3A_454 : vector<16xf32>
      %mul3A_457 = arith.mulf %gather3A_453, %gather3A_455 : vector<16xf32>
      %add3A_458 = arith.addf %mul3A_456, %mul3A_457 : vector<16xf32>
      %reduce_sum3A_459 = arith.constant true
      %reduce_sum3A_460 = vector.broadcast %reduce_sum3A_459 : i1 to vector<16xi1>
      %reduce_sum3A_461 = tpu.scan <sum>, %add3A_458 masked %reduce_sum3A_460 : vector<16xf32>, vector<16xi1> -> vector<16xf32>
      %reduce_sum3A_462 = vector.extract %reduce_sum3A_461[15] : f32 from vector<16xf32>
      %eq3A_463 = arith.constant 3 : i32
      %eq3A_464 = vector.broadcast %eq3A_463 : i32 to vector<16xi32>
      %eq3A_465 = arith.cmpi eq, %iota3A, %eq3A_464 : vector<16xi32>
      %broadcast_in_dim3A_466 = vector.broadcast %reduce_sum3A_462 : f32 to vector<16xf32>
      %select_n3A_467 = arith.select %eq3A_465, %broadcast_in_dim3A_466, %select_n3A_395 : vector<16xi1>, vector<16xf32>
      %slice3A_468 = vector.extract_strided_slice %get3A_180 {offsets = [11], sizes = [1], strides = [1]} : vector<16xi32> to vector<1xi32>
      %squeeze3A_469 = vector.extract %slice3A_468[0] : i32 from vector<1xi32>
      %slice3A_470 = vector.extract_strided_slice %get3A_182 {offsets = [11], sizes = [1], strides = [1]} : vector<16xi32> to vector<1xi32>
      %squeeze3A_471 = vector.extract %slice3A_470[0] : i32 from vector<1xi32>
      %shift_right_logical3A_472 = arith.constant 7 : i32
      %shift_right_logical3A_473 = arith.shrui %squeeze3A_469, %shift_right_logical3A_472 : i32
      %mul3A_474 = arith.constant 128 : i32
      %mul3A_475 = arith.muli %shift_right_logical3A_473, %mul3A_474 : i32
      %multiple_of3A_476 = tpu.assume_multiple %mul3A_475, 128 : i32
      %shift_right_logical3A_477 = arith.constant 7 : i32
      %shift_right_logical3A_478 = arith.shrui %squeeze3A_471, %shift_right_logical3A_477 : i32
      %mul3A_479 = arith.constant 128 : i32
      %mul3A_480 = arith.muli %shift_right_logical3A_478, %mul3A_479 : i32
      %multiple_of3A_481 = tpu.assume_multiple %mul3A_480, 128 : i32
      %dma_start3A_482 = arith.constant 0 : i32
      %dma_start3A_483 = tpu.memref_slice %arg4[%dma_start3A_482, %multiple_of3A_476] : memref<32x1000000xf32, #tpu.memory_space<hbm>> -> memref<32x128xf32, #tpu.memory_space<hbm>>
      %dma_start3A_484 = arith.constant 0 : i32
      %dma_start3A_485 = tpu.memref_slice %arg4[%dma_start3A_484, %multiple_of3A_476] : memref<32x1000000xf32, #tpu.memory_space<hbm>> -> memref<32x128xf32, #tpu.memory_space<hbm>>
      tpu.enqueue_dma source(%dma_start3A_485 : memref<32x128xf32, #tpu.memory_space<hbm>>) target(%arg19 : memref<32x128xf32, #tpu.memory_space<vmem>>) target_semaphore(%arg35 : memref<!tpu.dma_semaphore, #tpu.memory_space<semaphore_mem>>)
      %dma_start3A_486 = arith.constant 0 : i32
      %dma_start3A_487 = tpu.memref_slice %arg5[%dma_start3A_486, %multiple_of3A_481] : memref<32x1000000xf32, #tpu.memory_space<hbm>> -> memref<32x128xf32, #tpu.memory_space<hbm>>
      %dma_start3A_488 = arith.constant 0 : i32
      %dma_start3A_489 = tpu.memref_slice %arg5[%dma_start3A_488, %multiple_of3A_481] : memref<32x1000000xf32, #tpu.memory_space<hbm>> -> memref<32x128xf32, #tpu.memory_space<hbm>>
      tpu.enqueue_dma source(%dma_start3A_489 : memref<32x128xf32, #tpu.memory_space<hbm>>) target(%arg27 : memref<32x128xf32, #tpu.memory_space<vmem>>) target_semaphore(%arg43 : memref<!tpu.dma_semaphore, #tpu.memory_space<semaphore_mem>>)
      %slice3A_490 = vector.extract_strided_slice %get3A_180 {offsets = [4], sizes = [1], strides = [1]} : vector<16xi32> to vector<1xi32>
      %squeeze3A_491 = vector.extract %slice3A_490[0] : i32 from vector<1xi32>
      %slice3A_492 = vector.extract_strided_slice %get3A_182 {offsets = [4], sizes = [1], strides = [1]} : vector<16xi32> to vector<1xi32>
      %squeeze3A_493 = vector.extract %slice3A_492[0] : i32 from vector<1xi32>
      %shift_right_logical3A_494 = arith.constant 7 : i32
      %shift_right_logical3A_495 = arith.shrui %squeeze3A_491, %shift_right_logical3A_494 : i32
      %mul3A_496 = arith.constant 128 : i32
      %mul3A_497 = arith.muli %shift_right_logical3A_495, %mul3A_496 : i32
      %multiple_of3A_498 = tpu.assume_multiple %mul3A_497, 128 : i32
      %shift_right_logical3A_499 = arith.constant 7 : i32
      %shift_right_logical3A_500 = arith.shrui %squeeze3A_493, %shift_right_logical3A_499 : i32
      %mul3A_501 = arith.constant 128 : i32
      %mul3A_502 = arith.muli %shift_right_logical3A_500, %mul3A_501 : i32
      %multiple_of3A_503 = tpu.assume_multiple %mul3A_502, 128 : i32
      %dma_wait3A_504 = arith.constant 0 : i32
      %dma_wait3A_505 = tpu.memref_slice %arg4[%dma_wait3A_504, %multiple_of3A_498] : memref<32x1000000xf32, #tpu.memory_space<hbm>> -> memref<32x128xf32, #tpu.memory_space<hbm>>
      %dma_wait3A_506 = arith.constant 0 : i32
      %dma_wait3A_507 = tpu.memref_slice %arg4[%dma_wait3A_506, %multiple_of3A_498] : memref<32x1000000xf32, #tpu.memory_space<hbm>> -> memref<32x128xf32, #tpu.memory_space<hbm>>
      tpu.wait_dma2 semaphore(%arg36 : memref<!tpu.dma_semaphore, #tpu.memory_space<semaphore_mem>>) src(%dma_wait3A_507 : memref<32x128xf32, #tpu.memory_space<hbm>>) dst(%arg20 : memref<32x128xf32, #tpu.memory_space<vmem>>)
      %dma_wait3A_508 = arith.constant 0 : i32
      %dma_wait3A_509 = tpu.memref_slice %arg5[%dma_wait3A_508, %multiple_of3A_503] : memref<32x1000000xf32, #tpu.memory_space<hbm>> -> memref<32x128xf32, #tpu.memory_space<hbm>>
      %dma_wait3A_510 = arith.constant 0 : i32
      %dma_wait3A_511 = tpu.memref_slice %arg5[%dma_wait3A_510, %multiple_of3A_503] : memref<32x1000000xf32, #tpu.memory_space<hbm>> -> memref<32x128xf32, #tpu.memory_space<hbm>>
      tpu.wait_dma2 semaphore(%arg44 : memref<!tpu.dma_semaphore, #tpu.memory_space<semaphore_mem>>) src(%dma_wait3A_511 : memref<32x128xf32, #tpu.memory_space<hbm>>) dst(%arg28 : memref<32x128xf32, #tpu.memory_space<vmem>>)
      %slice3A_512 = vector.extract_strided_slice %get3A_180 {offsets = [4], sizes = [1], strides = [1]} : vector<16xi32> to vector<1xi32>
      %squeeze3A_513 = vector.extract %slice3A_512[0] : i32 from vector<1xi32>
      %and3A_514 = arith.constant 127 : i32
      %and3A_515 = arith.andi %squeeze3A_513, %and3A_514 : i32
      %add3A_516 = vector.broadcast %and3A_515 : i32 to vector<16xi32>
      %add3A_517 = arith.addi %broadcast_in_dim3A_169, %add3A_516 : vector<16xi32>
      %slice3A_518 = vector.extract_strided_slice %get3A_182 {offsets = [4], sizes = [1], strides = [1]} : vector<16xi32> to vector<1xi32>
      %squeeze3A_519 = vector.extract %slice3A_518[0] : i32 from vector<1xi32>
      %and3A_520 = arith.constant 127 : i32
      %and3A_521 = arith.andi %squeeze3A_519, %and3A_520 : i32
      %add3A_522 = vector.broadcast %and3A_521 : i32 to vector<16xi32>
      %add3A_523 = arith.addi %broadcast_in_dim3A_169, %add3A_522 : vector<16xi32>
      %gather3A_524 = tpu.vector_load_idx %arg20[%iota3A_165, %add3A_517] : memref<32x128xf32, #tpu.memory_space<vmem>>[vector<16xi32>, vector<16xi32>], vector<16xf32>,
      %gather3A_525 = tpu.vector_load_idx %arg20[%add3A_168, %add3A_517] : memref<32x128xf32, #tpu.memory_space<vmem>>[vector<16xi32>, vector<16xi32>], vector<16xf32>,
      %gather3A_526 = tpu.vector_load_idx %arg28[%iota3A_165, %add3A_523] : memref<32x128xf32, #tpu.memory_space<vmem>>[vector<16xi32>, vector<16xi32>], vector<16xf32>,
      %gather3A_527 = tpu.vector_load_idx %arg28[%add3A_168, %add3A_523] : memref<32x128xf32, #tpu.memory_space<vmem>>[vector<16xi32>, vector<16xi32>], vector<16xf32>,
      %mul3A_528 = arith.mulf %gather3A_524, %gather3A_526 : vector<16xf32>
      %mul3A_529 = arith.mulf %gather3A_525, %gather3A_527 : vector<16xf32>
      %add3A_530 = arith.addf %mul3A_528, %mul3A_529 : vector<16xf32>
      %reduce_sum3A_531 = arith.constant true
      %reduce_sum3A_532 = vector.broadcast %reduce_sum3A_531 : i1 to vector<16xi1>
      %reduce_sum3A_533 = tpu.scan <sum>, %add3A_530 masked %reduce_sum3A_532 : vector<16xf32>, vector<16xi1> -> vector<16xf32>
      %reduce_sum3A_534 = vector.extract %reduce_sum3A_533[15] : f32 from vector<16xf32>
      %eq3A_535 = arith.constant 4 : i32
      %eq3A_536 = vector.broadcast %eq3A_535 : i32 to vector<16xi32>
      %eq3A_537 = arith.cmpi eq, %iota3A, %eq3A_536 : vector<16xi32>
      %broadcast_in_dim3A_538 = vector.broadcast %reduce_sum3A_534 : f32 to vector<16xf32>
      %select_n3A_539 = arith.select %eq3A_537, %broadcast_in_dim3A_538, %select_n3A_467 : vector<16xi1>, vector<16xf32>
      %slice3A_540 = vector.extract_strided_slice %get3A_180 {offsets = [12], sizes = [1], strides = [1]} : vector<16xi32> to vector<1xi32>
      %squeeze3A_541 = vector.extract %slice3A_540[0] : i32 from vector<1xi32>
      %slice3A_542 = vector.extract_strided_slice %get3A_182 {offsets = [12], sizes = [1], strides = [1]} : vector<16xi32> to vector<1xi32>
      %squeeze3A_543 = vector.extract %slice3A_542[0] : i32 from vector<1xi32>
      %shift_right_logical3A_544 = arith.constant 7 : i32
      %shift_right_logical3A_545 = arith.shrui %squeeze3A_541, %shift_right_logical3A_544 : i32
      %mul3A_546 = arith.constant 128 : i32
      %mul3A_547 = arith.muli %shift_right_logical3A_545, %mul3A_546 : i32
      %multiple_of3A_548 = tpu.assume_multiple %mul3A_547, 128 : i32
      %shift_right_logical3A_549 = arith.constant 7 : i32
      %shift_right_logical3A_550 = arith.shrui %squeeze3A_543, %shift_right_logical3A_549 : i32
      %mul3A_551 = arith.constant 128 : i32
      %mul3A_552 = arith.muli %shift_right_logical3A_550, %mul3A_551 : i32
      %multiple_of3A_553 = tpu.assume_multiple %mul3A_552, 128 : i32
      %dma_start3A_554 = arith.constant 0 : i32
      %dma_start3A_555 = tpu.memref_slice %arg4[%dma_start3A_554, %multiple_of3A_548] : memref<32x1000000xf32, #tpu.memory_space<hbm>> -> memref<32x128xf32, #tpu.memory_space<hbm>>
      %dma_start3A_556 = arith.constant 0 : i32
      %dma_start3A_557 = tpu.memref_slice %arg4[%dma_start3A_556, %multiple_of3A_548] : memref<32x1000000xf32, #tpu.memory_space<hbm>> -> memref<32x128xf32, #tpu.memory_space<hbm>>
      tpu.enqueue_dma source(%dma_start3A_557 : memref<32x128xf32, #tpu.memory_space<hbm>>) target(%arg20 : memref<32x128xf32, #tpu.memory_space<vmem>>) target_semaphore(%arg36 : memref<!tpu.dma_semaphore, #tpu.memory_space<semaphore_mem>>)
      %dma_start3A_558 = arith.constant 0 : i32
      %dma_start3A_559 = tpu.memref_slice %arg5[%dma_start3A_558, %multiple_of3A_553] : memref<32x1000000xf32, #tpu.memory_space<hbm>> -> memref<32x128xf32, #tpu.memory_space<hbm>>
      %dma_start3A_560 = arith.constant 0 : i32
      %dma_start3A_561 = tpu.memref_slice %arg5[%dma_start3A_560, %multiple_of3A_553] : memref<32x1000000xf32, #tpu.memory_space<hbm>> -> memref<32x128xf32, #tpu.memory_space<hbm>>
      tpu.enqueue_dma source(%dma_start3A_561 : memref<32x128xf32, #tpu.memory_space<hbm>>) target(%arg28 : memref<32x128xf32, #tpu.memory_space<vmem>>) target_semaphore(%arg44 : memref<!tpu.dma_semaphore, #tpu.memory_space<semaphore_mem>>)
      %slice3A_562 = vector.extract_strided_slice %get3A_180 {offsets = [5], sizes = [1], strides = [1]} : vector<16xi32> to vector<1xi32>
      %squeeze3A_563 = vector.extract %slice3A_562[0] : i32 from vector<1xi32>
      %slice3A_564 = vector.extract_strided_slice %get3A_182 {offsets = [5], sizes = [1], strides = [1]} : vector<16xi32> to vector<1xi32>
      %squeeze3A_565 = vector.extract %slice3A_564[0] : i32 from vector<1xi32>
      %shift_right_logical3A_566 = arith.constant 7 : i32
      %shift_right_logical3A_567 = arith.shrui %squeeze3A_563, %shift_right_logical3A_566 : i32
      %mul3A_568 = arith.constant 128 : i32
      %mul3A_569 = arith.muli %shift_right_logical3A_567, %mul3A_568 : i32
      %multiple_of3A_570 = tpu.assume_multiple %mul3A_569, 128 : i32
      %shift_right_logical3A_571 = arith.constant 7 : i32
      %shift_right_logical3A_572 = arith.shrui %squeeze3A_565, %shift_right_logical3A_571 : i32
      %mul3A_573 = arith.constant 128 : i32
      %mul3A_574 = arith.muli %shift_right_logical3A_572, %mul3A_573 : i32
      %multiple_of3A_575 = tpu.assume_multiple %mul3A_574, 128 : i32
      %dma_wait3A_576 = arith.constant 0 : i32
      %dma_wait3A_577 = tpu.memref_slice %arg4[%dma_wait3A_576, %multiple_of3A_570] : memref<32x1000000xf32, #tpu.memory_space<hbm>> -> memref<32x128xf32, #tpu.memory_space<hbm>>
      %dma_wait3A_578 = arith.constant 0 : i32
      %dma_wait3A_579 = tpu.memref_slice %arg4[%dma_wait3A_578, %multiple_of3A_570] : memref<32x1000000xf32, #tpu.memory_space<hbm>> -> memref<32x128xf32, #tpu.memory_space<hbm>>
      tpu.wait_dma2 semaphore(%arg37 : memref<!tpu.dma_semaphore, #tpu.memory_space<semaphore_mem>>) src(%dma_wait3A_579 : memref<32x128xf32, #tpu.memory_space<hbm>>) dst(%arg21 : memref<32x128xf32, #tpu.memory_space<vmem>>)
      %dma_wait3A_580 = arith.constant 0 : i32
      %dma_wait3A_581 = tpu.memref_slice %arg5[%dma_wait3A_580, %multiple_of3A_575] : memref<32x1000000xf32, #tpu.memory_space<hbm>> -> memref<32x128xf32, #tpu.memory_space<hbm>>
      %dma_wait3A_582 = arith.constant 0 : i32
      %dma_wait3A_583 = tpu.memref_slice %arg5[%dma_wait3A_582, %multiple_of3A_575] : memref<32x1000000xf32, #tpu.memory_space<hbm>> -> memref<32x128xf32, #tpu.memory_space<hbm>>
      tpu.wait_dma2 semaphore(%arg45 : memref<!tpu.dma_semaphore, #tpu.memory_space<semaphore_mem>>) src(%dma_wait3A_583 : memref<32x128xf32, #tpu.memory_space<hbm>>) dst(%arg29 : memref<32x128xf32, #tpu.memory_space<vmem>>)
      %slice3A_584 = vector.extract_strided_slice %get3A_180 {offsets = [5], sizes = [1], strides = [1]} : vector<16xi32> to vector<1xi32>
      %squeeze3A_585 = vector.extract %slice3A_584[0] : i32 from vector<1xi32>
      %and3A_586 = arith.constant 127 : i32
      %and3A_587 = arith.andi %squeeze3A_585, %and3A_586 : i32
      %add3A_588 = vector.broadcast %and3A_587 : i32 to vector<16xi32>
      %add3A_589 = arith.addi %broadcast_in_dim3A_169, %add3A_588 : vector<16xi32>
      %slice3A_590 = vector.extract_strided_slice %get3A_182 {offsets = [5], sizes = [1], strides = [1]} : vector<16xi32> to vector<1xi32>
      %squeeze3A_591 = vector.extract %slice3A_590[0] : i32 from vector<1xi32>
      %and3A_592 = arith.constant 127 : i32
      %and3A_593 = arith.andi %squeeze3A_591, %and3A_592 : i32
      %add3A_594 = vector.broadcast %and3A_593 : i32 to vector<16xi32>
      %add3A_595 = arith.addi %broadcast_in_dim3A_169, %add3A_594 : vector<16xi32>
      %gather3A_596 = tpu.vector_load_idx %arg21[%iota3A_165, %add3A_589] : memref<32x128xf32, #tpu.memory_space<vmem>>[vector<16xi32>, vector<16xi32>], vector<16xf32>,
      %gather3A_597 = tpu.vector_load_idx %arg21[%add3A_168, %add3A_589] : memref<32x128xf32, #tpu.memory_space<vmem>>[vector<16xi32>, vector<16xi32>], vector<16xf32>,
      %gather3A_598 = tpu.vector_load_idx %arg29[%iota3A_165, %add3A_595] : memref<32x128xf32, #tpu.memory_space<vmem>>[vector<16xi32>, vector<16xi32>], vector<16xf32>,
      %gather3A_599 = tpu.vector_load_idx %arg29[%add3A_168, %add3A_595] : memref<32x128xf32, #tpu.memory_space<vmem>>[vector<16xi32>, vector<16xi32>], vector<16xf32>,
      %mul3A_600 = arith.mulf %gather3A_596, %gather3A_598 : vector<16xf32>
      %mul3A_601 = arith.mulf %gather3A_597, %gather3A_599 : vector<16xf32>
      %add3A_602 = arith.addf %mul3A_600, %mul3A_601 : vector<16xf32>
      %reduce_sum3A_603 = arith.constant true
      %reduce_sum3A_604 = vector.broadcast %reduce_sum3A_603 : i1 to vector<16xi1>
      %reduce_sum3A_605 = tpu.scan <sum>, %add3A_602 masked %reduce_sum3A_604 : vector<16xf32>, vector<16xi1> -> vector<16xf32>
      %reduce_sum3A_606 = vector.extract %reduce_sum3A_605[15] : f32 from vector<16xf32>
      %eq3A_607 = arith.constant 5 : i32
      %eq3A_608 = vector.broadcast %eq3A_607 : i32 to vector<16xi32>
      %eq3A_609 = arith.cmpi eq, %iota3A, %eq3A_608 : vector<16xi32>
      %broadcast_in_dim3A_610 = vector.broadcast %reduce_sum3A_606 : f32 to vector<16xf32>
      %select_n3A_611 = arith.select %eq3A_609, %broadcast_in_dim3A_610, %select_n3A_539 : vector<16xi1>, vector<16xf32>
      %slice3A_612 = vector.extract_strided_slice %get3A_180 {offsets = [13], sizes = [1], strides = [1]} : vector<16xi32> to vector<1xi32>
      %squeeze3A_613 = vector.extract %slice3A_612[0] : i32 from vector<1xi32>
      %slice3A_614 = vector.extract_strided_slice %get3A_182 {offsets = [13], sizes = [1], strides = [1]} : vector<16xi32> to vector<1xi32>
      %squeeze3A_615 = vector.extract %slice3A_614[0] : i32 from vector<1xi32>
      %shift_right_logical3A_616 = arith.constant 7 : i32
      %shift_right_logical3A_617 = arith.shrui %squeeze3A_613, %shift_right_logical3A_616 : i32
      %mul3A_618 = arith.constant 128 : i32
      %mul3A_619 = arith.muli %shift_right_logical3A_617, %mul3A_618 : i32
      %multiple_of3A_620 = tpu.assume_multiple %mul3A_619, 128 : i32
      %shift_right_logical3A_621 = arith.constant 7 : i32
      %shift_right_logical3A_622 = arith.shrui %squeeze3A_615, %shift_right_logical3A_621 : i32
      %mul3A_623 = arith.constant 128 : i32
      %mul3A_624 = arith.muli %shift_right_logical3A_622, %mul3A_623 : i32
      %multiple_of3A_625 = tpu.assume_multiple %mul3A_624, 128 : i32
      %dma_start3A_626 = arith.constant 0 : i32
      %dma_start3A_627 = tpu.memref_slice %arg4[%dma_start3A_626, %multiple_of3A_620] : memref<32x1000000xf32, #tpu.memory_space<hbm>> -> memref<32x128xf32, #tpu.memory_space<hbm>>
      %dma_start3A_628 = arith.constant 0 : i32
      %dma_start3A_629 = tpu.memref_slice %arg4[%dma_start3A_628, %multiple_of3A_620] : memref<32x1000000xf32, #tpu.memory_space<hbm>> -> memref<32x128xf32, #tpu.memory_space<hbm>>
      tpu.enqueue_dma source(%dma_start3A_629 : memref<32x128xf32, #tpu.memory_space<hbm>>) target(%arg21 : memref<32x128xf32, #tpu.memory_space<vmem>>) target_semaphore(%arg37 : memref<!tpu.dma_semaphore, #tpu.memory_space<semaphore_mem>>)
      %dma_start3A_630 = arith.constant 0 : i32
      %dma_start3A_631 = tpu.memref_slice %arg5[%dma_start3A_630, %multiple_of3A_625] : memref<32x1000000xf32, #tpu.memory_space<hbm>> -> memref<32x128xf32, #tpu.memory_space<hbm>>
      %dma_start3A_632 = arith.constant 0 : i32
      %dma_start3A_633 = tpu.memref_slice %arg5[%dma_start3A_632, %multiple_of3A_625] : memref<32x1000000xf32, #tpu.memory_space<hbm>> -> memref<32x128xf32, #tpu.memory_space<hbm>>
      tpu.enqueue_dma source(%dma_start3A_633 : memref<32x128xf32, #tpu.memory_space<hbm>>) target(%arg29 : memref<32x128xf32, #tpu.memory_space<vmem>>) target_semaphore(%arg45 : memref<!tpu.dma_semaphore, #tpu.memory_space<semaphore_mem>>)
      %slice3A_634 = vector.extract_strided_slice %get3A_180 {offsets = [6], sizes = [1], strides = [1]} : vector<16xi32> to vector<1xi32>
      %squeeze3A_635 = vector.extract %slice3A_634[0] : i32 from vector<1xi32>
      %slice3A_636 = vector.extract_strided_slice %get3A_182 {offsets = [6], sizes = [1], strides = [1]} : vector<16xi32> to vector<1xi32>
      %squeeze3A_637 = vector.extract %slice3A_636[0] : i32 from vector<1xi32>
      %shift_right_logical3A_638 = arith.constant 7 : i32
      %shift_right_logical3A_639 = arith.shrui %squeeze3A_635, %shift_right_logical3A_638 : i32
      %mul3A_640 = arith.constant 128 : i32
      %mul3A_641 = arith.muli %shift_right_logical3A_639, %mul3A_640 : i32
      %multiple_of3A_642 = tpu.assume_multiple %mul3A_641, 128 : i32
      %shift_right_logical3A_643 = arith.constant 7 : i32
      %shift_right_logical3A_644 = arith.shrui %squeeze3A_637, %shift_right_logical3A_643 : i32
      %mul3A_645 = arith.constant 128 : i32
      %mul3A_646 = arith.muli %shift_right_logical3A_644, %mul3A_645 : i32
      %multiple_of3A_647 = tpu.assume_multiple %mul3A_646, 128 : i32
      %dma_wait3A_648 = arith.constant 0 : i32
      %dma_wait3A_649 = tpu.memref_slice %arg4[%dma_wait3A_648, %multiple_of3A_642] : memref<32x1000000xf32, #tpu.memory_space<hbm>> -> memref<32x128xf32, #tpu.memory_space<hbm>>
      %dma_wait3A_650 = arith.constant 0 : i32
      %dma_wait3A_651 = tpu.memref_slice %arg4[%dma_wait3A_650, %multiple_of3A_642] : memref<32x1000000xf32, #tpu.memory_space<hbm>> -> memref<32x128xf32, #tpu.memory_space<hbm>>
      tpu.wait_dma2 semaphore(%arg38 : memref<!tpu.dma_semaphore, #tpu.memory_space<semaphore_mem>>) src(%dma_wait3A_651 : memref<32x128xf32, #tpu.memory_space<hbm>>) dst(%arg22 : memref<32x128xf32, #tpu.memory_space<vmem>>)
      %dma_wait3A_652 = arith.constant 0 : i32
      %dma_wait3A_653 = tpu.memref_slice %arg5[%dma_wait3A_652, %multiple_of3A_647] : memref<32x1000000xf32, #tpu.memory_space<hbm>> -> memref<32x128xf32, #tpu.memory_space<hbm>>
      %dma_wait3A_654 = arith.constant 0 : i32
      %dma_wait3A_655 = tpu.memref_slice %arg5[%dma_wait3A_654, %multiple_of3A_647] : memref<32x1000000xf32, #tpu.memory_space<hbm>> -> memref<32x128xf32, #tpu.memory_space<hbm>>
      tpu.wait_dma2 semaphore(%arg46 : memref<!tpu.dma_semaphore, #tpu.memory_space<semaphore_mem>>) src(%dma_wait3A_655 : memref<32x128xf32, #tpu.memory_space<hbm>>) dst(%arg30 : memref<32x128xf32, #tpu.memory_space<vmem>>)
      %slice3A_656 = vector.extract_strided_slice %get3A_180 {offsets = [6], sizes = [1], strides = [1]} : vector<16xi32> to vector<1xi32>
      %squeeze3A_657 = vector.extract %slice3A_656[0] : i32 from vector<1xi32>
      %and3A_658 = arith.constant 127 : i32
      %and3A_659 = arith.andi %squeeze3A_657, %and3A_658 : i32
      %add3A_660 = vector.broadcast %and3A_659 : i32 to vector<16xi32>
      %add3A_661 = arith.addi %broadcast_in_dim3A_169, %add3A_660 : vector<16xi32>
      %slice3A_662 = vector.extract_strided_slice %get3A_182 {offsets = [6], sizes = [1], strides = [1]} : vector<16xi32> to vector<1xi32>
      %squeeze3A_663 = vector.extract %slice3A_662[0] : i32 from vector<1xi32>
      %and3A_664 = arith.constant 127 : i32
      %and3A_665 = arith.andi %squeeze3A_663, %and3A_664 : i32
      %add3A_666 = vector.broadcast %and3A_665 : i32 to vector<16xi32>
      %add3A_667 = arith.addi %broadcast_in_dim3A_169, %add3A_666 : vector<16xi32>
      %gather3A_668 = tpu.vector_load_idx %arg22[%iota3A_165, %add3A_661] : memref<32x128xf32, #tpu.memory_space<vmem>>[vector<16xi32>, vector<16xi32>], vector<16xf32>,
      %gather3A_669 = tpu.vector_load_idx %arg22[%add3A_168, %add3A_661] : memref<32x128xf32, #tpu.memory_space<vmem>>[vector<16xi32>, vector<16xi32>], vector<16xf32>,
      %gather3A_670 = tpu.vector_load_idx %arg30[%iota3A_165, %add3A_667] : memref<32x128xf32, #tpu.memory_space<vmem>>[vector<16xi32>, vector<16xi32>], vector<16xf32>,
      %gather3A_671 = tpu.vector_load_idx %arg30[%add3A_168, %add3A_667] : memref<32x128xf32, #tpu.memory_space<vmem>>[vector<16xi32>, vector<16xi32>], vector<16xf32>,
      %mul3A_672 = arith.mulf %gather3A_668, %gather3A_670 : vector<16xf32>
      %mul3A_673 = arith.mulf %gather3A_669, %gather3A_671 : vector<16xf32>
      %add3A_674 = arith.addf %mul3A_672, %mul3A_673 : vector<16xf32>
      %reduce_sum3A_675 = arith.constant true
      %reduce_sum3A_676 = vector.broadcast %reduce_sum3A_675 : i1 to vector<16xi1>
      %reduce_sum3A_677 = tpu.scan <sum>, %add3A_674 masked %reduce_sum3A_676 : vector<16xf32>, vector<16xi1> -> vector<16xf32>
      %reduce_sum3A_678 = vector.extract %reduce_sum3A_677[15] : f32 from vector<16xf32>
      %eq3A_679 = arith.constant 6 : i32
      %eq3A_680 = vector.broadcast %eq3A_679 : i32 to vector<16xi32>
      %eq3A_681 = arith.cmpi eq, %iota3A, %eq3A_680 : vector<16xi32>
      %broadcast_in_dim3A_682 = vector.broadcast %reduce_sum3A_678 : f32 to vector<16xf32>
      %select_n3A_683 = arith.select %eq3A_681, %broadcast_in_dim3A_682, %select_n3A_611 : vector<16xi1>, vector<16xf32>
      %slice3A_684 = vector.extract_strided_slice %get3A_180 {offsets = [14], sizes = [1], strides = [1]} : vector<16xi32> to vector<1xi32>
      %squeeze3A_685 = vector.extract %slice3A_684[0] : i32 from vector<1xi32>
      %slice3A_686 = vector.extract_strided_slice %get3A_182 {offsets = [14], sizes = [1], strides = [1]} : vector<16xi32> to vector<1xi32>
      %squeeze3A_687 = vector.extract %slice3A_686[0] : i32 from vector<1xi32>
      %shift_right_logical3A_688 = arith.constant 7 : i32
      %shift_right_logical3A_689 = arith.shrui %squeeze3A_685, %shift_right_logical3A_688 : i32
      %mul3A_690 = arith.constant 128 : i32
      %mul3A_691 = arith.muli %shift_right_logical3A_689, %mul3A_690 : i32
      %multiple_of3A_692 = tpu.assume_multiple %mul3A_691, 128 : i32
      %shift_right_logical3A_693 = arith.constant 7 : i32
      %shift_right_logical3A_694 = arith.shrui %squeeze3A_687, %shift_right_logical3A_693 : i32
      %mul3A_695 = arith.constant 128 : i32
      %mul3A_696 = arith.muli %shift_right_logical3A_694, %mul3A_695 : i32
      %multiple_of3A_697 = tpu.assume_multiple %mul3A_696, 128 : i32
      %dma_start3A_698 = arith.constant 0 : i32
      %dma_start3A_699 = tpu.memref_slice %arg4[%dma_start3A_698, %multiple_of3A_692] : memref<32x1000000xf32, #tpu.memory_space<hbm>> -> memref<32x128xf32, #tpu.memory_space<hbm>>
      %dma_start3A_700 = arith.constant 0 : i32
      %dma_start3A_701 = tpu.memref_slice %arg4[%dma_start3A_700, %multiple_of3A_692] : memref<32x1000000xf32, #tpu.memory_space<hbm>> -> memref<32x128xf32, #tpu.memory_space<hbm>>
      tpu.enqueue_dma source(%dma_start3A_701 : memref<32x128xf32, #tpu.memory_space<hbm>>) target(%arg22 : memref<32x128xf32, #tpu.memory_space<vmem>>) target_semaphore(%arg38 : memref<!tpu.dma_semaphore, #tpu.memory_space<semaphore_mem>>)
      %dma_start3A_702 = arith.constant 0 : i32
      %dma_start3A_703 = tpu.memref_slice %arg5[%dma_start3A_702, %multiple_of3A_697] : memref<32x1000000xf32, #tpu.memory_space<hbm>> -> memref<32x128xf32, #tpu.memory_space<hbm>>
      %dma_start3A_704 = arith.constant 0 : i32
      %dma_start3A_705 = tpu.memref_slice %arg5[%dma_start3A_704, %multiple_of3A_697] : memref<32x1000000xf32, #tpu.memory_space<hbm>> -> memref<32x128xf32, #tpu.memory_space<hbm>>
      tpu.enqueue_dma source(%dma_start3A_705 : memref<32x128xf32, #tpu.memory_space<hbm>>) target(%arg30 : memref<32x128xf32, #tpu.memory_space<vmem>>) target_semaphore(%arg46 : memref<!tpu.dma_semaphore, #tpu.memory_space<semaphore_mem>>)
      %slice3A_706 = vector.extract_strided_slice %get3A_180 {offsets = [7], sizes = [1], strides = [1]} : vector<16xi32> to vector<1xi32>
      %squeeze3A_707 = vector.extract %slice3A_706[0] : i32 from vector<1xi32>
      %slice3A_708 = vector.extract_strided_slice %get3A_182 {offsets = [7], sizes = [1], strides = [1]} : vector<16xi32> to vector<1xi32>
      %squeeze3A_709 = vector.extract %slice3A_708[0] : i32 from vector<1xi32>
      %shift_right_logical3A_710 = arith.constant 7 : i32
      %shift_right_logical3A_711 = arith.shrui %squeeze3A_707, %shift_right_logical3A_710 : i32
      %mul3A_712 = arith.constant 128 : i32
      %mul3A_713 = arith.muli %shift_right_logical3A_711, %mul3A_712 : i32
      %multiple_of3A_714 = tpu.assume_multiple %mul3A_713, 128 : i32
      %shift_right_logical3A_715 = arith.constant 7 : i32
      %shift_right_logical3A_716 = arith.shrui %squeeze3A_709, %shift_right_logical3A_715 : i32
      %mul3A_717 = arith.constant 128 : i32
      %mul3A_718 = arith.muli %shift_right_logical3A_716, %mul3A_717 : i32
      %multiple_of3A_719 = tpu.assume_multiple %mul3A_718, 128 : i32
      %dma_wait3A_720 = arith.constant 0 : i32
      %dma_wait3A_721 = tpu.memref_slice %arg4[%dma_wait3A_720, %multiple_of3A_714] : memref<32x1000000xf32, #tpu.memory_space<hbm>> -> memref<32x128xf32, #tpu.memory_space<hbm>>
      %dma_wait3A_722 = arith.constant 0 : i32
      %dma_wait3A_723 = tpu.memref_slice %arg4[%dma_wait3A_722, %multiple_of3A_714] : memref<32x1000000xf32, #tpu.memory_space<hbm>> -> memref<32x128xf32, #tpu.memory_space<hbm>>
      tpu.wait_dma2 semaphore(%arg39 : memref<!tpu.dma_semaphore, #tpu.memory_space<semaphore_mem>>) src(%dma_wait3A_723 : memref<32x128xf32, #tpu.memory_space<hbm>>) dst(%arg23 : memref<32x128xf32, #tpu.memory_space<vmem>>)
      %dma_wait3A_724 = arith.constant 0 : i32
      %dma_wait3A_725 = tpu.memref_slice %arg5[%dma_wait3A_724, %multiple_of3A_719] : memref<32x1000000xf32, #tpu.memory_space<hbm>> -> memref<32x128xf32, #tpu.memory_space<hbm>>
      %dma_wait3A_726 = arith.constant 0 : i32
      %dma_wait3A_727 = tpu.memref_slice %arg5[%dma_wait3A_726, %multiple_of3A_719] : memref<32x1000000xf32, #tpu.memory_space<hbm>> -> memref<32x128xf32, #tpu.memory_space<hbm>>
      tpu.wait_dma2 semaphore(%arg47 : memref<!tpu.dma_semaphore, #tpu.memory_space<semaphore_mem>>) src(%dma_wait3A_727 : memref<32x128xf32, #tpu.memory_space<hbm>>) dst(%arg31 : memref<32x128xf32, #tpu.memory_space<vmem>>)
      %slice3A_728 = vector.extract_strided_slice %get3A_180 {offsets = [7], sizes = [1], strides = [1]} : vector<16xi32> to vector<1xi32>
      %squeeze3A_729 = vector.extract %slice3A_728[0] : i32 from vector<1xi32>
      %and3A_730 = arith.constant 127 : i32
      %and3A_731 = arith.andi %squeeze3A_729, %and3A_730 : i32
      %add3A_732 = vector.broadcast %and3A_731 : i32 to vector<16xi32>
      %add3A_733 = arith.addi %broadcast_in_dim3A_169, %add3A_732 : vector<16xi32>
      %slice3A_734 = vector.extract_strided_slice %get3A_182 {offsets = [7], sizes = [1], strides = [1]} : vector<16xi32> to vector<1xi32>
      %squeeze3A_735 = vector.extract %slice3A_734[0] : i32 from vector<1xi32>
      %and3A_736 = arith.constant 127 : i32
      %and3A_737 = arith.andi %squeeze3A_735, %and3A_736 : i32
      %add3A_738 = vector.broadcast %and3A_737 : i32 to vector<16xi32>
      %add3A_739 = arith.addi %broadcast_in_dim3A_169, %add3A_738 : vector<16xi32>
      %gather3A_740 = tpu.vector_load_idx %arg23[%iota3A_165, %add3A_733] : memref<32x128xf32, #tpu.memory_space<vmem>>[vector<16xi32>, vector<16xi32>], vector<16xf32>,
      %gather3A_741 = tpu.vector_load_idx %arg23[%add3A_168, %add3A_733] : memref<32x128xf32, #tpu.memory_space<vmem>>[vector<16xi32>, vector<16xi32>], vector<16xf32>,
      %gather3A_742 = tpu.vector_load_idx %arg31[%iota3A_165, %add3A_739] : memref<32x128xf32, #tpu.memory_space<vmem>>[vector<16xi32>, vector<16xi32>], vector<16xf32>,
      %gather3A_743 = tpu.vector_load_idx %arg31[%add3A_168, %add3A_739] : memref<32x128xf32, #tpu.memory_space<vmem>>[vector<16xi32>, vector<16xi32>], vector<16xf32>,
      %mul3A_744 = arith.mulf %gather3A_740, %gather3A_742 : vector<16xf32>
      %mul3A_745 = arith.mulf %gather3A_741, %gather3A_743 : vector<16xf32>
      %add3A_746 = arith.addf %mul3A_744, %mul3A_745 : vector<16xf32>
      %reduce_sum3A_747 = arith.constant true
      %reduce_sum3A_748 = vector.broadcast %reduce_sum3A_747 : i1 to vector<16xi1>
      %reduce_sum3A_749 = tpu.scan <sum>, %add3A_746 masked %reduce_sum3A_748 : vector<16xf32>, vector<16xi1> -> vector<16xf32>
      %reduce_sum3A_750 = vector.extract %reduce_sum3A_749[15] : f32 from vector<16xf32>
      %eq3A_751 = arith.constant 7 : i32
      %eq3A_752 = vector.broadcast %eq3A_751 : i32 to vector<16xi32>
      %eq3A_753 = arith.cmpi eq, %iota3A, %eq3A_752 : vector<16xi32>
      %broadcast_in_dim3A_754 = vector.broadcast %reduce_sum3A_750 : f32 to vector<16xf32>
      %select_n3A_755 = arith.select %eq3A_753, %broadcast_in_dim3A_754, %select_n3A_683 : vector<16xi1>, vector<16xf32>
      %slice3A_756 = vector.extract_strided_slice %get3A_180 {offsets = [15], sizes = [1], strides = [1]} : vector<16xi32> to vector<1xi32>
      %squeeze3A_757 = vector.extract %slice3A_756[0] : i32 from vector<1xi32>
      %slice3A_758 = vector.extract_strided_slice %get3A_182 {offsets = [15], sizes = [1], strides = [1]} : vector<16xi32> to vector<1xi32>
      %squeeze3A_759 = vector.extract %slice3A_758[0] : i32 from vector<1xi32>
      %shift_right_logical3A_760 = arith.constant 7 : i32
      %shift_right_logical3A_761 = arith.shrui %squeeze3A_757, %shift_right_logical3A_760 : i32
      %mul3A_762 = arith.constant 128 : i32
      %mul3A_763 = arith.muli %shift_right_logical3A_761, %mul3A_762 : i32
      %multiple_of3A_764 = tpu.assume_multiple %mul3A_763, 128 : i32
      %shift_right_logical3A_765 = arith.constant 7 : i32
      %shift_right_logical3A_766 = arith.shrui %squeeze3A_759, %shift_right_logical3A_765 : i32
      %mul3A_767 = arith.constant 128 : i32
      %mul3A_768 = arith.muli %shift_right_logical3A_766, %mul3A_767 : i32
      %multiple_of3A_769 = tpu.assume_multiple %mul3A_768, 128 : i32
      %dma_start3A_770 = arith.constant 0 : i32
      %dma_start3A_771 = tpu.memref_slice %arg4[%dma_start3A_770, %multiple_of3A_764] : memref<32x1000000xf32, #tpu.memory_space<hbm>> -> memref<32x128xf32, #tpu.memory_space<hbm>>
      %dma_start3A_772 = arith.constant 0 : i32
      %dma_start3A_773 = tpu.memref_slice %arg4[%dma_start3A_772, %multiple_of3A_764] : memref<32x1000000xf32, #tpu.memory_space<hbm>> -> memref<32x128xf32, #tpu.memory_space<hbm>>
      tpu.enqueue_dma source(%dma_start3A_773 : memref<32x128xf32, #tpu.memory_space<hbm>>) target(%arg23 : memref<32x128xf32, #tpu.memory_space<vmem>>) target_semaphore(%arg39 : memref<!tpu.dma_semaphore, #tpu.memory_space<semaphore_mem>>)
      %dma_start3A_774 = arith.constant 0 : i32
      %dma_start3A_775 = tpu.memref_slice %arg5[%dma_start3A_774, %multiple_of3A_769] : memref<32x1000000xf32, #tpu.memory_space<hbm>> -> memref<32x128xf32, #tpu.memory_space<hbm>>
      %dma_start3A_776 = arith.constant 0 : i32
      %dma_start3A_777 = tpu.memref_slice %arg5[%dma_start3A_776, %multiple_of3A_769] : memref<32x1000000xf32, #tpu.memory_space<hbm>> -> memref<32x128xf32, #tpu.memory_space<hbm>>
      tpu.enqueue_dma source(%dma_start3A_777 : memref<32x128xf32, #tpu.memory_space<hbm>>) target(%arg31 : memref<32x128xf32, #tpu.memory_space<vmem>>) target_semaphore(%arg47 : memref<!tpu.dma_semaphore, #tpu.memory_space<semaphore_mem>>)
      %slice3A_778 = vector.extract_strided_slice %get3A_180 {offsets = [8], sizes = [1], strides = [1]} : vector<16xi32> to vector<1xi32>
      %squeeze3A_779 = vector.extract %slice3A_778[0] : i32 from vector<1xi32>
      %slice3A_780 = vector.extract_strided_slice %get3A_182 {offsets = [8], sizes = [1], strides = [1]} : vector<16xi32> to vector<1xi32>
      %squeeze3A_781 = vector.extract %slice3A_780[0] : i32 from vector<1xi32>
      %shift_right_logical3A_782 = arith.constant 7 : i32
      %shift_right_logical3A_783 = arith.shrui %squeeze3A_779, %shift_right_logical3A_782 : i32
      %mul3A_784 = arith.constant 128 : i32
      %mul3A_785 = arith.muli %shift_right_logical3A_783, %mul3A_784 : i32
      %multiple_of3A_786 = tpu.assume_multiple %mul3A_785, 128 : i32
      %shift_right_logical3A_787 = arith.constant 7 : i32
      %shift_right_logical3A_788 = arith.shrui %squeeze3A_781, %shift_right_logical3A_787 : i32
      %mul3A_789 = arith.constant 128 : i32
      %mul3A_790 = arith.muli %shift_right_logical3A_788, %mul3A_789 : i32
      %multiple_of3A_791 = tpu.assume_multiple %mul3A_790, 128 : i32
      %dma_wait3A_792 = arith.constant 0 : i32
      %dma_wait3A_793 = tpu.memref_slice %arg4[%dma_wait3A_792, %multiple_of3A_786] : memref<32x1000000xf32, #tpu.memory_space<hbm>> -> memref<32x128xf32, #tpu.memory_space<hbm>>
      %dma_wait3A_794 = arith.constant 0 : i32
      %dma_wait3A_795 = tpu.memref_slice %arg4[%dma_wait3A_794, %multiple_of3A_786] : memref<32x1000000xf32, #tpu.memory_space<hbm>> -> memref<32x128xf32, #tpu.memory_space<hbm>>
      tpu.wait_dma2 semaphore(%arg32 : memref<!tpu.dma_semaphore, #tpu.memory_space<semaphore_mem>>) src(%dma_wait3A_795 : memref<32x128xf32, #tpu.memory_space<hbm>>) dst(%arg16 : memref<32x128xf32, #tpu.memory_space<vmem>>)
      %dma_wait3A_796 = arith.constant 0 : i32
      %dma_wait3A_797 = tpu.memref_slice %arg5[%dma_wait3A_796, %multiple_of3A_791] : memref<32x1000000xf32, #tpu.memory_space<hbm>> -> memref<32x128xf32, #tpu.memory_space<hbm>>
      %dma_wait3A_798 = arith.constant 0 : i32
      %dma_wait3A_799 = tpu.memref_slice %arg5[%dma_wait3A_798, %multiple_of3A_791] : memref<32x1000000xf32, #tpu.memory_space<hbm>> -> memref<32x128xf32, #tpu.memory_space<hbm>>
      tpu.wait_dma2 semaphore(%arg40 : memref<!tpu.dma_semaphore, #tpu.memory_space<semaphore_mem>>) src(%dma_wait3A_799 : memref<32x128xf32, #tpu.memory_space<hbm>>) dst(%arg24 : memref<32x128xf32, #tpu.memory_space<vmem>>)
      %slice3A_800 = vector.extract_strided_slice %get3A_180 {offsets = [8], sizes = [1], strides = [1]} : vector<16xi32> to vector<1xi32>
      %squeeze3A_801 = vector.extract %slice3A_800[0] : i32 from vector<1xi32>
      %and3A_802 = arith.constant 127 : i32
      %and3A_803 = arith.andi %squeeze3A_801, %and3A_802 : i32
      %add3A_804 = vector.broadcast %and3A_803 : i32 to vector<16xi32>
      %add3A_805 = arith.addi %broadcast_in_dim3A_169, %add3A_804 : vector<16xi32>
      %slice3A_806 = vector.extract_strided_slice %get3A_182 {offsets = [8], sizes = [1], strides = [1]} : vector<16xi32> to vector<1xi32>
      %squeeze3A_807 = vector.extract %slice3A_806[0] : i32 from vector<1xi32>
      %and3A_808 = arith.constant 127 : i32
      %and3A_809 = arith.andi %squeeze3A_807, %and3A_808 : i32
      %add3A_810 = vector.broadcast %and3A_809 : i32 to vector<16xi32>
      %add3A_811 = arith.addi %broadcast_in_dim3A_169, %add3A_810 : vector<16xi32>
      %gather3A_812 = tpu.vector_load_idx %arg16[%iota3A_165, %add3A_805] : memref<32x128xf32, #tpu.memory_space<vmem>>[vector<16xi32>, vector<16xi32>], vector<16xf32>,
      %gather3A_813 = tpu.vector_load_idx %arg16[%add3A_168, %add3A_805] : memref<32x128xf32, #tpu.memory_space<vmem>>[vector<16xi32>, vector<16xi32>], vector<16xf32>,
      %gather3A_814 = tpu.vector_load_idx %arg24[%iota3A_165, %add3A_811] : memref<32x128xf32, #tpu.memory_space<vmem>>[vector<16xi32>, vector<16xi32>], vector<16xf32>,
      %gather3A_815 = tpu.vector_load_idx %arg24[%add3A_168, %add3A_811] : memref<32x128xf32, #tpu.memory_space<vmem>>[vector<16xi32>, vector<16xi32>], vector<16xf32>,
      %mul3A_816 = arith.mulf %gather3A_812, %gather3A_814 : vector<16xf32>
      %mul3A_817 = arith.mulf %gather3A_813, %gather3A_815 : vector<16xf32>
      %add3A_818 = arith.addf %mul3A_816, %mul3A_817 : vector<16xf32>
      %reduce_sum3A_819 = arith.constant true
      %reduce_sum3A_820 = vector.broadcast %reduce_sum3A_819 : i1 to vector<16xi1>
      %reduce_sum3A_821 = tpu.scan <sum>, %add3A_818 masked %reduce_sum3A_820 : vector<16xf32>, vector<16xi1> -> vector<16xf32>
      %reduce_sum3A_822 = vector.extract %reduce_sum3A_821[15] : f32 from vector<16xf32>
      %eq3A_823 = arith.constant 8 : i32
      %eq3A_824 = vector.broadcast %eq3A_823 : i32 to vector<16xi32>
      %eq3A_825 = arith.cmpi eq, %iota3A, %eq3A_824 : vector<16xi32>
      %broadcast_in_dim3A_826 = vector.broadcast %reduce_sum3A_822 : f32 to vector<16xf32>
      %select_n3A_827 = arith.select %eq3A_825, %broadcast_in_dim3A_826, %select_n3A_755 : vector<16xi1>, vector<16xf32>
      %lt3A = arith.constant 31 : i32
      %lt3A_828 = arith.cmpi slt, %scan3A_175, %lt3A : i32
      %convert_element_type3A = arith.extui %lt3A_828 : i1 to i32
      %cond3A = arith.constant 0 : i32
      %cond3A_829 = arith.cmpi ne, %convert_element_type3A, %cond3A : i32
      scf.if %cond3A_829 {
        %add3A_1222 = arith.constant 1 : i32
        %add3A_1223 = arith.addi %scan3A_175, %add3A_1222 : i32
        %mul3A_1224 = arith.constant 16 : i32
        %mul3A_1225 = arith.muli %add3A_1223, %mul3A_1224 : i32
        %multiple_of3A_1226 = tpu.assume_multiple %mul3A_1225, 16 : i32
        %get3A_1227 = arith.index_cast %multiple_of3A_1226 : i32 to index
        %get3A_1228 = tpu.vector_load %arg10[%get3A_1227] {strides = array<i32>} : memref<512xi32, #tpu.memory_space<vmem>>, vector<16xi32>,
        %get3A_1229 = arith.index_cast %multiple_of3A_1226 : i32 to index
        %get3A_1230 = tpu.vector_load %arg11[%get3A_1229] {strides = array<i32>} : memref<512xi32, #tpu.memory_space<vmem>>, vector<16xi32>,
        %slice3A_1231 = vector.extract_strided_slice %get3A_1228 {offsets = [0], sizes = [1], strides = [1]} : vector<16xi32> to vector<1xi32>
        %squeeze3A_1232 = vector.extract %slice3A_1231[0] : i32 from vector<1xi32>
        %slice3A_1233 = vector.extract_strided_slice %get3A_1230 {offsets = [0], sizes = [1], strides = [1]} : vector<16xi32> to vector<1xi32>
        %squeeze3A_1234 = vector.extract %slice3A_1233[0] : i32 from vector<1xi32>
        %shift_right_logical3A_1235 = arith.constant 7 : i32
        %shift_right_logical3A_1236 = arith.shrui %squeeze3A_1232, %shift_right_logical3A_1235 : i32
        %mul3A_1237 = arith.constant 128 : i32
        %mul3A_1238 = arith.muli %shift_right_logical3A_1236, %mul3A_1237 : i32
        %multiple_of3A_1239 = tpu.assume_multiple %mul3A_1238, 128 : i32
        %shift_right_logical3A_1240 = arith.constant 7 : i32
        %shift_right_logical3A_1241 = arith.shrui %squeeze3A_1234, %shift_right_logical3A_1240 : i32
        %mul3A_1242 = arith.constant 128 : i32
        %mul3A_1243 = arith.muli %shift_right_logical3A_1241, %mul3A_1242 : i32
        %multiple_of3A_1244 = tpu.assume_multiple %mul3A_1243, 128 : i32
        %dma_start3A_1245 = arith.constant 0 : i32
        %dma_start3A_1246 = tpu.memref_slice %arg4[%dma_start3A_1245, %multiple_of3A_1239] : memref<32x1000000xf32, #tpu.memory_space<hbm>> -> memref<32x128xf32, #tpu.memory_space<hbm>>
        %dma_start3A_1247 = arith.constant 0 : i32
        %dma_start3A_1248 = tpu.memref_slice %arg4[%dma_start3A_1247, %multiple_of3A_1239] : memref<32x1000000xf32, #tpu.memory_space<hbm>> -> memref<32x128xf32, #tpu.memory_space<hbm>>
        tpu.enqueue_dma source(%dma_start3A_1248 : memref<32x128xf32, #tpu.memory_space<hbm>>) target(%arg16 : memref<32x128xf32, #tpu.memory_space<vmem>>) target_semaphore(%arg32 : memref<!tpu.dma_semaphore, #tpu.memory_space<semaphore_mem>>)
        %dma_start3A_1249 = arith.constant 0 : i32
        %dma_start3A_1250 = tpu.memref_slice %arg5[%dma_start3A_1249, %multiple_of3A_1244] : memref<32x1000000xf32, #tpu.memory_space<hbm>> -> memref<32x128xf32, #tpu.memory_space<hbm>>
        %dma_start3A_1251 = arith.constant 0 : i32
        %dma_start3A_1252 = tpu.memref_slice %arg5[%dma_start3A_1251, %multiple_of3A_1244] : memref<32x1000000xf32, #tpu.memory_space<hbm>> -> memref<32x128xf32, #tpu.memory_space<hbm>>
        tpu.enqueue_dma source(%dma_start3A_1252 : memref<32x128xf32, #tpu.memory_space<hbm>>) target(%arg24 : memref<32x128xf32, #tpu.memory_space<vmem>>) target_semaphore(%arg40 : memref<!tpu.dma_semaphore, #tpu.memory_space<semaphore_mem>>)
      } else {
      }
      %slice3A_830 = vector.extract_strided_slice %get3A_180 {offsets = [9], sizes = [1], strides = [1]} : vector<16xi32> to vector<1xi32>
      %squeeze3A_831 = vector.extract %slice3A_830[0] : i32 from vector<1xi32>
      %slice3A_832 = vector.extract_strided_slice %get3A_182 {offsets = [9], sizes = [1], strides = [1]} : vector<16xi32> to vector<1xi32>
      %squeeze3A_833 = vector.extract %slice3A_832[0] : i32 from vector<1xi32>
      %shift_right_logical3A_834 = arith.constant 7 : i32
      %shift_right_logical3A_835 = arith.shrui %squeeze3A_831, %shift_right_logical3A_834 : i32
      %mul3A_836 = arith.constant 128 : i32
      %mul3A_837 = arith.muli %shift_right_logical3A_835, %mul3A_836 : i32
      %multiple_of3A_838 = tpu.assume_multiple %mul3A_837, 128 : i32
      %shift_right_logical3A_839 = arith.constant 7 : i32
      %shift_right_logical3A_840 = arith.shrui %squeeze3A_833, %shift_right_logical3A_839 : i32
      %mul3A_841 = arith.constant 128 : i32
      %mul3A_842 = arith.muli %shift_right_logical3A_840, %mul3A_841 : i32
      %multiple_of3A_843 = tpu.assume_multiple %mul3A_842, 128 : i32
      %dma_wait3A_844 = arith.constant 0 : i32
      %dma_wait3A_845 = tpu.memref_slice %arg4[%dma_wait3A_844, %multiple_of3A_838] : memref<32x1000000xf32, #tpu.memory_space<hbm>> -> memref<32x128xf32, #tpu.memory_space<hbm>>
      %dma_wait3A_846 = arith.constant 0 : i32
      %dma_wait3A_847 = tpu.memref_slice %arg4[%dma_wait3A_846, %multiple_of3A_838] : memref<32x1000000xf32, #tpu.memory_space<hbm>> -> memref<32x128xf32, #tpu.memory_space<hbm>>
      tpu.wait_dma2 semaphore(%arg33 : memref<!tpu.dma_semaphore, #tpu.memory_space<semaphore_mem>>) src(%dma_wait3A_847 : memref<32x128xf32, #tpu.memory_space<hbm>>) dst(%arg17 : memref<32x128xf32, #tpu.memory_space<vmem>>)
      %dma_wait3A_848 = arith.constant 0 : i32
      %dma_wait3A_849 = tpu.memref_slice %arg5[%dma_wait3A_848, %multiple_of3A_843] : memref<32x1000000xf32, #tpu.memory_space<hbm>> -> memref<32x128xf32, #tpu.memory_space<hbm>>
      %dma_wait3A_850 = arith.constant 0 : i32
      %dma_wait3A_851 = tpu.memref_slice %arg5[%dma_wait3A_850, %multiple_of3A_843] : memref<32x1000000xf32, #tpu.memory_space<hbm>> -> memref<32x128xf32, #tpu.memory_space<hbm>>
      tpu.wait_dma2 semaphore(%arg41 : memref<!tpu.dma_semaphore, #tpu.memory_space<semaphore_mem>>) src(%dma_wait3A_851 : memref<32x128xf32, #tpu.memory_space<hbm>>) dst(%arg25 : memref<32x128xf32, #tpu.memory_space<vmem>>)
      %slice3A_852 = vector.extract_strided_slice %get3A_180 {offsets = [9], sizes = [1], strides = [1]} : vector<16xi32> to vector<1xi32>
      %squeeze3A_853 = vector.extract %slice3A_852[0] : i32 from vector<1xi32>
      %and3A_854 = arith.constant 127 : i32
      %and3A_855 = arith.andi %squeeze3A_853, %and3A_854 : i32
      %add3A_856 = vector.broadcast %and3A_855 : i32 to vector<16xi32>
      %add3A_857 = arith.addi %broadcast_in_dim3A_169, %add3A_856 : vector<16xi32>
      %slice3A_858 = vector.extract_strided_slice %get3A_182 {offsets = [9], sizes = [1], strides = [1]} : vector<16xi32> to vector<1xi32>
      %squeeze3A_859 = vector.extract %slice3A_858[0] : i32 from vector<1xi32>
      %and3A_860 = arith.constant 127 : i32
      %and3A_861 = arith.andi %squeeze3A_859, %and3A_860 : i32
      %add3A_862 = vector.broadcast %and3A_861 : i32 to vector<16xi32>
      %add3A_863 = arith.addi %broadcast_in_dim3A_169, %add3A_862 : vector<16xi32>
      %gather3A_864 = tpu.vector_load_idx %arg17[%iota3A_165, %add3A_857] : memref<32x128xf32, #tpu.memory_space<vmem>>[vector<16xi32>, vector<16xi32>], vector<16xf32>,
      %gather3A_865 = tpu.vector_load_idx %arg17[%add3A_168, %add3A_857] : memref<32x128xf32, #tpu.memory_space<vmem>>[vector<16xi32>, vector<16xi32>], vector<16xf32>,
      %gather3A_866 = tpu.vector_load_idx %arg25[%iota3A_165, %add3A_863] : memref<32x128xf32, #tpu.memory_space<vmem>>[vector<16xi32>, vector<16xi32>], vector<16xf32>,
      %gather3A_867 = tpu.vector_load_idx %arg25[%add3A_168, %add3A_863] : memref<32x128xf32, #tpu.memory_space<vmem>>[vector<16xi32>, vector<16xi32>], vector<16xf32>,
      %mul3A_868 = arith.mulf %gather3A_864, %gather3A_866 : vector<16xf32>
      %mul3A_869 = arith.mulf %gather3A_865, %gather3A_867 : vector<16xf32>
      %add3A_870 = arith.addf %mul3A_868, %mul3A_869 : vector<16xf32>
      %reduce_sum3A_871 = arith.constant true
      %reduce_sum3A_872 = vector.broadcast %reduce_sum3A_871 : i1 to vector<16xi1>
      %reduce_sum3A_873 = tpu.scan <sum>, %add3A_870 masked %reduce_sum3A_872 : vector<16xf32>, vector<16xi1> -> vector<16xf32>
      %reduce_sum3A_874 = vector.extract %reduce_sum3A_873[15] : f32 from vector<16xf32>
      %eq3A_875 = arith.constant 9 : i32
      %eq3A_876 = vector.broadcast %eq3A_875 : i32 to vector<16xi32>
      %eq3A_877 = arith.cmpi eq, %iota3A, %eq3A_876 : vector<16xi32>
      %broadcast_in_dim3A_878 = vector.broadcast %reduce_sum3A_874 : f32 to vector<16xf32>
      %select_n3A_879 = arith.select %eq3A_877, %broadcast_in_dim3A_878, %select_n3A_827 : vector<16xi1>, vector<16xf32>
      %lt3A_880 = arith.constant 31 : i32
      %lt3A_881 = arith.cmpi slt, %scan3A_175, %lt3A_880 : i32
      %convert_element_type3A_882 = arith.extui %lt3A_881 : i1 to i32
      %cond3A_883 = arith.constant 0 : i32
      %cond3A_884 = arith.cmpi ne, %convert_element_type3A_882, %cond3A_883 : i32
      scf.if %cond3A_884 {
        %add3A_1222 = arith.constant 1 : i32
        %add3A_1223 = arith.addi %scan3A_175, %add3A_1222 : i32
        %mul3A_1224 = arith.constant 16 : i32
        %mul3A_1225 = arith.muli %add3A_1223, %mul3A_1224 : i32
        %multiple_of3A_1226 = tpu.assume_multiple %mul3A_1225, 16 : i32
        %get3A_1227 = arith.index_cast %multiple_of3A_1226 : i32 to index
        %get3A_1228 = tpu.vector_load %arg10[%get3A_1227] {strides = array<i32>} : memref<512xi32, #tpu.memory_space<vmem>>, vector<16xi32>,
        %get3A_1229 = arith.index_cast %multiple_of3A_1226 : i32 to index
        %get3A_1230 = tpu.vector_load %arg11[%get3A_1229] {strides = array<i32>} : memref<512xi32, #tpu.memory_space<vmem>>, vector<16xi32>,
        %slice3A_1231 = vector.extract_strided_slice %get3A_1228 {offsets = [1], sizes = [1], strides = [1]} : vector<16xi32> to vector<1xi32>
        %squeeze3A_1232 = vector.extract %slice3A_1231[0] : i32 from vector<1xi32>
        %slice3A_1233 = vector.extract_strided_slice %get3A_1230 {offsets = [1], sizes = [1], strides = [1]} : vector<16xi32> to vector<1xi32>
        %squeeze3A_1234 = vector.extract %slice3A_1233[0] : i32 from vector<1xi32>
        %shift_right_logical3A_1235 = arith.constant 7 : i32
        %shift_right_logical3A_1236 = arith.shrui %squeeze3A_1232, %shift_right_logical3A_1235 : i32
        %mul3A_1237 = arith.constant 128 : i32
        %mul3A_1238 = arith.muli %shift_right_logical3A_1236, %mul3A_1237 : i32
        %multiple_of3A_1239 = tpu.assume_multiple %mul3A_1238, 128 : i32
        %shift_right_logical3A_1240 = arith.constant 7 : i32
        %shift_right_logical3A_1241 = arith.shrui %squeeze3A_1234, %shift_right_logical3A_1240 : i32
        %mul3A_1242 = arith.constant 128 : i32
        %mul3A_1243 = arith.muli %shift_right_logical3A_1241, %mul3A_1242 : i32
        %multiple_of3A_1244 = tpu.assume_multiple %mul3A_1243, 128 : i32
        %dma_start3A_1245 = arith.constant 0 : i32
        %dma_start3A_1246 = tpu.memref_slice %arg4[%dma_start3A_1245, %multiple_of3A_1239] : memref<32x1000000xf32, #tpu.memory_space<hbm>> -> memref<32x128xf32, #tpu.memory_space<hbm>>
        %dma_start3A_1247 = arith.constant 0 : i32
        %dma_start3A_1248 = tpu.memref_slice %arg4[%dma_start3A_1247, %multiple_of3A_1239] : memref<32x1000000xf32, #tpu.memory_space<hbm>> -> memref<32x128xf32, #tpu.memory_space<hbm>>
        tpu.enqueue_dma source(%dma_start3A_1248 : memref<32x128xf32, #tpu.memory_space<hbm>>) target(%arg17 : memref<32x128xf32, #tpu.memory_space<vmem>>) target_semaphore(%arg33 : memref<!tpu.dma_semaphore, #tpu.memory_space<semaphore_mem>>)
        %dma_start3A_1249 = arith.constant 0 : i32
        %dma_start3A_1250 = tpu.memref_slice %arg5[%dma_start3A_1249, %multiple_of3A_1244] : memref<32x1000000xf32, #tpu.memory_space<hbm>> -> memref<32x128xf32, #tpu.memory_space<hbm>>
        %dma_start3A_1251 = arith.constant 0 : i32
        %dma_start3A_1252 = tpu.memref_slice %arg5[%dma_start3A_1251, %multiple_of3A_1244] : memref<32x1000000xf32, #tpu.memory_space<hbm>> -> memref<32x128xf32, #tpu.memory_space<hbm>>
        tpu.enqueue_dma source(%dma_start3A_1252 : memref<32x128xf32, #tpu.memory_space<hbm>>) target(%arg25 : memref<32x128xf32, #tpu.memory_space<vmem>>) target_semaphore(%arg41 : memref<!tpu.dma_semaphore, #tpu.memory_space<semaphore_mem>>)
      } else {
      }
      %slice3A_885 = vector.extract_strided_slice %get3A_180 {offsets = [10], sizes = [1], strides = [1]} : vector<16xi32> to vector<1xi32>
      %squeeze3A_886 = vector.extract %slice3A_885[0] : i32 from vector<1xi32>
      %slice3A_887 = vector.extract_strided_slice %get3A_182 {offsets = [10], sizes = [1], strides = [1]} : vector<16xi32> to vector<1xi32>
      %squeeze3A_888 = vector.extract %slice3A_887[0] : i32 from vector<1xi32>
      %shift_right_logical3A_889 = arith.constant 7 : i32
      %shift_right_logical3A_890 = arith.shrui %squeeze3A_886, %shift_right_logical3A_889 : i32
      %mul3A_891 = arith.constant 128 : i32
      %mul3A_892 = arith.muli %shift_right_logical3A_890, %mul3A_891 : i32
      %multiple_of3A_893 = tpu.assume_multiple %mul3A_892, 128 : i32
      %shift_right_logical3A_894 = arith.constant 7 : i32
      %shift_right_logical3A_895 = arith.shrui %squeeze3A_888, %shift_right_logical3A_894 : i32
      %mul3A_896 = arith.constant 128 : i32
      %mul3A_897 = arith.muli %shift_right_logical3A_895, %mul3A_896 : i32
      %multiple_of3A_898 = tpu.assume_multiple %mul3A_897, 128 : i32
      %dma_wait3A_899 = arith.constant 0 : i32
      %dma_wait3A_900 = tpu.memref_slice %arg4[%dma_wait3A_899, %multiple_of3A_893] : memref<32x1000000xf32, #tpu.memory_space<hbm>> -> memref<32x128xf32, #tpu.memory_space<hbm>>
      %dma_wait3A_901 = arith.constant 0 : i32
      %dma_wait3A_902 = tpu.memref_slice %arg4[%dma_wait3A_901, %multiple_of3A_893] : memref<32x1000000xf32, #tpu.memory_space<hbm>> -> memref<32x128xf32, #tpu.memory_space<hbm>>
      tpu.wait_dma2 semaphore(%arg34 : memref<!tpu.dma_semaphore, #tpu.memory_space<semaphore_mem>>) src(%dma_wait3A_902 : memref<32x128xf32, #tpu.memory_space<hbm>>) dst(%arg18 : memref<32x128xf32, #tpu.memory_space<vmem>>)
      %dma_wait3A_903 = arith.constant 0 : i32
      %dma_wait3A_904 = tpu.memref_slice %arg5[%dma_wait3A_903, %multiple_of3A_898] : memref<32x1000000xf32, #tpu.memory_space<hbm>> -> memref<32x128xf32, #tpu.memory_space<hbm>>
      %dma_wait3A_905 = arith.constant 0 : i32
      %dma_wait3A_906 = tpu.memref_slice %arg5[%dma_wait3A_905, %multiple_of3A_898] : memref<32x1000000xf32, #tpu.memory_space<hbm>> -> memref<32x128xf32, #tpu.memory_space<hbm>>
      tpu.wait_dma2 semaphore(%arg42 : memref<!tpu.dma_semaphore, #tpu.memory_space<semaphore_mem>>) src(%dma_wait3A_906 : memref<32x128xf32, #tpu.memory_space<hbm>>) dst(%arg26 : memref<32x128xf32, #tpu.memory_space<vmem>>)
      %slice3A_907 = vector.extract_strided_slice %get3A_180 {offsets = [10], sizes = [1], strides = [1]} : vector<16xi32> to vector<1xi32>
      %squeeze3A_908 = vector.extract %slice3A_907[0] : i32 from vector<1xi32>
      %and3A_909 = arith.constant 127 : i32
      %and3A_910 = arith.andi %squeeze3A_908, %and3A_909 : i32
      %add3A_911 = vector.broadcast %and3A_910 : i32 to vector<16xi32>
      %add3A_912 = arith.addi %broadcast_in_dim3A_169, %add3A_911 : vector<16xi32>
      %slice3A_913 = vector.extract_strided_slice %get3A_182 {offsets = [10], sizes = [1], strides = [1]} : vector<16xi32> to vector<1xi32>
      %squeeze3A_914 = vector.extract %slice3A_913[0] : i32 from vector<1xi32>
      %and3A_915 = arith.constant 127 : i32
      %and3A_916 = arith.andi %squeeze3A_914, %and3A_915 : i32
      %add3A_917 = vector.broadcast %and3A_916 : i32 to vector<16xi32>
      %add3A_918 = arith.addi %broadcast_in_dim3A_169, %add3A_917 : vector<16xi32>
      %gather3A_919 = tpu.vector_load_idx %arg18[%iota3A_165, %add3A_912] : memref<32x128xf32, #tpu.memory_space<vmem>>[vector<16xi32>, vector<16xi32>], vector<16xf32>,
      %gather3A_920 = tpu.vector_load_idx %arg18[%add3A_168, %add3A_912] : memref<32x128xf32, #tpu.memory_space<vmem>>[vector<16xi32>, vector<16xi32>], vector<16xf32>,
      %gather3A_921 = tpu.vector_load_idx %arg26[%iota3A_165, %add3A_918] : memref<32x128xf32, #tpu.memory_space<vmem>>[vector<16xi32>, vector<16xi32>], vector<16xf32>,
      %gather3A_922 = tpu.vector_load_idx %arg26[%add3A_168, %add3A_918] : memref<32x128xf32, #tpu.memory_space<vmem>>[vector<16xi32>, vector<16xi32>], vector<16xf32>,
      %mul3A_923 = arith.mulf %gather3A_919, %gather3A_921 : vector<16xf32>
      %mul3A_924 = arith.mulf %gather3A_920, %gather3A_922 : vector<16xf32>
      %add3A_925 = arith.addf %mul3A_923, %mul3A_924 : vector<16xf32>
      %reduce_sum3A_926 = arith.constant true
      %reduce_sum3A_927 = vector.broadcast %reduce_sum3A_926 : i1 to vector<16xi1>
      %reduce_sum3A_928 = tpu.scan <sum>, %add3A_925 masked %reduce_sum3A_927 : vector<16xf32>, vector<16xi1> -> vector<16xf32>
      %reduce_sum3A_929 = vector.extract %reduce_sum3A_928[15] : f32 from vector<16xf32>
      %eq3A_930 = arith.constant 10 : i32
      %eq3A_931 = vector.broadcast %eq3A_930 : i32 to vector<16xi32>
      %eq3A_932 = arith.cmpi eq, %iota3A, %eq3A_931 : vector<16xi32>
      %broadcast_in_dim3A_933 = vector.broadcast %reduce_sum3A_929 : f32 to vector<16xf32>
      %select_n3A_934 = arith.select %eq3A_932, %broadcast_in_dim3A_933, %select_n3A_879 : vector<16xi1>, vector<16xf32>
      %lt3A_935 = arith.constant 31 : i32
      %lt3A_936 = arith.cmpi slt, %scan3A_175, %lt3A_935 : i32
      %convert_element_type3A_937 = arith.extui %lt3A_936 : i1 to i32
      %cond3A_938 = arith.constant 0 : i32
      %cond3A_939 = arith.cmpi ne, %convert_element_type3A_937, %cond3A_938 : i32
      scf.if %cond3A_939 {
        %add3A_1222 = arith.constant 1 : i32
        %add3A_1223 = arith.addi %scan3A_175, %add3A_1222 : i32
        %mul3A_1224 = arith.constant 16 : i32
        %mul3A_1225 = arith.muli %add3A_1223, %mul3A_1224 : i32
        %multiple_of3A_1226 = tpu.assume_multiple %mul3A_1225, 16 : i32
        %get3A_1227 = arith.index_cast %multiple_of3A_1226 : i32 to index
        %get3A_1228 = tpu.vector_load %arg10[%get3A_1227] {strides = array<i32>} : memref<512xi32, #tpu.memory_space<vmem>>, vector<16xi32>,
        %get3A_1229 = arith.index_cast %multiple_of3A_1226 : i32 to index
        %get3A_1230 = tpu.vector_load %arg11[%get3A_1229] {strides = array<i32>} : memref<512xi32, #tpu.memory_space<vmem>>, vector<16xi32>,
        %slice3A_1231 = vector.extract_strided_slice %get3A_1228 {offsets = [2], sizes = [1], strides = [1]} : vector<16xi32> to vector<1xi32>
        %squeeze3A_1232 = vector.extract %slice3A_1231[0] : i32 from vector<1xi32>
        %slice3A_1233 = vector.extract_strided_slice %get3A_1230 {offsets = [2], sizes = [1], strides = [1]} : vector<16xi32> to vector<1xi32>
        %squeeze3A_1234 = vector.extract %slice3A_1233[0] : i32 from vector<1xi32>
        %shift_right_logical3A_1235 = arith.constant 7 : i32
        %shift_right_logical3A_1236 = arith.shrui %squeeze3A_1232, %shift_right_logical3A_1235 : i32
        %mul3A_1237 = arith.constant 128 : i32
        %mul3A_1238 = arith.muli %shift_right_logical3A_1236, %mul3A_1237 : i32
        %multiple_of3A_1239 = tpu.assume_multiple %mul3A_1238, 128 : i32
        %shift_right_logical3A_1240 = arith.constant 7 : i32
        %shift_right_logical3A_1241 = arith.shrui %squeeze3A_1234, %shift_right_logical3A_1240 : i32
        %mul3A_1242 = arith.constant 128 : i32
        %mul3A_1243 = arith.muli %shift_right_logical3A_1241, %mul3A_1242 : i32
        %multiple_of3A_1244 = tpu.assume_multiple %mul3A_1243, 128 : i32
        %dma_start3A_1245 = arith.constant 0 : i32
        %dma_start3A_1246 = tpu.memref_slice %arg4[%dma_start3A_1245, %multiple_of3A_1239] : memref<32x1000000xf32, #tpu.memory_space<hbm>> -> memref<32x128xf32, #tpu.memory_space<hbm>>
        %dma_start3A_1247 = arith.constant 0 : i32
        %dma_start3A_1248 = tpu.memref_slice %arg4[%dma_start3A_1247, %multiple_of3A_1239] : memref<32x1000000xf32, #tpu.memory_space<hbm>> -> memref<32x128xf32, #tpu.memory_space<hbm>>
        tpu.enqueue_dma source(%dma_start3A_1248 : memref<32x128xf32, #tpu.memory_space<hbm>>) target(%arg18 : memref<32x128xf32, #tpu.memory_space<vmem>>) target_semaphore(%arg34 : memref<!tpu.dma_semaphore, #tpu.memory_space<semaphore_mem>>)
        %dma_start3A_1249 = arith.constant 0 : i32
        %dma_start3A_1250 = tpu.memref_slice %arg5[%dma_start3A_1249, %multiple_of3A_1244] : memref<32x1000000xf32, #tpu.memory_space<hbm>> -> memref<32x128xf32, #tpu.memory_space<hbm>>
        %dma_start3A_1251 = arith.constant 0 : i32
        %dma_start3A_1252 = tpu.memref_slice %arg5[%dma_start3A_1251, %multiple_of3A_1244] : memref<32x1000000xf32, #tpu.memory_space<hbm>> -> memref<32x128xf32, #tpu.memory_space<hbm>>
        tpu.enqueue_dma source(%dma_start3A_1252 : memref<32x128xf32, #tpu.memory_space<hbm>>) target(%arg26 : memref<32x128xf32, #tpu.memory_space<vmem>>) target_semaphore(%arg42 : memref<!tpu.dma_semaphore, #tpu.memory_space<semaphore_mem>>)
      } else {
      }
      %slice3A_940 = vector.extract_strided_slice %get3A_180 {offsets = [11], sizes = [1], strides = [1]} : vector<16xi32> to vector<1xi32>
      %squeeze3A_941 = vector.extract %slice3A_940[0] : i32 from vector<1xi32>
      %slice3A_942 = vector.extract_strided_slice %get3A_182 {offsets = [11], sizes = [1], strides = [1]} : vector<16xi32> to vector<1xi32>
      %squeeze3A_943 = vector.extract %slice3A_942[0] : i32 from vector<1xi32>
      %shift_right_logical3A_944 = arith.constant 7 : i32
      %shift_right_logical3A_945 = arith.shrui %squeeze3A_941, %shift_right_logical3A_944 : i32
      %mul3A_946 = arith.constant 128 : i32
      %mul3A_947 = arith.muli %shift_right_logical3A_945, %mul3A_946 : i32
      %multiple_of3A_948 = tpu.assume_multiple %mul3A_947, 128 : i32
      %shift_right_logical3A_949 = arith.constant 7 : i32
      %shift_right_logical3A_950 = arith.shrui %squeeze3A_943, %shift_right_logical3A_949 : i32
      %mul3A_951 = arith.constant 128 : i32
      %mul3A_952 = arith.muli %shift_right_logical3A_950, %mul3A_951 : i32
      %multiple_of3A_953 = tpu.assume_multiple %mul3A_952, 128 : i32
      %dma_wait3A_954 = arith.constant 0 : i32
      %dma_wait3A_955 = tpu.memref_slice %arg4[%dma_wait3A_954, %multiple_of3A_948] : memref<32x1000000xf32, #tpu.memory_space<hbm>> -> memref<32x128xf32, #tpu.memory_space<hbm>>
      %dma_wait3A_956 = arith.constant 0 : i32
      %dma_wait3A_957 = tpu.memref_slice %arg4[%dma_wait3A_956, %multiple_of3A_948] : memref<32x1000000xf32, #tpu.memory_space<hbm>> -> memref<32x128xf32, #tpu.memory_space<hbm>>
      tpu.wait_dma2 semaphore(%arg35 : memref<!tpu.dma_semaphore, #tpu.memory_space<semaphore_mem>>) src(%dma_wait3A_957 : memref<32x128xf32, #tpu.memory_space<hbm>>) dst(%arg19 : memref<32x128xf32, #tpu.memory_space<vmem>>)
      %dma_wait3A_958 = arith.constant 0 : i32
      %dma_wait3A_959 = tpu.memref_slice %arg5[%dma_wait3A_958, %multiple_of3A_953] : memref<32x1000000xf32, #tpu.memory_space<hbm>> -> memref<32x128xf32, #tpu.memory_space<hbm>>
      %dma_wait3A_960 = arith.constant 0 : i32
      %dma_wait3A_961 = tpu.memref_slice %arg5[%dma_wait3A_960, %multiple_of3A_953] : memref<32x1000000xf32, #tpu.memory_space<hbm>> -> memref<32x128xf32, #tpu.memory_space<hbm>>
      tpu.wait_dma2 semaphore(%arg43 : memref<!tpu.dma_semaphore, #tpu.memory_space<semaphore_mem>>) src(%dma_wait3A_961 : memref<32x128xf32, #tpu.memory_space<hbm>>) dst(%arg27 : memref<32x128xf32, #tpu.memory_space<vmem>>)
      %slice3A_962 = vector.extract_strided_slice %get3A_180 {offsets = [11], sizes = [1], strides = [1]} : vector<16xi32> to vector<1xi32>
      %squeeze3A_963 = vector.extract %slice3A_962[0] : i32 from vector<1xi32>
      %and3A_964 = arith.constant 127 : i32
      %and3A_965 = arith.andi %squeeze3A_963, %and3A_964 : i32
      %add3A_966 = vector.broadcast %and3A_965 : i32 to vector<16xi32>
      %add3A_967 = arith.addi %broadcast_in_dim3A_169, %add3A_966 : vector<16xi32>
      %slice3A_968 = vector.extract_strided_slice %get3A_182 {offsets = [11], sizes = [1], strides = [1]} : vector<16xi32> to vector<1xi32>
      %squeeze3A_969 = vector.extract %slice3A_968[0] : i32 from vector<1xi32>
      %and3A_970 = arith.constant 127 : i32
      %and3A_971 = arith.andi %squeeze3A_969, %and3A_970 : i32
      %add3A_972 = vector.broadcast %and3A_971 : i32 to vector<16xi32>
      %add3A_973 = arith.addi %broadcast_in_dim3A_169, %add3A_972 : vector<16xi32>
      %gather3A_974 = tpu.vector_load_idx %arg19[%iota3A_165, %add3A_967] : memref<32x128xf32, #tpu.memory_space<vmem>>[vector<16xi32>, vector<16xi32>], vector<16xf32>,
      %gather3A_975 = tpu.vector_load_idx %arg19[%add3A_168, %add3A_967] : memref<32x128xf32, #tpu.memory_space<vmem>>[vector<16xi32>, vector<16xi32>], vector<16xf32>,
      %gather3A_976 = tpu.vector_load_idx %arg27[%iota3A_165, %add3A_973] : memref<32x128xf32, #tpu.memory_space<vmem>>[vector<16xi32>, vector<16xi32>], vector<16xf32>,
      %gather3A_977 = tpu.vector_load_idx %arg27[%add3A_168, %add3A_973] : memref<32x128xf32, #tpu.memory_space<vmem>>[vector<16xi32>, vector<16xi32>], vector<16xf32>,
      %mul3A_978 = arith.mulf %gather3A_974, %gather3A_976 : vector<16xf32>
      %mul3A_979 = arith.mulf %gather3A_975, %gather3A_977 : vector<16xf32>
      %add3A_980 = arith.addf %mul3A_978, %mul3A_979 : vector<16xf32>
      %reduce_sum3A_981 = arith.constant true
      %reduce_sum3A_982 = vector.broadcast %reduce_sum3A_981 : i1 to vector<16xi1>
      %reduce_sum3A_983 = tpu.scan <sum>, %add3A_980 masked %reduce_sum3A_982 : vector<16xf32>, vector<16xi1> -> vector<16xf32>
      %reduce_sum3A_984 = vector.extract %reduce_sum3A_983[15] : f32 from vector<16xf32>
      %eq3A_985 = arith.constant 11 : i32
      %eq3A_986 = vector.broadcast %eq3A_985 : i32 to vector<16xi32>
      %eq3A_987 = arith.cmpi eq, %iota3A, %eq3A_986 : vector<16xi32>
      %broadcast_in_dim3A_988 = vector.broadcast %reduce_sum3A_984 : f32 to vector<16xf32>
      %select_n3A_989 = arith.select %eq3A_987, %broadcast_in_dim3A_988, %select_n3A_934 : vector<16xi1>, vector<16xf32>
      %lt3A_990 = arith.constant 31 : i32
      %lt3A_991 = arith.cmpi slt, %scan3A_175, %lt3A_990 : i32
      %convert_element_type3A_992 = arith.extui %lt3A_991 : i1 to i32
      %cond3A_993 = arith.constant 0 : i32
      %cond3A_994 = arith.cmpi ne, %convert_element_type3A_992, %cond3A_993 : i32
      scf.if %cond3A_994 {
        %add3A_1222 = arith.constant 1 : i32
        %add3A_1223 = arith.addi %scan3A_175, %add3A_1222 : i32
        %mul3A_1224 = arith.constant 16 : i32
        %mul3A_1225 = arith.muli %add3A_1223, %mul3A_1224 : i32
        %multiple_of3A_1226 = tpu.assume_multiple %mul3A_1225, 16 : i32
        %get3A_1227 = arith.index_cast %multiple_of3A_1226 : i32 to index
        %get3A_1228 = tpu.vector_load %arg10[%get3A_1227] {strides = array<i32>} : memref<512xi32, #tpu.memory_space<vmem>>, vector<16xi32>,
        %get3A_1229 = arith.index_cast %multiple_of3A_1226 : i32 to index
        %get3A_1230 = tpu.vector_load %arg11[%get3A_1229] {strides = array<i32>} : memref<512xi32, #tpu.memory_space<vmem>>, vector<16xi32>,
        %slice3A_1231 = vector.extract_strided_slice %get3A_1228 {offsets = [3], sizes = [1], strides = [1]} : vector<16xi32> to vector<1xi32>
        %squeeze3A_1232 = vector.extract %slice3A_1231[0] : i32 from vector<1xi32>
        %slice3A_1233 = vector.extract_strided_slice %get3A_1230 {offsets = [3], sizes = [1], strides = [1]} : vector<16xi32> to vector<1xi32>
        %squeeze3A_1234 = vector.extract %slice3A_1233[0] : i32 from vector<1xi32>
        %shift_right_logical3A_1235 = arith.constant 7 : i32
        %shift_right_logical3A_1236 = arith.shrui %squeeze3A_1232, %shift_right_logical3A_1235 : i32
        %mul3A_1237 = arith.constant 128 : i32
        %mul3A_1238 = arith.muli %shift_right_logical3A_1236, %mul3A_1237 : i32
        %multiple_of3A_1239 = tpu.assume_multiple %mul3A_1238, 128 : i32
        %shift_right_logical3A_1240 = arith.constant 7 : i32
        %shift_right_logical3A_1241 = arith.shrui %squeeze3A_1234, %shift_right_logical3A_1240 : i32
        %mul3A_1242 = arith.constant 128 : i32
        %mul3A_1243 = arith.muli %shift_right_logical3A_1241, %mul3A_1242 : i32
        %multiple_of3A_1244 = tpu.assume_multiple %mul3A_1243, 128 : i32
        %dma_start3A_1245 = arith.constant 0 : i32
        %dma_start3A_1246 = tpu.memref_slice %arg4[%dma_start3A_1245, %multiple_of3A_1239] : memref<32x1000000xf32, #tpu.memory_space<hbm>> -> memref<32x128xf32, #tpu.memory_space<hbm>>
        %dma_start3A_1247 = arith.constant 0 : i32
        %dma_start3A_1248 = tpu.memref_slice %arg4[%dma_start3A_1247, %multiple_of3A_1239] : memref<32x1000000xf32, #tpu.memory_space<hbm>> -> memref<32x128xf32, #tpu.memory_space<hbm>>
        tpu.enqueue_dma source(%dma_start3A_1248 : memref<32x128xf32, #tpu.memory_space<hbm>>) target(%arg19 : memref<32x128xf32, #tpu.memory_space<vmem>>) target_semaphore(%arg35 : memref<!tpu.dma_semaphore, #tpu.memory_space<semaphore_mem>>)
        %dma_start3A_1249 = arith.constant 0 : i32
        %dma_start3A_1250 = tpu.memref_slice %arg5[%dma_start3A_1249, %multiple_of3A_1244] : memref<32x1000000xf32, #tpu.memory_space<hbm>> -> memref<32x128xf32, #tpu.memory_space<hbm>>
        %dma_start3A_1251 = arith.constant 0 : i32
        %dma_start3A_1252 = tpu.memref_slice %arg5[%dma_start3A_1251, %multiple_of3A_1244] : memref<32x1000000xf32, #tpu.memory_space<hbm>> -> memref<32x128xf32, #tpu.memory_space<hbm>>
        tpu.enqueue_dma source(%dma_start3A_1252 : memref<32x128xf32, #tpu.memory_space<hbm>>) target(%arg27 : memref<32x128xf32, #tpu.memory_space<vmem>>) target_semaphore(%arg43 : memref<!tpu.dma_semaphore, #tpu.memory_space<semaphore_mem>>)
      } else {
      }
      %slice3A_995 = vector.extract_strided_slice %get3A_180 {offsets = [12], sizes = [1], strides = [1]} : vector<16xi32> to vector<1xi32>
      %squeeze3A_996 = vector.extract %slice3A_995[0] : i32 from vector<1xi32>
      %slice3A_997 = vector.extract_strided_slice %get3A_182 {offsets = [12], sizes = [1], strides = [1]} : vector<16xi32> to vector<1xi32>
      %squeeze3A_998 = vector.extract %slice3A_997[0] : i32 from vector<1xi32>
      %shift_right_logical3A_999 = arith.constant 7 : i32
      %shift_right_logical3A_1000 = arith.shrui %squeeze3A_996, %shift_right_logical3A_999 : i32
      %mul3A_1001 = arith.constant 128 : i32
      %mul3A_1002 = arith.muli %shift_right_logical3A_1000, %mul3A_1001 : i32
      %multiple_of3A_1003 = tpu.assume_multiple %mul3A_1002, 128 : i32
      %shift_right_logical3A_1004 = arith.constant 7 : i32
      %shift_right_logical3A_1005 = arith.shrui %squeeze3A_998, %shift_right_logical3A_1004 : i32
      %mul3A_1006 = arith.constant 128 : i32
      %mul3A_1007 = arith.muli %shift_right_logical3A_1005, %mul3A_1006 : i32
      %multiple_of3A_1008 = tpu.assume_multiple %mul3A_1007, 128 : i32
      %dma_wait3A_1009 = arith.constant 0 : i32
      %dma_wait3A_1010 = tpu.memref_slice %arg4[%dma_wait3A_1009, %multiple_of3A_1003] : memref<32x1000000xf32, #tpu.memory_space<hbm>> -> memref<32x128xf32, #tpu.memory_space<hbm>>
      %dma_wait3A_1011 = arith.constant 0 : i32
      %dma_wait3A_1012 = tpu.memref_slice %arg4[%dma_wait3A_1011, %multiple_of3A_1003] : memref<32x1000000xf32, #tpu.memory_space<hbm>> -> memref<32x128xf32, #tpu.memory_space<hbm>>
      tpu.wait_dma2 semaphore(%arg36 : memref<!tpu.dma_semaphore, #tpu.memory_space<semaphore_mem>>) src(%dma_wait3A_1012 : memref<32x128xf32, #tpu.memory_space<hbm>>) dst(%arg20 : memref<32x128xf32, #tpu.memory_space<vmem>>)
      %dma_wait3A_1013 = arith.constant 0 : i32
      %dma_wait3A_1014 = tpu.memref_slice %arg5[%dma_wait3A_1013, %multiple_of3A_1008] : memref<32x1000000xf32, #tpu.memory_space<hbm>> -> memref<32x128xf32, #tpu.memory_space<hbm>>
      %dma_wait3A_1015 = arith.constant 0 : i32
      %dma_wait3A_1016 = tpu.memref_slice %arg5[%dma_wait3A_1015, %multiple_of3A_1008] : memref<32x1000000xf32, #tpu.memory_space<hbm>> -> memref<32x128xf32, #tpu.memory_space<hbm>>
      tpu.wait_dma2 semaphore(%arg44 : memref<!tpu.dma_semaphore, #tpu.memory_space<semaphore_mem>>) src(%dma_wait3A_1016 : memref<32x128xf32, #tpu.memory_space<hbm>>) dst(%arg28 : memref<32x128xf32, #tpu.memory_space<vmem>>)
      %slice3A_1017 = vector.extract_strided_slice %get3A_180 {offsets = [12], sizes = [1], strides = [1]} : vector<16xi32> to vector<1xi32>
      %squeeze3A_1018 = vector.extract %slice3A_1017[0] : i32 from vector<1xi32>
      %and3A_1019 = arith.constant 127 : i32
      %and3A_1020 = arith.andi %squeeze3A_1018, %and3A_1019 : i32
      %add3A_1021 = vector.broadcast %and3A_1020 : i32 to vector<16xi32>
      %add3A_1022 = arith.addi %broadcast_in_dim3A_169, %add3A_1021 : vector<16xi32>
      %slice3A_1023 = vector.extract_strided_slice %get3A_182 {offsets = [12], sizes = [1], strides = [1]} : vector<16xi32> to vector<1xi32>
      %squeeze3A_1024 = vector.extract %slice3A_1023[0] : i32 from vector<1xi32>
      %and3A_1025 = arith.constant 127 : i32
      %and3A_1026 = arith.andi %squeeze3A_1024, %and3A_1025 : i32
      %add3A_1027 = vector.broadcast %and3A_1026 : i32 to vector<16xi32>
      %add3A_1028 = arith.addi %broadcast_in_dim3A_169, %add3A_1027 : vector<16xi32>
      %gather3A_1029 = tpu.vector_load_idx %arg20[%iota3A_165, %add3A_1022] : memref<32x128xf32, #tpu.memory_space<vmem>>[vector<16xi32>, vector<16xi32>], vector<16xf32>,
      %gather3A_1030 = tpu.vector_load_idx %arg20[%add3A_168, %add3A_1022] : memref<32x128xf32, #tpu.memory_space<vmem>>[vector<16xi32>, vector<16xi32>], vector<16xf32>,
      %gather3A_1031 = tpu.vector_load_idx %arg28[%iota3A_165, %add3A_1028] : memref<32x128xf32, #tpu.memory_space<vmem>>[vector<16xi32>, vector<16xi32>], vector<16xf32>,
      %gather3A_1032 = tpu.vector_load_idx %arg28[%add3A_168, %add3A_1028] : memref<32x128xf32, #tpu.memory_space<vmem>>[vector<16xi32>, vector<16xi32>], vector<16xf32>,
      %mul3A_1033 = arith.mulf %gather3A_1029, %gather3A_1031 : vector<16xf32>
      %mul3A_1034 = arith.mulf %gather3A_1030, %gather3A_1032 : vector<16xf32>
      %add3A_1035 = arith.addf %mul3A_1033, %mul3A_1034 : vector<16xf32>
      %reduce_sum3A_1036 = arith.constant true
      %reduce_sum3A_1037 = vector.broadcast %reduce_sum3A_1036 : i1 to vector<16xi1>
      %reduce_sum3A_1038 = tpu.scan <sum>, %add3A_1035 masked %reduce_sum3A_1037 : vector<16xf32>, vector<16xi1> -> vector<16xf32>
      %reduce_sum3A_1039 = vector.extract %reduce_sum3A_1038[15] : f32 from vector<16xf32>
      %eq3A_1040 = arith.constant 12 : i32
      %eq3A_1041 = vector.broadcast %eq3A_1040 : i32 to vector<16xi32>
      %eq3A_1042 = arith.cmpi eq, %iota3A, %eq3A_1041 : vector<16xi32>
      %broadcast_in_dim3A_1043 = vector.broadcast %reduce_sum3A_1039 : f32 to vector<16xf32>
      %select_n3A_1044 = arith.select %eq3A_1042, %broadcast_in_dim3A_1043, %select_n3A_989 : vector<16xi1>, vector<16xf32>
      %lt3A_1045 = arith.constant 31 : i32
      %lt3A_1046 = arith.cmpi slt, %scan3A_175, %lt3A_1045 : i32
      %convert_element_type3A_1047 = arith.extui %lt3A_1046 : i1 to i32
      %cond3A_1048 = arith.constant 0 : i32
      %cond3A_1049 = arith.cmpi ne, %convert_element_type3A_1047, %cond3A_1048 : i32
      scf.if %cond3A_1049 {
        %add3A_1222 = arith.constant 1 : i32
        %add3A_1223 = arith.addi %scan3A_175, %add3A_1222 : i32
        %mul3A_1224 = arith.constant 16 : i32
        %mul3A_1225 = arith.muli %add3A_1223, %mul3A_1224 : i32
        %multiple_of3A_1226 = tpu.assume_multiple %mul3A_1225, 16 : i32
        %get3A_1227 = arith.index_cast %multiple_of3A_1226 : i32 to index
        %get3A_1228 = tpu.vector_load %arg10[%get3A_1227] {strides = array<i32>} : memref<512xi32, #tpu.memory_space<vmem>>, vector<16xi32>,
        %get3A_1229 = arith.index_cast %multiple_of3A_1226 : i32 to index
        %get3A_1230 = tpu.vector_load %arg11[%get3A_1229] {strides = array<i32>} : memref<512xi32, #tpu.memory_space<vmem>>, vector<16xi32>,
        %slice3A_1231 = vector.extract_strided_slice %get3A_1228 {offsets = [4], sizes = [1], strides = [1]} : vector<16xi32> to vector<1xi32>
        %squeeze3A_1232 = vector.extract %slice3A_1231[0] : i32 from vector<1xi32>
        %slice3A_1233 = vector.extract_strided_slice %get3A_1230 {offsets = [4], sizes = [1], strides = [1]} : vector<16xi32> to vector<1xi32>
        %squeeze3A_1234 = vector.extract %slice3A_1233[0] : i32 from vector<1xi32>
        %shift_right_logical3A_1235 = arith.constant 7 : i32
        %shift_right_logical3A_1236 = arith.shrui %squeeze3A_1232, %shift_right_logical3A_1235 : i32
        %mul3A_1237 = arith.constant 128 : i32
        %mul3A_1238 = arith.muli %shift_right_logical3A_1236, %mul3A_1237 : i32
        %multiple_of3A_1239 = tpu.assume_multiple %mul3A_1238, 128 : i32
        %shift_right_logical3A_1240 = arith.constant 7 : i32
        %shift_right_logical3A_1241 = arith.shrui %squeeze3A_1234, %shift_right_logical3A_1240 : i32
        %mul3A_1242 = arith.constant 128 : i32
        %mul3A_1243 = arith.muli %shift_right_logical3A_1241, %mul3A_1242 : i32
        %multiple_of3A_1244 = tpu.assume_multiple %mul3A_1243, 128 : i32
        %dma_start3A_1245 = arith.constant 0 : i32
        %dma_start3A_1246 = tpu.memref_slice %arg4[%dma_start3A_1245, %multiple_of3A_1239] : memref<32x1000000xf32, #tpu.memory_space<hbm>> -> memref<32x128xf32, #tpu.memory_space<hbm>>
        %dma_start3A_1247 = arith.constant 0 : i32
        %dma_start3A_1248 = tpu.memref_slice %arg4[%dma_start3A_1247, %multiple_of3A_1239] : memref<32x1000000xf32, #tpu.memory_space<hbm>> -> memref<32x128xf32, #tpu.memory_space<hbm>>
        tpu.enqueue_dma source(%dma_start3A_1248 : memref<32x128xf32, #tpu.memory_space<hbm>>) target(%arg20 : memref<32x128xf32, #tpu.memory_space<vmem>>) target_semaphore(%arg36 : memref<!tpu.dma_semaphore, #tpu.memory_space<semaphore_mem>>)
        %dma_start3A_1249 = arith.constant 0 : i32
        %dma_start3A_1250 = tpu.memref_slice %arg5[%dma_start3A_1249, %multiple_of3A_1244] : memref<32x1000000xf32, #tpu.memory_space<hbm>> -> memref<32x128xf32, #tpu.memory_space<hbm>>
        %dma_start3A_1251 = arith.constant 0 : i32
        %dma_start3A_1252 = tpu.memref_slice %arg5[%dma_start3A_1251, %multiple_of3A_1244] : memref<32x1000000xf32, #tpu.memory_space<hbm>> -> memref<32x128xf32, #tpu.memory_space<hbm>>
        tpu.enqueue_dma source(%dma_start3A_1252 : memref<32x128xf32, #tpu.memory_space<hbm>>) target(%arg28 : memref<32x128xf32, #tpu.memory_space<vmem>>) target_semaphore(%arg44 : memref<!tpu.dma_semaphore, #tpu.memory_space<semaphore_mem>>)
      } else {
      }
      %slice3A_1050 = vector.extract_strided_slice %get3A_180 {offsets = [13], sizes = [1], strides = [1]} : vector<16xi32> to vector<1xi32>
      %squeeze3A_1051 = vector.extract %slice3A_1050[0] : i32 from vector<1xi32>
      %slice3A_1052 = vector.extract_strided_slice %get3A_182 {offsets = [13], sizes = [1], strides = [1]} : vector<16xi32> to vector<1xi32>
      %squeeze3A_1053 = vector.extract %slice3A_1052[0] : i32 from vector<1xi32>
      %shift_right_logical3A_1054 = arith.constant 7 : i32
      %shift_right_logical3A_1055 = arith.shrui %squeeze3A_1051, %shift_right_logical3A_1054 : i32
      %mul3A_1056 = arith.constant 128 : i32
      %mul3A_1057 = arith.muli %shift_right_logical3A_1055, %mul3A_1056 : i32
      %multiple_of3A_1058 = tpu.assume_multiple %mul3A_1057, 128 : i32
      %shift_right_logical3A_1059 = arith.constant 7 : i32
      %shift_right_logical3A_1060 = arith.shrui %squeeze3A_1053, %shift_right_logical3A_1059 : i32
      %mul3A_1061 = arith.constant 128 : i32
      %mul3A_1062 = arith.muli %shift_right_logical3A_1060, %mul3A_1061 : i32
      %multiple_of3A_1063 = tpu.assume_multiple %mul3A_1062, 128 : i32
      %dma_wait3A_1064 = arith.constant 0 : i32
      %dma_wait3A_1065 = tpu.memref_slice %arg4[%dma_wait3A_1064, %multiple_of3A_1058] : memref<32x1000000xf32, #tpu.memory_space<hbm>> -> memref<32x128xf32, #tpu.memory_space<hbm>>
      %dma_wait3A_1066 = arith.constant 0 : i32
      %dma_wait3A_1067 = tpu.memref_slice %arg4[%dma_wait3A_1066, %multiple_of3A_1058] : memref<32x1000000xf32, #tpu.memory_space<hbm>> -> memref<32x128xf32, #tpu.memory_space<hbm>>
      tpu.wait_dma2 semaphore(%arg37 : memref<!tpu.dma_semaphore, #tpu.memory_space<semaphore_mem>>) src(%dma_wait3A_1067 : memref<32x128xf32, #tpu.memory_space<hbm>>) dst(%arg21 : memref<32x128xf32, #tpu.memory_space<vmem>>)
      %dma_wait3A_1068 = arith.constant 0 : i32
      %dma_wait3A_1069 = tpu.memref_slice %arg5[%dma_wait3A_1068, %multiple_of3A_1063] : memref<32x1000000xf32, #tpu.memory_space<hbm>> -> memref<32x128xf32, #tpu.memory_space<hbm>>
      %dma_wait3A_1070 = arith.constant 0 : i32
      %dma_wait3A_1071 = tpu.memref_slice %arg5[%dma_wait3A_1070, %multiple_of3A_1063] : memref<32x1000000xf32, #tpu.memory_space<hbm>> -> memref<32x128xf32, #tpu.memory_space<hbm>>
      tpu.wait_dma2 semaphore(%arg45 : memref<!tpu.dma_semaphore, #tpu.memory_space<semaphore_mem>>) src(%dma_wait3A_1071 : memref<32x128xf32, #tpu.memory_space<hbm>>) dst(%arg29 : memref<32x128xf32, #tpu.memory_space<vmem>>)
      %slice3A_1072 = vector.extract_strided_slice %get3A_180 {offsets = [13], sizes = [1], strides = [1]} : vector<16xi32> to vector<1xi32>
      %squeeze3A_1073 = vector.extract %slice3A_1072[0] : i32 from vector<1xi32>
      %and3A_1074 = arith.constant 127 : i32
      %and3A_1075 = arith.andi %squeeze3A_1073, %and3A_1074 : i32
      %add3A_1076 = vector.broadcast %and3A_1075 : i32 to vector<16xi32>
      %add3A_1077 = arith.addi %broadcast_in_dim3A_169, %add3A_1076 : vector<16xi32>
      %slice3A_1078 = vector.extract_strided_slice %get3A_182 {offsets = [13], sizes = [1], strides = [1]} : vector<16xi32> to vector<1xi32>
      %squeeze3A_1079 = vector.extract %slice3A_1078[0] : i32 from vector<1xi32>
      %and3A_1080 = arith.constant 127 : i32
      %and3A_1081 = arith.andi %squeeze3A_1079, %and3A_1080 : i32
      %add3A_1082 = vector.broadcast %and3A_1081 : i32 to vector<16xi32>
      %add3A_1083 = arith.addi %broadcast_in_dim3A_169, %add3A_1082 : vector<16xi32>
      %gather3A_1084 = tpu.vector_load_idx %arg21[%iota3A_165, %add3A_1077] : memref<32x128xf32, #tpu.memory_space<vmem>>[vector<16xi32>, vector<16xi32>], vector<16xf32>,
      %gather3A_1085 = tpu.vector_load_idx %arg21[%add3A_168, %add3A_1077] : memref<32x128xf32, #tpu.memory_space<vmem>>[vector<16xi32>, vector<16xi32>], vector<16xf32>,
      %gather3A_1086 = tpu.vector_load_idx %arg29[%iota3A_165, %add3A_1083] : memref<32x128xf32, #tpu.memory_space<vmem>>[vector<16xi32>, vector<16xi32>], vector<16xf32>,
      %gather3A_1087 = tpu.vector_load_idx %arg29[%add3A_168, %add3A_1083] : memref<32x128xf32, #tpu.memory_space<vmem>>[vector<16xi32>, vector<16xi32>], vector<16xf32>,
      %mul3A_1088 = arith.mulf %gather3A_1084, %gather3A_1086 : vector<16xf32>
      %mul3A_1089 = arith.mulf %gather3A_1085, %gather3A_1087 : vector<16xf32>
      %add3A_1090 = arith.addf %mul3A_1088, %mul3A_1089 : vector<16xf32>
      %reduce_sum3A_1091 = arith.constant true
      %reduce_sum3A_1092 = vector.broadcast %reduce_sum3A_1091 : i1 to vector<16xi1>
      %reduce_sum3A_1093 = tpu.scan <sum>, %add3A_1090 masked %reduce_sum3A_1092 : vector<16xf32>, vector<16xi1> -> vector<16xf32>
      %reduce_sum3A_1094 = vector.extract %reduce_sum3A_1093[15] : f32 from vector<16xf32>
      %eq3A_1095 = arith.constant 13 : i32
      %eq3A_1096 = vector.broadcast %eq3A_1095 : i32 to vector<16xi32>
      %eq3A_1097 = arith.cmpi eq, %iota3A, %eq3A_1096 : vector<16xi32>
      %broadcast_in_dim3A_1098 = vector.broadcast %reduce_sum3A_1094 : f32 to vector<16xf32>
      %select_n3A_1099 = arith.select %eq3A_1097, %broadcast_in_dim3A_1098, %select_n3A_1044 : vector<16xi1>, vector<16xf32>
      %lt3A_1100 = arith.constant 31 : i32
      %lt3A_1101 = arith.cmpi slt, %scan3A_175, %lt3A_1100 : i32
      %convert_element_type3A_1102 = arith.extui %lt3A_1101 : i1 to i32
      %cond3A_1103 = arith.constant 0 : i32
      %cond3A_1104 = arith.cmpi ne, %convert_element_type3A_1102, %cond3A_1103 : i32
      scf.if %cond3A_1104 {
        %add3A_1222 = arith.constant 1 : i32
        %add3A_1223 = arith.addi %scan3A_175, %add3A_1222 : i32
        %mul3A_1224 = arith.constant 16 : i32
        %mul3A_1225 = arith.muli %add3A_1223, %mul3A_1224 : i32
        %multiple_of3A_1226 = tpu.assume_multiple %mul3A_1225, 16 : i32
        %get3A_1227 = arith.index_cast %multiple_of3A_1226 : i32 to index
        %get3A_1228 = tpu.vector_load %arg10[%get3A_1227] {strides = array<i32>} : memref<512xi32, #tpu.memory_space<vmem>>, vector<16xi32>,
        %get3A_1229 = arith.index_cast %multiple_of3A_1226 : i32 to index
        %get3A_1230 = tpu.vector_load %arg11[%get3A_1229] {strides = array<i32>} : memref<512xi32, #tpu.memory_space<vmem>>, vector<16xi32>,
        %slice3A_1231 = vector.extract_strided_slice %get3A_1228 {offsets = [5], sizes = [1], strides = [1]} : vector<16xi32> to vector<1xi32>
        %squeeze3A_1232 = vector.extract %slice3A_1231[0] : i32 from vector<1xi32>
        %slice3A_1233 = vector.extract_strided_slice %get3A_1230 {offsets = [5], sizes = [1], strides = [1]} : vector<16xi32> to vector<1xi32>
        %squeeze3A_1234 = vector.extract %slice3A_1233[0] : i32 from vector<1xi32>
        %shift_right_logical3A_1235 = arith.constant 7 : i32
        %shift_right_logical3A_1236 = arith.shrui %squeeze3A_1232, %shift_right_logical3A_1235 : i32
        %mul3A_1237 = arith.constant 128 : i32
        %mul3A_1238 = arith.muli %shift_right_logical3A_1236, %mul3A_1237 : i32
        %multiple_of3A_1239 = tpu.assume_multiple %mul3A_1238, 128 : i32
        %shift_right_logical3A_1240 = arith.constant 7 : i32
        %shift_right_logical3A_1241 = arith.shrui %squeeze3A_1234, %shift_right_logical3A_1240 : i32
        %mul3A_1242 = arith.constant 128 : i32
        %mul3A_1243 = arith.muli %shift_right_logical3A_1241, %mul3A_1242 : i32
        %multiple_of3A_1244 = tpu.assume_multiple %mul3A_1243, 128 : i32
        %dma_start3A_1245 = arith.constant 0 : i32
        %dma_start3A_1246 = tpu.memref_slice %arg4[%dma_start3A_1245, %multiple_of3A_1239] : memref<32x1000000xf32, #tpu.memory_space<hbm>> -> memref<32x128xf32, #tpu.memory_space<hbm>>
        %dma_start3A_1247 = arith.constant 0 : i32
        %dma_start3A_1248 = tpu.memref_slice %arg4[%dma_start3A_1247, %multiple_of3A_1239] : memref<32x1000000xf32, #tpu.memory_space<hbm>> -> memref<32x128xf32, #tpu.memory_space<hbm>>
        tpu.enqueue_dma source(%dma_start3A_1248 : memref<32x128xf32, #tpu.memory_space<hbm>>) target(%arg21 : memref<32x128xf32, #tpu.memory_space<vmem>>) target_semaphore(%arg37 : memref<!tpu.dma_semaphore, #tpu.memory_space<semaphore_mem>>)
        %dma_start3A_1249 = arith.constant 0 : i32
        %dma_start3A_1250 = tpu.memref_slice %arg5[%dma_start3A_1249, %multiple_of3A_1244] : memref<32x1000000xf32, #tpu.memory_space<hbm>> -> memref<32x128xf32, #tpu.memory_space<hbm>>
        %dma_start3A_1251 = arith.constant 0 : i32
        %dma_start3A_1252 = tpu.memref_slice %arg5[%dma_start3A_1251, %multiple_of3A_1244] : memref<32x1000000xf32, #tpu.memory_space<hbm>> -> memref<32x128xf32, #tpu.memory_space<hbm>>
        tpu.enqueue_dma source(%dma_start3A_1252 : memref<32x128xf32, #tpu.memory_space<hbm>>) target(%arg29 : memref<32x128xf32, #tpu.memory_space<vmem>>) target_semaphore(%arg45 : memref<!tpu.dma_semaphore, #tpu.memory_space<semaphore_mem>>)
      } else {
      }
      %slice3A_1105 = vector.extract_strided_slice %get3A_180 {offsets = [14], sizes = [1], strides = [1]} : vector<16xi32> to vector<1xi32>
      %squeeze3A_1106 = vector.extract %slice3A_1105[0] : i32 from vector<1xi32>
      %slice3A_1107 = vector.extract_strided_slice %get3A_182 {offsets = [14], sizes = [1], strides = [1]} : vector<16xi32> to vector<1xi32>
      %squeeze3A_1108 = vector.extract %slice3A_1107[0] : i32 from vector<1xi32>
      %shift_right_logical3A_1109 = arith.constant 7 : i32
      %shift_right_logical3A_1110 = arith.shrui %squeeze3A_1106, %shift_right_logical3A_1109 : i32
      %mul3A_1111 = arith.constant 128 : i32
      %mul3A_1112 = arith.muli %shift_right_logical3A_1110, %mul3A_1111 : i32
      %multiple_of3A_1113 = tpu.assume_multiple %mul3A_1112, 128 : i32
      %shift_right_logical3A_1114 = arith.constant 7 : i32
      %shift_right_logical3A_1115 = arith.shrui %squeeze3A_1108, %shift_right_logical3A_1114 : i32
      %mul3A_1116 = arith.constant 128 : i32
      %mul3A_1117 = arith.muli %shift_right_logical3A_1115, %mul3A_1116 : i32
      %multiple_of3A_1118 = tpu.assume_multiple %mul3A_1117, 128 : i32
      %dma_wait3A_1119 = arith.constant 0 : i32
      %dma_wait3A_1120 = tpu.memref_slice %arg4[%dma_wait3A_1119, %multiple_of3A_1113] : memref<32x1000000xf32, #tpu.memory_space<hbm>> -> memref<32x128xf32, #tpu.memory_space<hbm>>
      %dma_wait3A_1121 = arith.constant 0 : i32
      %dma_wait3A_1122 = tpu.memref_slice %arg4[%dma_wait3A_1121, %multiple_of3A_1113] : memref<32x1000000xf32, #tpu.memory_space<hbm>> -> memref<32x128xf32, #tpu.memory_space<hbm>>
      tpu.wait_dma2 semaphore(%arg38 : memref<!tpu.dma_semaphore, #tpu.memory_space<semaphore_mem>>) src(%dma_wait3A_1122 : memref<32x128xf32, #tpu.memory_space<hbm>>) dst(%arg22 : memref<32x128xf32, #tpu.memory_space<vmem>>)
      %dma_wait3A_1123 = arith.constant 0 : i32
      %dma_wait3A_1124 = tpu.memref_slice %arg5[%dma_wait3A_1123, %multiple_of3A_1118] : memref<32x1000000xf32, #tpu.memory_space<hbm>> -> memref<32x128xf32, #tpu.memory_space<hbm>>
      %dma_wait3A_1125 = arith.constant 0 : i32
      %dma_wait3A_1126 = tpu.memref_slice %arg5[%dma_wait3A_1125, %multiple_of3A_1118] : memref<32x1000000xf32, #tpu.memory_space<hbm>> -> memref<32x128xf32, #tpu.memory_space<hbm>>
      tpu.wait_dma2 semaphore(%arg46 : memref<!tpu.dma_semaphore, #tpu.memory_space<semaphore_mem>>) src(%dma_wait3A_1126 : memref<32x128xf32, #tpu.memory_space<hbm>>) dst(%arg30 : memref<32x128xf32, #tpu.memory_space<vmem>>)
      %slice3A_1127 = vector.extract_strided_slice %get3A_180 {offsets = [14], sizes = [1], strides = [1]} : vector<16xi32> to vector<1xi32>
      %squeeze3A_1128 = vector.extract %slice3A_1127[0] : i32 from vector<1xi32>
      %and3A_1129 = arith.constant 127 : i32
      %and3A_1130 = arith.andi %squeeze3A_1128, %and3A_1129 : i32
      %add3A_1131 = vector.broadcast %and3A_1130 : i32 to vector<16xi32>
      %add3A_1132 = arith.addi %broadcast_in_dim3A_169, %add3A_1131 : vector<16xi32>
      %slice3A_1133 = vector.extract_strided_slice %get3A_182 {offsets = [14], sizes = [1], strides = [1]} : vector<16xi32> to vector<1xi32>
      %squeeze3A_1134 = vector.extract %slice3A_1133[0] : i32 from vector<1xi32>
      %and3A_1135 = arith.constant 127 : i32
      %and3A_1136 = arith.andi %squeeze3A_1134, %and3A_1135 : i32
      %add3A_1137 = vector.broadcast %and3A_1136 : i32 to vector<16xi32>
      %add3A_1138 = arith.addi %broadcast_in_dim3A_169, %add3A_1137 : vector<16xi32>
      %gather3A_1139 = tpu.vector_load_idx %arg22[%iota3A_165, %add3A_1132] : memref<32x128xf32, #tpu.memory_space<vmem>>[vector<16xi32>, vector<16xi32>], vector<16xf32>,
      %gather3A_1140 = tpu.vector_load_idx %arg22[%add3A_168, %add3A_1132] : memref<32x128xf32, #tpu.memory_space<vmem>>[vector<16xi32>, vector<16xi32>], vector<16xf32>,
      %gather3A_1141 = tpu.vector_load_idx %arg30[%iota3A_165, %add3A_1138] : memref<32x128xf32, #tpu.memory_space<vmem>>[vector<16xi32>, vector<16xi32>], vector<16xf32>,
      %gather3A_1142 = tpu.vector_load_idx %arg30[%add3A_168, %add3A_1138] : memref<32x128xf32, #tpu.memory_space<vmem>>[vector<16xi32>, vector<16xi32>], vector<16xf32>,
      %mul3A_1143 = arith.mulf %gather3A_1139, %gather3A_1141 : vector<16xf32>
      %mul3A_1144 = arith.mulf %gather3A_1140, %gather3A_1142 : vector<16xf32>
      %add3A_1145 = arith.addf %mul3A_1143, %mul3A_1144 : vector<16xf32>
      %reduce_sum3A_1146 = arith.constant true
      %reduce_sum3A_1147 = vector.broadcast %reduce_sum3A_1146 : i1 to vector<16xi1>
      %reduce_sum3A_1148 = tpu.scan <sum>, %add3A_1145 masked %reduce_sum3A_1147 : vector<16xf32>, vector<16xi1> -> vector<16xf32>
      %reduce_sum3A_1149 = vector.extract %reduce_sum3A_1148[15] : f32 from vector<16xf32>
      %eq3A_1150 = arith.constant 14 : i32
      %eq3A_1151 = vector.broadcast %eq3A_1150 : i32 to vector<16xi32>
      %eq3A_1152 = arith.cmpi eq, %iota3A, %eq3A_1151 : vector<16xi32>
      %broadcast_in_dim3A_1153 = vector.broadcast %reduce_sum3A_1149 : f32 to vector<16xf32>
      %select_n3A_1154 = arith.select %eq3A_1152, %broadcast_in_dim3A_1153, %select_n3A_1099 : vector<16xi1>, vector<16xf32>
      %lt3A_1155 = arith.constant 31 : i32
      %lt3A_1156 = arith.cmpi slt, %scan3A_175, %lt3A_1155 : i32
      %convert_element_type3A_1157 = arith.extui %lt3A_1156 : i1 to i32
      %cond3A_1158 = arith.constant 0 : i32
      %cond3A_1159 = arith.cmpi ne, %convert_element_type3A_1157, %cond3A_1158 : i32
      scf.if %cond3A_1159 {
        %add3A_1222 = arith.constant 1 : i32
        %add3A_1223 = arith.addi %scan3A_175, %add3A_1222 : i32
        %mul3A_1224 = arith.constant 16 : i32
        %mul3A_1225 = arith.muli %add3A_1223, %mul3A_1224 : i32
        %multiple_of3A_1226 = tpu.assume_multiple %mul3A_1225, 16 : i32
        %get3A_1227 = arith.index_cast %multiple_of3A_1226 : i32 to index
        %get3A_1228 = tpu.vector_load %arg10[%get3A_1227] {strides = array<i32>} : memref<512xi32, #tpu.memory_space<vmem>>, vector<16xi32>,
        %get3A_1229 = arith.index_cast %multiple_of3A_1226 : i32 to index
        %get3A_1230 = tpu.vector_load %arg11[%get3A_1229] {strides = array<i32>} : memref<512xi32, #tpu.memory_space<vmem>>, vector<16xi32>,
        %slice3A_1231 = vector.extract_strided_slice %get3A_1228 {offsets = [6], sizes = [1], strides = [1]} : vector<16xi32> to vector<1xi32>
        %squeeze3A_1232 = vector.extract %slice3A_1231[0] : i32 from vector<1xi32>
        %slice3A_1233 = vector.extract_strided_slice %get3A_1230 {offsets = [6], sizes = [1], strides = [1]} : vector<16xi32> to vector<1xi32>
        %squeeze3A_1234 = vector.extract %slice3A_1233[0] : i32 from vector<1xi32>
        %shift_right_logical3A_1235 = arith.constant 7 : i32
        %shift_right_logical3A_1236 = arith.shrui %squeeze3A_1232, %shift_right_logical3A_1235 : i32
        %mul3A_1237 = arith.constant 128 : i32
        %mul3A_1238 = arith.muli %shift_right_logical3A_1236, %mul3A_1237 : i32
        %multiple_of3A_1239 = tpu.assume_multiple %mul3A_1238, 128 : i32
        %shift_right_logical3A_1240 = arith.constant 7 : i32
        %shift_right_logical3A_1241 = arith.shrui %squeeze3A_1234, %shift_right_logical3A_1240 : i32
        %mul3A_1242 = arith.constant 128 : i32
        %mul3A_1243 = arith.muli %shift_right_logical3A_1241, %mul3A_1242 : i32
        %multiple_of3A_1244 = tpu.assume_multiple %mul3A_1243, 128 : i32
        %dma_start3A_1245 = arith.constant 0 : i32
        %dma_start3A_1246 = tpu.memref_slice %arg4[%dma_start3A_1245, %multiple_of3A_1239] : memref<32x1000000xf32, #tpu.memory_space<hbm>> -> memref<32x128xf32, #tpu.memory_space<hbm>>
        %dma_start3A_1247 = arith.constant 0 : i32
        %dma_start3A_1248 = tpu.memref_slice %arg4[%dma_start3A_1247, %multiple_of3A_1239] : memref<32x1000000xf32, #tpu.memory_space<hbm>> -> memref<32x128xf32, #tpu.memory_space<hbm>>
        tpu.enqueue_dma source(%dma_start3A_1248 : memref<32x128xf32, #tpu.memory_space<hbm>>) target(%arg22 : memref<32x128xf32, #tpu.memory_space<vmem>>) target_semaphore(%arg38 : memref<!tpu.dma_semaphore, #tpu.memory_space<semaphore_mem>>)
        %dma_start3A_1249 = arith.constant 0 : i32
        %dma_start3A_1250 = tpu.memref_slice %arg5[%dma_start3A_1249, %multiple_of3A_1244] : memref<32x1000000xf32, #tpu.memory_space<hbm>> -> memref<32x128xf32, #tpu.memory_space<hbm>>
        %dma_start3A_1251 = arith.constant 0 : i32
        %dma_start3A_1252 = tpu.memref_slice %arg5[%dma_start3A_1251, %multiple_of3A_1244] : memref<32x1000000xf32, #tpu.memory_space<hbm>> -> memref<32x128xf32, #tpu.memory_space<hbm>>
        tpu.enqueue_dma source(%dma_start3A_1252 : memref<32x128xf32, #tpu.memory_space<hbm>>) target(%arg30 : memref<32x128xf32, #tpu.memory_space<vmem>>) target_semaphore(%arg46 : memref<!tpu.dma_semaphore, #tpu.memory_space<semaphore_mem>>)
      } else {
      }
      %slice3A_1160 = vector.extract_strided_slice %get3A_180 {offsets = [15], sizes = [1], strides = [1]} : vector<16xi32> to vector<1xi32>
      %squeeze3A_1161 = vector.extract %slice3A_1160[0] : i32 from vector<1xi32>
      %slice3A_1162 = vector.extract_strided_slice %get3A_182 {offsets = [15], sizes = [1], strides = [1]} : vector<16xi32> to vector<1xi32>
      %squeeze3A_1163 = vector.extract %slice3A_1162[0] : i32 from vector<1xi32>
      %shift_right_logical3A_1164 = arith.constant 7 : i32
      %shift_right_logical3A_1165 = arith.shrui %squeeze3A_1161, %shift_right_logical3A_1164 : i32
      %mul3A_1166 = arith.constant 128 : i32
      %mul3A_1167 = arith.muli %shift_right_logical3A_1165, %mul3A_1166 : i32
      %multiple_of3A_1168 = tpu.assume_multiple %mul3A_1167, 128 : i32
      %shift_right_logical3A_1169 = arith.constant 7 : i32
      %shift_right_logical3A_1170 = arith.shrui %squeeze3A_1163, %shift_right_logical3A_1169 : i32
      %mul3A_1171 = arith.constant 128 : i32
      %mul3A_1172 = arith.muli %shift_right_logical3A_1170, %mul3A_1171 : i32
      %multiple_of3A_1173 = tpu.assume_multiple %mul3A_1172, 128 : i32
      %dma_wait3A_1174 = arith.constant 0 : i32
      %dma_wait3A_1175 = tpu.memref_slice %arg4[%dma_wait3A_1174, %multiple_of3A_1168] : memref<32x1000000xf32, #tpu.memory_space<hbm>> -> memref<32x128xf32, #tpu.memory_space<hbm>>
      %dma_wait3A_1176 = arith.constant 0 : i32
      %dma_wait3A_1177 = tpu.memref_slice %arg4[%dma_wait3A_1176, %multiple_of3A_1168] : memref<32x1000000xf32, #tpu.memory_space<hbm>> -> memref<32x128xf32, #tpu.memory_space<hbm>>
      tpu.wait_dma2 semaphore(%arg39 : memref<!tpu.dma_semaphore, #tpu.memory_space<semaphore_mem>>) src(%dma_wait3A_1177 : memref<32x128xf32, #tpu.memory_space<hbm>>) dst(%arg23 : memref<32x128xf32, #tpu.memory_space<vmem>>)
      %dma_wait3A_1178 = arith.constant 0 : i32
      %dma_wait3A_1179 = tpu.memref_slice %arg5[%dma_wait3A_1178, %multiple_of3A_1173] : memref<32x1000000xf32, #tpu.memory_space<hbm>> -> memref<32x128xf32, #tpu.memory_space<hbm>>
      %dma_wait3A_1180 = arith.constant 0 : i32
      %dma_wait3A_1181 = tpu.memref_slice %arg5[%dma_wait3A_1180, %multiple_of3A_1173] : memref<32x1000000xf32, #tpu.memory_space<hbm>> -> memref<32x128xf32, #tpu.memory_space<hbm>>
      tpu.wait_dma2 semaphore(%arg47 : memref<!tpu.dma_semaphore, #tpu.memory_space<semaphore_mem>>) src(%dma_wait3A_1181 : memref<32x128xf32, #tpu.memory_space<hbm>>) dst(%arg31 : memref<32x128xf32, #tpu.memory_space<vmem>>)
      %slice3A_1182 = vector.extract_strided_slice %get3A_180 {offsets = [15], sizes = [1], strides = [1]} : vector<16xi32> to vector<1xi32>
      %squeeze3A_1183 = vector.extract %slice3A_1182[0] : i32 from vector<1xi32>
      %and3A_1184 = arith.constant 127 : i32
      %and3A_1185 = arith.andi %squeeze3A_1183, %and3A_1184 : i32
      %add3A_1186 = vector.broadcast %and3A_1185 : i32 to vector<16xi32>
      %add3A_1187 = arith.addi %broadcast_in_dim3A_169, %add3A_1186 : vector<16xi32>
      %slice3A_1188 = vector.extract_strided_slice %get3A_182 {offsets = [15], sizes = [1], strides = [1]} : vector<16xi32> to vector<1xi32>
      %squeeze3A_1189 = vector.extract %slice3A_1188[0] : i32 from vector<1xi32>
      %and3A_1190 = arith.constant 127 : i32
      %and3A_1191 = arith.andi %squeeze3A_1189, %and3A_1190 : i32
      %add3A_1192 = vector.broadcast %and3A_1191 : i32 to vector<16xi32>
      %add3A_1193 = arith.addi %broadcast_in_dim3A_169, %add3A_1192 : vector<16xi32>
      %gather3A_1194 = tpu.vector_load_idx %arg23[%iota3A_165, %add3A_1187] : memref<32x128xf32, #tpu.memory_space<vmem>>[vector<16xi32>, vector<16xi32>], vector<16xf32>,
      %gather3A_1195 = tpu.vector_load_idx %arg23[%add3A_168, %add3A_1187] : memref<32x128xf32, #tpu.memory_space<vmem>>[vector<16xi32>, vector<16xi32>], vector<16xf32>,
      %gather3A_1196 = tpu.vector_load_idx %arg31[%iota3A_165, %add3A_1193] : memref<32x128xf32, #tpu.memory_space<vmem>>[vector<16xi32>, vector<16xi32>], vector<16xf32>,
      %gather3A_1197 = tpu.vector_load_idx %arg31[%add3A_168, %add3A_1193] : memref<32x128xf32, #tpu.memory_space<vmem>>[vector<16xi32>, vector<16xi32>], vector<16xf32>,
      %mul3A_1198 = arith.mulf %gather3A_1194, %gather3A_1196 : vector<16xf32>
      %mul3A_1199 = arith.mulf %gather3A_1195, %gather3A_1197 : vector<16xf32>
      %add3A_1200 = arith.addf %mul3A_1198, %mul3A_1199 : vector<16xf32>
      %reduce_sum3A_1201 = arith.constant true
      %reduce_sum3A_1202 = vector.broadcast %reduce_sum3A_1201 : i1 to vector<16xi1>
      %reduce_sum3A_1203 = tpu.scan <sum>, %add3A_1200 masked %reduce_sum3A_1202 : vector<16xf32>, vector<16xi1> -> vector<16xf32>
      %reduce_sum3A_1204 = vector.extract %reduce_sum3A_1203[15] : f32 from vector<16xf32>
      %eq3A_1205 = arith.constant 15 : i32
      %eq3A_1206 = vector.broadcast %eq3A_1205 : i32 to vector<16xi32>
      %eq3A_1207 = arith.cmpi eq, %iota3A, %eq3A_1206 : vector<16xi32>
      %broadcast_in_dim3A_1208 = vector.broadcast %reduce_sum3A_1204 : f32 to vector<16xf32>
      %select_n3A_1209 = arith.select %eq3A_1207, %broadcast_in_dim3A_1208, %select_n3A_1154 : vector<16xi1>, vector<16xf32>
      %get3A_1210 = arith.index_cast %multiple_of3A_178 : i32 to index
      %get3A_1211 = tpu.vector_load %arg12[%get3A_1210] {strides = array<i32>} : memref<512xf32, #tpu.memory_space<vmem>>, vector<16xf32>,
      %add3A_1212 = arith.addf %select_n3A_1209, %get3A_1211 : vector<16xf32>
      %get3A_1213 = arith.index_cast %multiple_of3A_178 : i32 to index
      %get3A_1214 = tpu.vector_load %arg13[%get3A_1213] {strides = array<i32>} : memref<512xf32, #tpu.memory_space<vmem>>, vector<16xf32>,
      %add3A_1215 = arith.addf %add3A_1212, %get3A_1214 : vector<16xf32>
      %add3A_1216 = arith.addf %add3A_1215, %get3A_164 : vector<16xf32>
      %max3A = arith.constant 1.000000e+00 : f32
      %max3A_1217 = vector.broadcast %max3A : f32 to vector<16xf32>
      %max3A_1218 = arith.maximumf %add3A_1216, %max3A_1217 : vector<16xf32>
      %min3A = arith.constant 1.000000e+01 : f32
      %min3A_1219 = vector.broadcast %min3A : f32 to vector<16xf32>
      %min3A_1220 = arith.minimumf %max3A_1218, %min3A_1219 : vector<16xf32>
      %swap3A = arith.index_cast %multiple_of3A_178 : i32 to index
      %swap3A_1221 = tpu.vector_load %arg15[%swap3A] {strides = array<i32>} : memref<512xf32, #tpu.memory_space<vmem>>, vector<16xf32>,
      tpu.vector_store %arg15[%swap3A], %min3A_1220 {strides = array<i32>} : memref<512xf32, #tpu.memory_space<vmem>>, vector<16xf32>,
    }
    %scan3A_174 = arith.constant 32 : i32
    "tpu.region"() ({
      %run_scoped3A = tpu.sem_alloc : memref<!tpu.dma_semaphore, #tpu.memory_space<semaphore_mem>>
      %dma_start3A_175 = tpu.memref_slice %arg9[%multiple_of3A] : memref<16384xf32, #tpu.memory_space<hbm>> -> memref<512xf32, #tpu.memory_space<hbm>>
      %dma_start3A_176 = tpu.memref_slice %arg9[%multiple_of3A] : memref<16384xf32, #tpu.memory_space<hbm>> -> memref<512xf32, #tpu.memory_space<hbm>>
      tpu.enqueue_dma source(%arg15 : memref<512xf32, #tpu.memory_space<vmem>>) target(%dma_start3A_176 : memref<512xf32, #tpu.memory_space<hbm>>) target_semaphore(%run_scoped3A : memref<!tpu.dma_semaphore, #tpu.memory_space<semaphore_mem>>)
      %dma_wait3A_177 = tpu.memref_slice %arg9[%multiple_of3A] : memref<16384xf32, #tpu.memory_space<hbm>> -> memref<512xf32, #tpu.memory_space<hbm>>
      %dma_wait3A_178 = tpu.memref_slice %arg9[%multiple_of3A] : memref<16384xf32, #tpu.memory_space<hbm>> -> memref<512xf32, #tpu.memory_space<hbm>>
      tpu.wait_dma2 semaphore(%run_scoped3A : memref<!tpu.dma_semaphore, #tpu.memory_space<semaphore_mem>>) src(%arg15 : memref<512xf32, #tpu.memory_space<vmem>>) dst(%dma_wait3A_178 : memref<512xf32, #tpu.memory_space<hbm>>)
      tpu.yield
    }) : () -> ()
    return
  }
}

</mosaic_0001>

<sc_bundles>
// kernel: _mf.3.cloned.1.call-start
scs
__scs_entry_jumppad:
0x0: {  	(pc) =	sbr.rel $0x88, $3  }
0x1: {  	(tag) =	ssettag $0x0;
	lr =	simm.s32 $0x1  }
0x2: {  	[smem:$0x3F9A] =	sst lr;
	_ =	strace $0xD0000000  }
0x3: {  	_ = 	snop  }
0x4: {  	_ = 	snop  }
0x5: {  	_ = 	snop  }
0x6: {  	_ = 	snop  }
0x7: {  	_ = 	snop  }
__scs_overlays_trampoline_lowered:
0x8: {  	[smem:$0x3FA9] =	sst s0  }
0x9: {  	[smem:$0x3FAA] =	sst s1  }
0xa: {  	[smem:$0x3FAB] =	sst s2  }
0xb: {  	[smem:$0x3FAC] =	sst s3  }
0xc: {  	[smem:$0x3FAD] =	sst s4  }
0xd: {  	[smem:$0x3FAE] =	sst s5  }
0xe: {  	[smem:$0x3FAF] =	sst s6  }
0xf: {  	[smem:$0x3FB0] =	sst s7  }
0x10: {  	[smem:$0x3FB1] =	sst s8  }
0x11: {  	[smem:$0x3FB2] =	sst s9;
	s0 =	simm.s32 @!p0 $0x0  }
0x12: {  	s1 =	sld [smem:$0x3F98];
	s0 =	simm.s32 @p0 $0x1  }
0x13: {  	[smem:$0x3FB3] =	sst s0;
	s0 =	simm.s32 @!p1 $0x0  }
0x14: {  	s2 =	sld [smem:$0x3F97];
	s0 =	simm.s32 @p1 $0x1  }
0x15: {  	[smem:$0x3FB4] =	sst s0;
	s0 =	simm.s32 @!p2 $0x0  }
0x16: {  	s3 =	sld [smem:$0x3FDB];
	s0 =	simm.s32 @p2 $0x1  }
0x17: {  	s4 =	simm.s32 $0x1BF5;
	[smem:$0x3FB6] =	sst s0  }
0x18: {  	s0 =	sld [smem:$0x3F99];
	_ =	swait.ge [sflag:s4], $0x0  }
0x19: {  	s7 =	sld [smem:$0x3F9A]  }
0x1a: {  	s8 =	sadd.s32 $0xFFFFE003, lr  }
0x1b: {  	s9 =	sadd.s32 $0xFFFFFEF7, lr;
	s5 =	simm.s32 $0xFFFFFFFF;
	p2 =	slt.u32 s8, $0xFFFFF086  }
0x1c: {  	p1 =	slt.u32 s9, $0xF7A;
	s5 =	simm.s32 @!p2 $0x0  }
0x1d: {  	s5 =	simm.s32 @p1 $0x1;
	p0 =	seq.s32 s7, s2  }
0x1e: {  	s7 =	smul.u32 @!p0 $0xF7A, s2;
	p2 =	seq.s32 @!p0 s5, $0x0  }
0x1f: {  	s9 =	smul.u32 $0xF7A, s1;
	s8 =	simm.s32 @!p0 $0x1BF5;
	p2 =	por !p2, p0  }
0x20: {  	[sflag:s8] =	ssyncset.s32 @!p0 $0xFFFFF086;
	s6 =	sadd.s32 @!p0 s3, s7;
	s7 =	simm.s32 @!p0 $0x108  }
0x21: {  	s3 =	sadd.s32 s3, s9;
	s6 =	sadd.s32 @!p0 $0x88, s6;
	s7 =	simm.s32 @p2 $0x1082  }
0x22: {  	[simem:s7], [sflag:s8] =	dma.local @!p0 [hbm:s6], $0xF7A  }
0x23: {  	s9 =	sor.u32 $0xD0000000, s2;
	s6 =	simm.s32 $0x108;
	_ =	swait.ge @!p0 [sflag:s8], $0x0  }
0x24: {  	s3 =	sadd.s32 $0x88, s3;
	s6 =	simm.s32 @!p1 $0x1082;
	[sflag:s4] =	ssyncset.s32 $0xFFFFF086  }
0x25: {  	[simem:s6], [sflag:s4] =	dma.local [hbm:s3], $0xF7A  }
0x26: {  	[smem:$0x3F9A] =	sst s1;
	(tag) =	ssettag s2;
	_ =	strace s9  }
0x27: {  	s1 =	sld [smem:$0x3FAA]  }
0x28: {  	s2 =	sld [smem:$0x3FAB]  }
0x29: {  	s4 =	sld [smem:$0x3FAD]  }
0x2a: {  	p0 =	seq.s32 s5, $0x0;
	s5 =	sld [smem:$0x3FAE]  }
0x2b: {  	s6 =	sld [smem:$0x3FAF]  }
0x2c: {  	s7 =	sld [smem:$0x3FB0]  }
0x2d: {  	s3 =	simm.s32 $0x108;
	s8 =	sld [smem:$0x3FB1]  }
0x2e: {  	s3 =	simm.s32 @!p0 $0x1082;
	s9 =	sld [smem:$0x3FB2]  }
0x2f: {  	lr =	sadd.s32 s0, s3;
	s0 =	sld [smem:$0x3FA9]  }
0x30: {  	s3 =	sld [smem:$0x3FAC]  }
0x31: {  	[smem:$0x3FB5] =	sst s10  }
0x32: {  	s10 =	sld [smem:$0x3FB3];
	_ =	sdelay $0x3  }
0x33: {  	p0 =	seq.s32 s10, $0x1;
	s10 =	sld [smem:$0x3FB5];
	_ =	sdelay $0x3  }
0x34: {  	[smem:$0x3FB5] =	sst s10  }
0x35: {  	s10 =	sld [smem:$0x3FB4];
	_ =	sdelay $0x3  }
0x36: {  	p1 =	seq.s32 s10, $0x1;
	s10 =	sld [smem:$0x3FB5];
	_ =	sdelay $0x3  }
0x37: {  	[smem:$0x3FB5] =	sst s10  }
0x38: {  	s10 =	sld [smem:$0x3FB6]  }
0x39: {  	_ = 	snop;
	(pc) =	sbr.ind lr, $3  }
0x3a: {  	_ = 	snop  }
0x3b: {  	_ = 	snop  }
0x3c: {  	p2 =	seq.s32 s10, $0x1;
	s10 =	sld [smem:$0x3FB5]  }
0x3d: {  	_ =	shalt  }
0x3e: {  	_ =	shalt  }
0x3f: {  	_ =	shalt  }
0x40: {  	_ =	shalt  }
0x41: {  	_ =	shalt  }
0x42: {  	_ =	shalt  }
0x43: {  	_ =	shalt  }
0x44: {  	_ =	shalt  }
0x45: {  	_ =	shalt  }
0x46: {  	_ =	shalt  }
0x47: {  	_ =	shalt  }
0x48: {  	_ =	shalt  }
0x49: {  	_ =	shalt  }
0x4a: {  	_ =	shalt  }
0x4b: {  	_ =	shalt  }
0x4c: {  	_ =	shalt  }
0x4d: {  	_ =	shalt  }
0x4e: {  	_ =	shalt  }
0x4f: {  	_ =	shalt  }
0x50: {  	_ =	shalt  }
0x51: {  	_ =	shalt  }
0x52: {  	_ =	shalt  }
0x53: {  	_ =	shalt  }
0x54: {  	_ =	shalt  }
0x55: {  	_ =	shalt  }
0x56: {  	_ =	shalt  }
0x57: {  	_ =	shalt  }
0x58: {  	_ =	shalt  }
0x59: {  	_ =	shalt  }
0x5a: {  	_ =	shalt  }
0x5b: {  	_ =	shalt  }
0x5c: {  	_ =	shalt  }
0x5d: {  	_ =	shalt  }
0x5e: {  	_ =	shalt  }
0x5f: {  	_ =	shalt  }
0x60: {  	_ =	shalt  }
0x61: {  	_ =	shalt  }
0x62: {  	_ =	shalt  }
0x63: {  	_ =	shalt  }
0x64: {  	_ =	shalt  }
0x65: {  	_ =	shalt  }
0x66: {  	_ =	shalt  }
0x67: {  	_ =	shalt  }
0x68: {  	_ =	shalt  }
0x69: {  	_ =	shalt  }
0x6a: {  	_ =	shalt  }
0x6b: {  	_ =	shalt  }
0x6c: {  	_ =	shalt  }
0x6d: {  	_ =	shalt  }
0x6e: {  	_ =	shalt  }
0x6f: {  	_ =	shalt  }
0x70: {  	_ =	shalt  }
0x71: {  	_ =	shalt  }
0x72: {  	_ =	shalt  }
0x73: {  	_ =	shalt  }
0x74: {  	_ =	shalt  }
0x75: {  	_ =	shalt  }
0x76: {  	_ =	shalt  }
0x77: {  	_ =	shalt  }
0x78: {  	_ =	shalt  }
0x79: {  	_ =	shalt  }
0x7a: {  	_ =	shalt  }
0x7b: {  	_ =	shalt  }
0x7c: {  	_ =	shalt  }
0x7d: {  	_ =	shalt  }
0x7e: {  	_ =	shalt  }
0x7f: {  	_ =	shalt  }
0x80: {  	_ =	shalt  }
0x81: {  	_ =	shalt  }
0x82: {  	_ =	shalt  }
0x83: {  	_ =	shalt  }
0x84: {  	_ =	shalt  }
0x85: {  	_ =	shalt  }
0x86: {  	_ =	shalt  }
0x87: {  	_ =	shalt  }
.Lfunc_end0:
.L_simem_size_0:
called_computation_lowered:
.L_overlay_start_0:
0x88: {  	s2 =	sld [smem:$0x3FD9]  }
0x89: {  	s3 =	sld [smem:$0x3FFE];
	_ =	sdelay $0x1  }
0x8a: {  	s1 =	srdreg.scid  }
0x8b: {  	s0 =	sand.u32 $0x1, s1  }
0x8c: {  	s18 =	sshll.u32 s0, $0xA;
	s2 =	sadd.s32 s3, s2  }
0x8d: {  	s2 =	sadd.s32 s2, s18  }
0x8e: {  	[smem:$0x3FC1] =	sst s2  }
0x8f: {  	_ = 	snop  }
0x90: {  	s2 =	sld [smem:$0x3FC9]  }
0x91: {  	s19 =	sld [smem:$0x3FC8]  }
0x92: {  	s4 =	sld [smem:$0x3FC7]  }
0x93: {  	s5 =	sld [smem:$0x3FC6]  }
0x94: {  	s6 =	sld [smem:$0x3FC5]  }
0x95: {  	s7 =	sld [smem:$0x3FC4]  }
0x96: {  	s8 =	sld [smem:$0x3FC3]  }
0x97: {  	s9 =	sld [smem:$0x3FD0];
	(tm) =	ssettm $0x1  }
0x98: {  	s10 =	sld [smem:$0x3FFB];
	_ =	sdelay $0x3  }
0x99: {  	_ =	strace s10  }
0x9a: {  	s10 =	sld [smem:$0x3FFC];
	_ =	sdelay $0x3  }
0x9b: {  	_ =	strace s10  }
0x9c: {  	s10 =	sld [smem:$0x3FFD];
	_ =	sdelay $0x3  }
0x9d: {  	_ =	strace s10  }
0x9e: {  	_ =	strace $0x8FFFFFFF  }
0x9f: {  	s20 =	sld [smem:$0x3FDB];
	_ =	sdelay $0x1  }
0xa0: {  	s11 =	simm.s32 $_scs_section_size  }
0xa1: {  	s12 =	simm.s32 $_size__tile_overlayer_lowered;
	s13 =	simm.s32 $_tile_overlayer_lowered  }
0xa2: {  	s23 =	simm.s32 $0x1BFF;
	s22 =	sshll.u32 s13, $0x1;
	s10 =	sadd.s32 s11, s20  }
0xa3: {  	s14 =	simm.s32 $0x0;
	s21 =	sshll.u32 s12, $0x1;
	s12 =	sadd.s32 s22, s10  }
0xa4: {  	[timem:s14], [sflag:s23] =	dma.local [hbm:s12], s21  }
0xa5: {  	_ =	swait.ge [sflag:s23], s21  }
0xa6: {  	s11 =	ssub.s32 $0x0, s21;
	[sflag:s23] =	ssyncset.done $0x0  }
0xa7: {  	[sflag:s23] =	ssyncadd.s32 s11;
	_ =	sdelay $0x1  }
0xa8: {  	s24 =	simm.s32 $0x1B8B  }
0xa9: {  	_ =	swait.ge [sflag:s24], $0x1  }
0xaa: {  	[sflag:s24] =	ssyncset.done $0x0  }
0xab: {  	s25 =	simm.s32 $0x1B8E;
	[sflag:s24] =	ssyncadd.s32 $0xFFFFFFFF  }
0xac: {  	s26 =	simm.s32 $execute0_lowered;
	[smem:$0x3FD2] =	sst s25  }
0xad: {  	s11 =	sshll.u32 s26, $0x1;
	_ =	strace $0x80000046;
	[dreg:$0x1] =	wrdreg $0xFFFFFFFF  }
0xae: {  	s28 =	simm.s32 $_size_execute0_lowered;
	s10 =	sadd.s32 s10, s11;
	[dreg:$0x0] =	wrdreg $0x0  }
0xaf: {  	s11 =	sshll.u32 s28, $0x1;
	[dreg:$0x2] =	wrdreg s10  }
0xb0: {  	[dreg:$0x3] =	wrdreg s11  }
0xb1: {  	[dreg:$0x4] =	wrdreg $0xC0  }
0xb2: {  	_ =	task [dreg:s14], $0x5FFFF  }
0xb3: {  	[dreg:$0x1] =	wrdreg $0xFFFFFFFF  }
0xb4: {  	[dreg:$0x0] =	wrdreg $0x60  }
0xb5: {  	[dreg:$0x2] =	wrdreg s2  }
0xb6: {  	[dreg:$0x3] =	wrdreg s19  }
0xb7: {  	[dreg:$0x4] =	wrdreg s4  }
0xb8: {  	[dreg:$0x5] =	wrdreg s5  }
0xb9: {  	[dreg:$0x6] =	wrdreg s6  }
0xba: {  	[dreg:$0x7] =	wrdreg s7  }
0xbb: {  	[dreg:$0x8] =	wrdreg s8  }
0xbc: {  	[dreg:$0x9] =	wrdreg s9  }
0xbd: {  	[dreg:$0xa] =	wrdreg $0x9  }
0xbe: {  	_ =	task.clear_ibuf [dreg:s14], $0xBFFFF;
	_ =	strace $0x90000046  }
0xbf: {  	s29 =	simm.s32 $0x9;
	_ =	strace $0x80000048  }
0xc0: {  	_ =	swait.ge [sflag:s29], $0x1  }
0xc1: {  	[sflag:s29] =	ssyncadd.s32 $0xFFFFFFFF  }
0xc2: {  	_ =	strace $0x90000048  }
0xc3: {  	_ =	sfence  }
0xc4: {  	s30 =	sld [smem:$0x0];
	_ =	sdelay $0x2  }
0xc5: {  	s31 =	sshll.u32 s1, $0xD;
	s1 =	sshrl.u32 s1, $0x2  }
0xc6: {  	s3 =	sand.u32 $0x4000, s31;
	s1 =	sadd.s32 s1, s30  }
0xc7: {  	s0 =	sor.u32 s3, s0;
	s1 =	sshll.u32 s1, $0x11  }
0xc8: {  	s0 =	sor.u32 s1, s0  }
0xc9: {  	s0 =	sadd.s32 $0x8F2B, s0  }
0xca: {  	[sflag:s0] =	ssyncadd.remote.s32 $0x1  }
0xcb: {  	_ =	sfence.sel $0xFFFF  }
0xcc: {  	[dreg:$0x0] =	wrdreg $0xFFFFFFFF;
	(pc) =	sbr.abs _section_cstart, $3  }
0xcd: {  	[dreg:$0x1] =	wrdreg $0xFFFFFFFF  }
0xce: {  	_ =	task.clear_ibuf [dreg:s14], $0x2FFFF;
	_ =	strace $0x9FFFFFFF  }
0xcf: {  	(tm) =	ssettm $0x7FFFFFFF  }
tec
execute0_lowered:
.L_overlay_start_1:
0x0: {  	(tag) =	ssettag $0x1  }
0x1: {  	s0 =	rddreg [dreg:$0x0]  }
0x2: {  	s3 =	rddreg [dreg:$0x1]  }
0x3: {  	s1 =	rddreg [dreg:$0x2]  }
0x4: {  	s2 =	rddreg [dreg:$0x3]  }
0x5: {  	s4 =	rddreg [dreg:$0x7];
	s5 =	srdreg.scid  }
0x6: {  	s9 =	simm.s32 $0x0;
	s7 =	stileid.u32;
	s15 =	simm.s32 $0x400  }
0x7: {  	s17 =	simm.s32 $0x7A1400;
	s14 =	simm.s32 $0x1A80;
	s28 =	simm.s32 $0x9A80  }
0x8: {  	s16 =	simm.s32 $0x2A80;
	s29 =	simm.s32 $0xAA80;
	s30 =	simm.s32 $0xBA80  }
0x9: {  	s31 =	simm.s32 $0x4A80;
	s10 =	simm.s32 $0xCA80;
	s11 =	simm.s32 $0x5A80  }
0xa: {  	s13 =	simm.s32 $0xDA80;
	s23 =	simm.s32 $0xEA80;
	s12 =	simm.s32 $0xFA80  }
0xb: {  	s18 =	simm.s32 $0x1;
	s21 =	simm.s32 $0xB;
	s19 =	simm.s32 $0xD  }
0xc: {  	s22 =	simm.s32 $0xE;
	s5 =	sand.u32 $0x1, s5;
	s7 =	sshll.u32 s7, $0x7  }
0xd: {  	[smem:$0x7FF] =	sst s9;
	s6 =	ssub.s32 $0x2, s5;
	s5 =	sshll.u32 s5, $0x6  }
0xe: {  	s20 =	simm.s32 $0xF;
	_ =	strace $0x80000047;
	s5 =	sor.u32 s5, s7  }
0xf: {  	v0 =	vlaneseq.u32;
	vm0 =	vmmov $0x1;
	vm1 =	vmmov $0x3;
	s8 =	sshrl.u32 s6, $0x1;
	s7 =	simm.s32 $0xA80;
	s0 =	sadd.s32 s0, s5  }
0x10: {  	vm2 =	vmmov $0x7;
	vm3 =	vmmov $0xf;
	vm4 =	vmmov $0x1f;
	s6 =	ssub.s32 s6, s8;
	s24 =	sadd.s32 s3, s5;
	[dreg:$0x9] =	wrdreg s0  }
0x11: {  	vm5 =	vmmov $0x3f;
	vm6 =	vmmov $0x7f;
	vm7 =	vmmov $0xff;
	s25 =	sadd.s32 s4, s5;
	s3 =	simm.s32 $0x13;
	[dreg:$0xa] =	wrdreg s24  }
0x12: {  	vm8 =	vcmask $0x2724;
	vm9 =	vcmask $0x2B28;
	v0 =	vmul.u32 $0x80, v0;
	s8 =	simm.s32 $0x3A80;
	s4 =	simm.s32 $0x0;
	[dreg:$0xb] =	wrdreg s25  }
0x13: {  	vm10 =	vcmask $0x2F2C;
	vm11 =	vcmask $0x3330;
	vm12 =	vcmask $0x3734;
	s26 =	smax.u32 s6, $0x1;
	s6 =	simm.s32 $0x8A80;
	s25 =	simm.s32 $0x7A80  }
0x14: {  	vm13 =	vcmask $0x3B38;
	vm14 =	vmmov $0x7fff;
	v1 =	vor.u32 $0x800, v0;
	s24 =	simm.s32 $0xA;
	[dreg:$0xc] =	wrdreg s26;
	s26 =	simm.s32 $0x6A80  }
.LBB2_1:
0x15: {  	[dreg:$0xd] =	wrdreg s4  }
0x16: {  	s0 =	rddreg [dreg:$0x9]  }
0x17: {  	[tilespmem:s9], [sflag:$0x13] =	stream.linear.gather [hbm4b:s0+s9], $0x200, $0x38;
	[tilespmem:$0x10A80] =	vst v63  }
0x18: {  	_ =	swait.ge [sflag:s3], $0x200  }
0x19: {  	[sflag:s3] =	ssyncset.done $0x0  }
0x1a: {  	s4 =	simm.s32 $0x200;
	s5 =	rddreg [dreg:$0xa];
	[sflag:s3] =	ssyncadd.s32 $0xFFFFFE00  }
0x1b: {  	[tilespmem:s4], [sflag:$0x13] =	stream.linear.gather [hbm4b:s5+s9], $0x200, $0x38;
	[tilespmem:$0x10A80] =	vst v63  }
0x1c: {  	_ =	swait.ge [sflag:s3], $0x200  }
0x1d: {  	[sflag:s3] =	ssyncset.done $0x0  }
0x1e: {  	[sflag:s3] =	ssyncadd.s32 $0xFFFFFE00  }
0x1f: {  	s5 =	simm.s32 $0x800;
	s0 =	rddreg [dreg:$0x6]  }
0x20: {  	[tilespmem:s5], [sflag:$0x13] =	stream.linear.gather [hbm4b:s0+s9], $0x80, $0x38;
	[tilespmem:$0x10A80] =	vst v63  }
0x21: {  	_ =	swait.ge [sflag:s3], $0x80  }
0x22: {  	[sflag:s3] =	ssyncset.done $0x0  }
0x23: {  	[sflag:s3] =	ssyncadd.s32 $0xFFFFFF80  }
0x24: {  	s3 =	rddreg [dreg:$0x4]  }
0x25: {  	[tilespmem:s15], [sflag:$0x11] =	stream.indirect.gather [hbm4b:s3+s4], $0x1, s9, s4, $0xb8;
	[tilespmem:$0x10A80] =	vst v63  }
0x26: {  	s5 =	rddreg [dreg:$0x5];
	s9 =	simm.s32 $0x600  }
0x27: {  	[tilespmem:s9], [sflag:$0x12] =	stream.indirect.gather [hbm4b:s5+s4], $0x1, s4, s4, $0xb8;
	[tilespmem:$0x10A80] =	vst v63  }
0x28: {  	v2 =	vld [tilespmem:$0x0];
	_ =	sdelay $0x1  }
0x29: {  	v3 =	vld [tilespmem:$0x200];
	_ =	sdelay $0x2  }
0x2a: {  	(v2sf) =	vpush v2, $0x0;
	_ =	sdelay $0x1  }
0x2b: {  	(v2sf) =	vpush v3, $0x0;
	_ =	sdelay $0x3  }
0x2c: {  	(v2sf) =	vpush v2, $0x1;
	_ =	sdelay $0x2  }
0x2d: {  	(v2sf) =	vpush v3, $0x1;
	_ =	sdelay $0x5  }
0x2e: {  	s5 =	spop (v2sf);
	(v2sf) =	vpush v2, $0x2;
	_ =	sdelay $0x1  }
0x2f: {  	s9 =	spop (v2sf);
	(v2sf) =	vpush v3, $0x2;
	_ =	sdelay $0x3  }
0x30: {  	s3 =	spop (v2sf);
	(v2sf) =	vpush v2, $0x3;
	_ =	sdelay $0x1  }
0x31: {  	s0 =	sand.u32 $0xFFFFF80, s5  }
0x32: {  	s0 =	sadd.s32 s1, s0;
	s4 =	spop (v2sf);
	(v2sf) =	vpush v3, $0x3  }
0x33: {  	[tilespmem:s7], [sflag:$0x1] =	stream.strided.gather [hbm4b:s0+s15], $0x1000, s17, s15, $0x38;
	[tilespmem:$0x10A80] =	vst v63  }
0x34: {  	s0 =	sand.u32 $0xFFFFF80, s9  }
0x35: {  	s0 =	sadd.s32 s2, s0  }
0x36: {  	[tilespmem:s6], [sflag:$0x9] =	stream.strided.gather [hbm4b:s0+s15], $0x1000, s17, s15, $0x38;
	[tilespmem:$0x10A80] =	vst v63  }
0x37: {  	s0 =	sand.u32 $0xFFFFF80, s3  }
0x38: {  	s0 =	sadd.s32 s1, s0;
	s5 =	spop (v2sf);
	(v2sf) =	vpush v2, $0x4  }
0x39: {  	[tilespmem:s14], [sflag:$0x2] =	stream.strided.gather [hbm4b:s0+s15], $0x1000, s17, s15, $0x38;
	[tilespmem:$0x10A80] =	vst v63  }
0x3a: {  	s0 =	sand.u32 $0xFFFFF80, s4;
	s6 =	spop (v2sf);
	(v2sf) =	vpush v3, $0x4  }
0x3b: {  	s0 =	sadd.s32 s2, s0  }
0x3c: {  	[tilespmem:s28], [sflag:$0xA] =	stream.strided.gather [hbm4b:s0+s15], $0x1000, s17, s15, $0x38;
	[tilespmem:$0x10A80] =	vst v63  }
0x3d: {  	s0 =	sand.u32 $0xFFFFF80, s5  }
0x3e: {  	s0 =	sadd.s32 s1, s0;
	s9 =	spop (v2sf)  }
0x3f: {  	(v2sf) =	vpush v2, $0x5;
	[tilespmem:s16], [sflag:$0x3] =	stream.strided.gather [hbm4b:s0+s15], $0x1000, s17, s15, $0x38;
	[tilespmem:$0x10A80] =	vst v63  }
0x40: {  	s0 =	sand.u32 $0xFFFFF80, s6  }
0x41: {  	s3 =	spop (v2sf);
	s0 =	sadd.s32 s2, s0  }
0x42: {  	(v2sf) =	vpush v3, $0x5;
	[tilespmem:s29], [sflag:$0xB] =	stream.strided.gather [hbm4b:s0+s15], $0x1000, s17, s15, $0x38;
	[tilespmem:$0x10A80] =	vst v63  }
0x43: {  	s0 =	sand.u32 $0xFFFFF80, s9  }
0x44: {  	s0 =	sadd.s32 s1, s0  }
0x45: {  	[tilespmem:s8], [sflag:$0x4] =	stream.strided.gather [hbm4b:s0+s15], $0x1000, s17, s15, $0x38;
	[tilespmem:$0x10A80] =	vst v63  }
0x46: {  	s0 =	sand.u32 $0xFFFFF80, s3  }
0x47: {  	s0 =	sadd.s32 s2, s0;
	s4 =	spop (v2sf);
	(v2sf) =	vpush v2, $0x6  }
0x48: {  	[tilespmem:s30], [sflag:$0xC] =	stream.strided.gather [hbm4b:s0+s15], $0x1000, s17, s15, $0x38;
	[tilespmem:$0x10A80] =	vst v63  }
0x49: {  	s5 =	spop (v2sf);
	(v2sf) =	vpush v3, $0x6  }
0x4a: {  	s0 =	sand.u32 $0xFFFFF80, s4  }
0x4b: {  	s0 =	sadd.s32 s1, s0  }
0x4c: {  	[tilespmem:s31], [sflag:$0x5] =	stream.strided.gather [hbm4b:s0+s15], $0x1000, s17, s15, $0x38;
	[tilespmem:$0x10A80] =	vst v63  }
0x4d: {  	s0 =	sand.u32 $0xFFFFF80, s5  }
0x4e: {  	s6 =	spop (v2sf);
	s0 =	sadd.s32 s2, s0  }
0x4f: {  	[tilespmem:s10], [sflag:$0xD] =	stream.strided.gather [hbm4b:s0+s15], $0x1000, s17, s15, $0x38;
	[tilespmem:$0x10A80] =	vst v63  }
0x50: {  	s0 =	sand.u32 $0xFFFFF80, s6  }
0x51: {  	s9 =	spop (v2sf);
	s0 =	sadd.s32 s1, s0  }
0x52: {  	[tilespmem:s11], [sflag:$0x6] =	stream.strided.gather [hbm4b:s0+s15], $0x1000, s17, s15, $0x38;
	[tilespmem:$0x10A80] =	vst v63  }
0x53: {  	s0 =	sand.u32 $0xFFFFF80, s9  }
0x54: {  	s0 =	sadd.s32 s2, s0  }
0x55: {  	[tilespmem:s13], [sflag:$0xE] =	stream.strided.gather [hbm4b:s0+s15], $0x1000, s17, s15, $0x38;
	[tilespmem:$0x10A80] =	vst v63  }
0x56: {  	s10 =	spop (v2sf)  }
0x57: {  	s0 =	sand.u32 $0xFFFFF80, s10  }
0x58: {  	s11 =	spop (v2sf);
	s0 =	sadd.s32 s1, s0  }
0x59: {  	[tilespmem:s26], [sflag:$0x7] =	stream.strided.gather [hbm4b:s0+s15], $0x1000, s17, s15, $0x38;
	[tilespmem:$0x10A80] =	vst v63  }
0x5a: {  	s0 =	sand.u32 $0xFFFFF80, s11  }
0x5b: {  	s13 =	simm.s32 $0x11;
	s0 =	sadd.s32 s2, s0  }
0x5c: {  	[tilespmem:s23], [sflag:$0xF] =	stream.strided.gather [hbm4b:s0+s15], $0x1000, s17, s15, $0x38;
	[tilespmem:$0x10A80] =	vst v63  }
0x5d: {  	_ =	swait.ge [sflag:s13], $0x200  }
0x5e: {  	[sflag:s13] =	ssyncset.done $0x0  }
0x5f: {  	s23 =	simm.s32 $0x12;
	[sflag:s13] =	ssyncadd.s32 $0xFFFFFE00  }
0x60: {  	_ =	swait.ge [sflag:s23], $0x200  }
0x61: {  	[sflag:s23] =	ssyncset.done $0x0  }
0x62: {  	[sflag:s23] =	ssyncadd.s32 $0xFFFFFE00  }
0x63: {  	s23 =	simm.s32 $0x0;
	v2 =	vld [tilespmem:$0x800]  }
.LBB2_2:
0x64: {  	s0 =	sshra.s32 s23, $0x2  }
0x65: {  	v11 =	vld [tilespmem:s0+$0x0];
	_ =	sdelay $0x1  }
0x66: {  	v10 =	vld [tilespmem:s0+$0x200];
	_ =	sdelay $0x2  }
0x67: {  	(v2sf) =	vpush v11, $0x7;
	_ =	sdelay $0x1  }
0x68: {  	(v2sf) =	vpush v10, $0x7;
	_ =	sdelay $0x1  }
0x69: {  	(v2sf) =	vpush v11, $0x0  }
0x6a: {  	(v2sf) =	vpush v10, $0x0;
	_ =	sdelay $0x9  }
0x6b: {  	s5 =	spop (v2sf)  }
0x6c: {  	s13 =	sand.u32 $0xFFFFF80, s5  }
0x6d: {  	[dreg:$0xe] =	wrdreg s0;
	s4 =	spop (v2sf);
	s0 =	sadd.s32 s1, s13  }
0x6e: {  	[tilespmem:s25], [sflag:$0x8] =	stream.strided.gather [hbm4b:s0+s15], $0x1000, s17, s15, $0x38;
	[tilespmem:$0x10A80] =	vst v63  }
0x6f: {  	s3 =	spop (v2sf);
	s25 =	sand.u32 $0xFFFFF80, s4  }
0x70: {  	s6 =	spop (v2sf);
	s0 =	sadd.s32 s2, s25  }
0x71: {  	[tilespmem:s12], [sflag:$0x10] =	stream.strided.gather [hbm4b:s0+s15], $0x1000, s17, s15, $0x38;
	[tilespmem:$0x10A80] =	vst v63  }
0x72: {  	s0 =	sand.u32 $0x7F, s3;
	_ =	swait.ge [sflag:s18], $0x1000  }
0x73: {  	v3 =	vor.u32 s0, v0;
	[sflag:s18] =	ssyncset.done $0x0  }
0x74: {  	s9 =	simm.s32 $0x9;
	s6 =	sand.u32 $0x7F, s6;
	v4 =	vor.u32 s0, v1;
	[sflag:s18] =	ssyncadd.s32 $0xFFFFF000  }
0x75: {  	v5 =	vor.u32 s6, v0;
	_ =	swait.ge [sflag:s9], $0x1000  }
0x76: {  	v6 =	vor.u32 s6, v1;
	[sflag:s9] =	ssyncset.done $0x0  }
0x77: {  	[sflag:s9] =	ssyncadd.s32 $0xFFFFF000  }
0x78: {  	v3 =	vld.idx.msk [tilespmem:v3+s7+$0x0], $0xffff  }
0x79: {  	s6 =	simm.s32 $0x8A80;
	v4 =	vld.idx.msk [tilespmem:v4+s7+$0x0], $0xffff  }
0x7a: {  	(v2sf) =	vpush v11, $0x8;
	v5 =	vld.idx.msk [tilespmem:v5+s6+$0x0], $0xffff  }
0x7b: {  	(v2sf) =	vpush v10, $0x8;
	v6 =	vld.idx.msk [tilespmem:v6+s6+$0x0], $0xffff  }
0x7c: {  	(v2sf) =	vpush v11, $0x1;
	_ =	sdelay $0x1  }
0x7d: {  	(v2sf) =	vpush v10, $0x1;
	_ =	sdelay $0x1  }
0x7e: {  	v3 =	vmul.f32 v5, v3;
	v4 =	vmul.f32 v6, v4;
	_ =	sdelay $0x1  }
0x7f: {  	v3 =	vadd.f32 v4, v3;
	_ =	sdelay $0x1  }
0x80: {  	(xrf2) =	vadd.scan.msk.f32 $0xffff, v3;
	_ =	sdelay $0x4  }
0x81: {  	s13 =	spop (v2sf)  }
0x82: {  	s3 =	simm.s32 $0x8A80;
	s10 =	sand.u32 $0xFFFFF80, s13;
	s11 =	spop (v2sf)  }
0x83: {  	s0 =	sadd.s32 s1, s10;
	s12 =	sand.u32 $0xFFFFF80, s11;
	s18 =	spop (v2sf)  }
0x84: {  	[tilespmem:s7], [sflag:$0x1] =	stream.strided.gather [hbm4b:s0+s15], $0x1000, s17, s15, $0x38;
	[tilespmem:$0x10A80] =	vst v63  }
0x85: {  	s10 =	simm.s32 $0x2;
	s0 =	sadd.s32 s2, s12;
	s25 =	spop (v2sf)  }
0x86: {  	[tilespmem:s3], [sflag:$0x9] =	stream.strided.gather [hbm4b:s0+s15], $0x1000, s17, s15, $0x38;
	v3, _, _ =	vpop (xrf2);
	[tilespmem:$0x10A80] =	vst v63  }
0x87: {  	s0 =	sand.u32 $0x7F, s18;
	_ =	swait.ge [sflag:s10], $0x1000  }
0x88: {  	v9 =	vor.u32 s0, v0;
	[sflag:s10] =	ssyncset.done $0x0  }
0x89: {  	s6 =	sand.u32 $0x7F, s25;
	v12 =	vor.u32 s0, v1;
	[sflag:s10] =	ssyncadd.s32 $0xFFFFF000  }
0x8a: {  	v13 =	vor.u32 s6, v0;
	_ =	swait.ge [sflag:s24], $0x1000  }
0x8b: {  	v7 =	vor.u32 s6, v1;
	[sflag:s24] =	ssyncset.done $0x0  }
0x8c: {  	[sflag:s24] =	ssyncadd.s32 $0xFFFFF000  }
0x8d: {  	v4 =	vld.idx.msk [tilespmem:v9+s14+$0x0], $0xffff  }
0x8e: {  	v5 =	vld.idx.msk [tilespmem:v12+s14+$0x0], $0xffff  }
0x8f: {  	(v2sf) =	vpush v11, $0x9;
	v6 =	vld.idx.msk [tilespmem:v13+s28+$0x0], $0xffff  }
0x90: {  	(v2sf) =	vpush v10, $0x9;
	v7 =	vld.idx.msk [tilespmem:v7+s28+$0x0], $0xffff  }
0x91: {  	(v2sf) =	vpush v11, $0x2;
	_ =	sdelay $0x1  }
0x92: {  	(v2sf) =	vpush v10, $0x2;
	_ =	sdelay $0x1  }
0x93: {  	v4 =	vmul.f32 v6, v4;
	v5 =	vmul.f32 v7, v5;
	_ =	sdelay $0x1  }
0x94: {  	v4 =	vadd.f32 v5, v4;
	_ =	sdelay $0x1  }
0x95: {  	(xrf2) =	vadd.scan.msk.f32 $0xffff, v4;
	_ =	sdelay $0x4  }
0x96: {  	s12 =	simm.s32 $0x1A80;
	s14 =	spop (v2sf)  }
0x97: {  	s25 =	simm.s32 $0x9A80;
	s18 =	sand.u32 $0xFFFFF80, s14;
	s28 =	spop (v2sf)  }
0x98: {  	s0 =	sadd.s32 s1, s18;
	s3 =	sand.u32 $0xFFFFF80, s28;
	s10 =	spop (v2sf)  }
0x99: {  	[tilespmem:s12], [sflag:$0x2] =	stream.strided.gather [hbm4b:s0+s15], $0x1000, s17, s15, $0x38;
	[tilespmem:$0x10A80] =	vst v63  }
0x9a: {  	s18 =	simm.s32 $0x3;
	s0 =	sadd.s32 s2, s3;
	s12 =	spop (v2sf)  }
0x9b: {  	[tilespmem:s25], [sflag:$0xA] =	stream.strided.gather [hbm4b:s0+s15], $0x1000, s17, s15, $0x38;
	v4, _, _ =	vpop (xrf2);
	[tilespmem:$0x10A80] =	vst v63  }
0x9c: {  	s0 =	sand.u32 $0x7F, s10;
	_ =	swait.ge [sflag:s18], $0x1000  }
0x9d: {  	v14 =	vor.u32 s0, v0;
	[sflag:s18] =	ssyncset.done $0x0  }
0x9e: {  	s6 =	sand.u32 $0x7F, s12;
	v15 =	vor.u32 s0, v1;
	[sflag:s18] =	ssyncadd.s32 $0xFFFFF000  }
0x9f: {  	v16 =	vor.u32 s6, v0;
	_ =	swait.ge [sflag:s21], $0x1000  }
0xa0: {  	v8 =	vor.u32 s6, v1;
	[sflag:s21] =	ssyncset.done $0x0  }
0xa1: {  	[sflag:s21] =	ssyncadd.s32 $0xFFFFF000  }
0xa2: {  	v5 =	vld.idx.msk [tilespmem:v14+s16+$0x0], $0xffff  }
0xa3: {  	(v2sf) =	vpush v11, $0xA;
	v6 =	vld.idx.msk [tilespmem:v15+s16+$0x0], $0xffff  }
0xa4: {  	(v2sf) =	vpush v10, $0xA;
	v7 =	vld.idx.msk [tilespmem:v16+s29+$0x0], $0xffff  }
0xa5: {  	v8 =	vld.idx.msk [tilespmem:v8+s29+$0x0], $0xffff;
	_ =	sdelay $0x1  }
0xa6: {  	(v2sf) =	vpush v11, $0x3;
	_ =	sdelay $0x1  }
0xa7: {  	(v2sf) =	vpush v10, $0x3  }
0xa8: {  	v5 =	vmul.f32 v7, v5;
	v6 =	vmul.f32 v8, v6;
	_ =	sdelay $0x1  }
0xa9: {  	v5 =	vadd.f32 v6, v5;
	_ =	sdelay $0x1  }
0xaa: {  	(xrf2) =	vadd.scan.msk.f32 $0xffff, v5;
	_ =	sdelay $0x3  }
0xab: {  	s16 =	spop (v2sf)  }
0xac: {  	s6 =	sand.u32 $0xFFFFF80, s16;
	s29 =	spop (v2sf)  }
0xad: {  	s25 =	simm.s32 $0x2A80;
	s0 =	sadd.s32 s1, s6;
	s12 =	sand.u32 $0xFFFFF80, s29  }
0xae: {  	[tilespmem:s25], [sflag:$0x3] =	stream.strided.gather [hbm4b:s0+s15], $0x1000, s17, s15, $0x38;
	[tilespmem:$0x10A80] =	vst v63  }
0xaf: {  	s10 =	simm.s32 $0xAA80;
	s18 =	spop (v2sf);
	s0 =	sadd.s32 s2, s12  }
0xb0: {  	[tilespmem:s10], [sflag:$0xB] =	stream.strided.gather [hbm4b:s0+s15], $0x1000, s17, s15, $0x38;
	[tilespmem:$0x10A80] =	vst v63  }
0xb1: {  	s25 =	spop (v2sf);
	s10 =	simm.s32 $0x4;
	v5, _, _ =	vpop (xrf2)  }
0xb2: {  	s0 =	sand.u32 $0x7F, s18;
	_ =	swait.ge [sflag:s10], $0x1000  }
0xb3: {  	v17 =	vor.u32 s0, v0;
	[sflag:s10] =	ssyncset.done $0x0  }
0xb4: {  	s6 =	sand.u32 $0x7F, s25;
	v18 =	vor.u32 s0, v1;
	[sflag:s10] =	ssyncadd.s32 $0xFFFFF000;
	s10 =	simm.s32 $0xC  }
0xb5: {  	v19 =	vor.u32 s6, v0;
	_ =	swait.ge [sflag:s10], $0x1000  }
0xb6: {  	v9 =	vor.u32 s6, v1;
	[sflag:s10] =	ssyncset.done $0x0  }
0xb7: {  	[sflag:s10] =	ssyncadd.s32 $0xFFFFF000  }
0xb8: {  	v6 =	vld.idx.msk [tilespmem:v17+s8+$0x0], $0xffff  }
0xb9: {  	(v2sf) =	vpush v11, $0xB;
	v7 =	vld.idx.msk [tilespmem:v18+s8+$0x0], $0xffff  }
0xba: {  	(v2sf) =	vpush v10, $0xB;
	v8 =	vld.idx.msk [tilespmem:v19+s30+$0x0], $0xffff  }
0xbb: {  	v9 =	vld.idx.msk [tilespmem:v9+s30+$0x0], $0xffff;
	_ =	sdelay $0x1  }
0xbc: {  	(v2sf) =	vpush v11, $0x4;
	_ =	sdelay $0x1  }
0xbd: {  	(v2sf) =	vpush v10, $0x4  }
0xbe: {  	v6 =	vmul.f32 v8, v6;
	v7 =	vmul.f32 v9, v7;
	_ =	sdelay $0x1  }
0xbf: {  	v6 =	vadd.f32 v7, v6;
	_ =	sdelay $0x1  }
0xc0: {  	(xrf2) =	vadd.scan.msk.f32 $0xffff, v6;
	_ =	sdelay $0x3  }
0xc1: {  	s8 =	spop (v2sf)  }
0xc2: {  	s18 =	sand.u32 $0xFFFFF80, s8;
	s30 =	spop (v2sf)  }
0xc3: {  	s12 =	simm.s32 $0x3A80;
	s0 =	sadd.s32 s1, s18;
	s3 =	sand.u32 $0xFFFFF80, s30  }
0xc4: {  	[tilespmem:s12], [sflag:$0x4] =	stream.strided.gather [hbm4b:s0+s15], $0x1000, s17, s15, $0x38;
	[tilespmem:$0x10A80] =	vst v63  }
0xc5: {  	s25 =	simm.s32 $0xBA80;
	s0 =	sadd.s32 s2, s3;
	s12 =	spop (v2sf)  }
0xc6: {  	[tilespmem:s25], [sflag:$0xC] =	stream.strided.gather [hbm4b:s0+s15], $0x1000, s17, s15, $0x38;
	[tilespmem:$0x10A80] =	vst v63  }
0xc7: {  	s18 =	spop (v2sf);
	s25 =	simm.s32 $0x5;
	v6, _, _ =	vpop (xrf2)  }
0xc8: {  	s0 =	sand.u32 $0x7F, s12;
	_ =	swait.ge [sflag:s25], $0x1000  }
0xc9: {  	v20 =	vor.u32 s0, v0;
	[sflag:s25] =	ssyncset.done $0x0  }
0xca: {  	s6 =	sand.u32 $0x7F, s18;
	v21 =	vor.u32 s0, v1;
	[sflag:s25] =	ssyncadd.s32 $0xFFFFF000  }
0xcb: {  	v22 =	vor.u32 s6, v0;
	_ =	swait.ge [sflag:s19], $0x1000  }
0xcc: {  	v12 =	vor.u32 s6, v1;
	[sflag:s19] =	ssyncset.done $0x0  }
0xcd: {  	[sflag:s19] =	ssyncadd.s32 $0xFFFFF000  }
0xce: {  	v7 =	vld.idx.msk [tilespmem:v20+s31+$0x0], $0xffff  }
0xcf: {  	s6 =	simm.s32 $0xCA80;
	(v2sf) =	vpush v11, $0xC;
	v8 =	vld.idx.msk [tilespmem:v21+s31+$0x0], $0xffff  }
0xd0: {  	v9 =	vld.idx.msk [tilespmem:v22+s6+$0x0], $0xffff  }
0xd1: {  	(v2sf) =	vpush v10, $0xC;
	v12 =	vld.idx.msk [tilespmem:v12+s6+$0x0], $0xffff;
	_ =	sdelay $0x1  }
0xd2: {  	(v2sf) =	vpush v11, $0x5  }
0xd3: {  	(v2sf) =	vpush v10, $0x5;
	_ =	sdelay $0x1  }
0xd4: {  	v7 =	vmul.f32 v9, v7;
	v8 =	vmul.f32 v12, v8;
	_ =	sdelay $0x1  }
0xd5: {  	v7 =	vadd.f32 v8, v7;
	_ =	sdelay $0x1  }
0xd6: {  	(xrf2) =	vadd.scan.msk.f32 $0xffff, v7;
	_ =	sdelay $0x3  }
0xd7: {  	s31 =	spop (v2sf)  }
0xd8: {  	s18 =	simm.s32 $0x4A80;
	s12 =	sand.u32 $0xFFFFF80, s31  }
0xd9: {  	s6 =	simm.s32 $0xCA80;
	s25 =	spop (v2sf);
	s0 =	sadd.s32 s1, s12  }
0xda: {  	[tilespmem:s18], [sflag:$0x5] =	stream.strided.gather [hbm4b:s0+s15], $0x1000, s17, s15, $0x38;
	[tilespmem:$0x10A80] =	vst v63  }
0xdb: {  	[dreg:$0x10] =	wrdreg s25;
	s12 =	sand.u32 $0xFFFFF80, s25;
	s18 =	spop (v2sf)  }
0xdc: {  	s0 =	sadd.s32 s2, s12;
	s12 =	simm.s32 $0x6;
	s25 =	spop (v2sf)  }
0xdd: {  	[tilespmem:s6], [sflag:$0xD] =	stream.strided.gather [hbm4b:s0+s15], $0x1000, s17, s15, $0x38;
	v7, _, _ =	vpop (xrf2);
	[tilespmem:$0x10A80] =	vst v63  }
0xde: {  	s0 =	sand.u32 $0x7F, s18;
	_ =	swait.ge [sflag:s12], $0x1000  }
0xdf: {  	v23 =	vor.u32 s0, v0;
	[sflag:s12] =	ssyncset.done $0x0  }
0xe0: {  	s6 =	sand.u32 $0x7F, s25;
	v24 =	vor.u32 s0, v1;
	[sflag:s12] =	ssyncadd.s32 $0xFFFFF000  }
0xe1: {  	v25 =	vor.u32 s6, v0;
	_ =	swait.ge [sflag:s22], $0x1000  }
0xe2: {  	v13 =	vor.u32 s6, v1;
	[sflag:s22] =	ssyncset.done $0x0  }
0xe3: {  	s18 =	simm.s32 $0x5A80;
	[sflag:s22] =	ssyncadd.s32 $0xFFFFF000  }
0xe4: {  	(v2sf) =	vpush v11, $0xD;
	v8 =	vld.idx.msk [tilespmem:v23+s18+$0x0], $0xffff  }
0xe5: {  	s6 =	simm.s32 $0xDA80;
	v9 =	vld.idx.msk [tilespmem:v24+s18+$0x0], $0xffff  }
0xe6: {  	(v2sf) =	vpush v10, $0xD;
	v12 =	vld.idx.msk [tilespmem:v25+s6+$0x0], $0xffff  }
0xe7: {  	v13 =	vld.idx.msk [tilespmem:v13+s6+$0x0], $0xffff;
	_ =	sdelay $0x1  }
0xe8: {  	(v2sf) =	vpush v11, $0x6;
	_ =	sdelay $0x1  }
0xe9: {  	(v2sf) =	vpush v10, $0x6  }
0xea: {  	v8 =	vmul.f32 v12, v8;
	v9 =	vmul.f32 v13, v9;
	_ =	sdelay $0x1  }
0xeb: {  	v8 =	vadd.f32 v9, v8;
	_ =	sdelay $0x1  }
0xec: {  	(xrf2) =	vadd.scan.msk.f32 $0xffff, v8;
	_ =	sdelay $0x2  }
0xed: {  	s12 =	spop (v2sf)  }
0xee: {  	s6 =	sand.u32 $0xFFFFF80, s12  }
0xef: {  	s25 =	simm.s32 $0x5A80;
	s18 =	spop (v2sf);
	s6 =	sadd.s32 s1, s6  }
0xf0: {  	[tilespmem:s25], [sflag:$0x6] =	stream.strided.gather [hbm4b:s6+s15], $0x1000, s17, s15, $0x38;
	[tilespmem:$0x10A80] =	vst v63  }
0xf1: {  	s3 =	simm.s32 $0xDA80;
	s25 =	sand.u32 $0xFFFFF80, s18  }
0xf2: {  	[dreg:$0xf] =	wrdreg s12;
	s0 =	spop (v2sf);
	s6 =	sadd.s32 s2, s25  }
0xf3: {  	[tilespmem:s3], [sflag:$0xE] =	stream.strided.gather [hbm4b:s6+s15], $0x1000, s17, s15, $0x38;
	[tilespmem:$0x10A80] =	vst v63  }
0xf4: {  	[dreg:$0x11] =	wrdreg s18;
	s25 =	spop (v2sf);
	s3 =	simm.s32 $0x7;
	v8, _, _ =	vpop (xrf2)  }
0xf5: {  	s6 =	sand.u32 $0x7F, s0;
	_ =	swait.ge [sflag:s3], $0x1000  }
0xf6: {  	v26 =	vor.u32 s6, v0;
	[sflag:s3] =	ssyncset.done $0x0  }
0xf7: {  	s25 =	sand.u32 $0x7F, s25;
	v27 =	vor.u32 s6, v1;
	[sflag:s3] =	ssyncadd.s32 $0xFFFFF000  }
0xf8: {  	v28 =	vor.u32 s25, v0;
	_ =	swait.ge [sflag:s20], $0x1000  }
0xf9: {  	v14 =	vor.u32 s25, v1;
	[sflag:s20] =	ssyncset.done $0x0  }
0xfa: {  	[sflag:s20] =	ssyncadd.s32 $0xFFFFF000  }
0xfb: {  	(v2sf) =	vpush v11, $0xE;
	v9 =	vld.idx.msk [tilespmem:v26+s26+$0x0], $0xffff  }
0xfc: {  	s0 =	simm.s32 $0xEA80;
	v12 =	vld.idx.msk [tilespmem:v27+s26+$0x0], $0xffff  }
0xfd: {  	(v2sf) =	vpush v10, $0xE;
	v13 =	vld.idx.msk [tilespmem:v28+s0+$0x0], $0xffff  }
0xfe: {  	v14 =	vld.idx.msk [tilespmem:v14+s0+$0x0], $0xffff;
	_ =	sdelay $0x4  }
0xff: {  	v9 =	vmul.f32 v13, v9;
	v12 =	vmul.f32 v14, v12;
	_ =	sdelay $0x1  }
0x100: {  	v9 =	vadd.f32 v12, v9;
	_ =	sdelay $0x1  }
0x101: {  	(xrf2) =	vadd.scan.msk.f32 $0xffff, v9;
	_ =	sdelay $0x2  }
0x102: {  	s26 =	spop (v2sf)  }
0x103: {  	s6 =	sand.u32 $0xFFFFF80, s26  }
0x104: {  	s3 =	simm.s32 $0x6A80;
	s25 =	spop (v2sf);
	s6 =	sadd.s32 s1, s6  }
0x105: {  	[tilespmem:s3], [sflag:$0x7] =	stream.strided.gather [hbm4b:s6+s15], $0x1000, s17, s15, $0x38;
	[tilespmem:$0x10A80] =	vst v63  }
0x106: {  	s3 =	sand.u32 $0xFFFFF80, s25  }
0x107: {  	s0 =	simm.s32 $0xEA80;
	s6 =	sadd.s32 s2, s3  }
0x108: {  	[tilespmem:s0], [sflag:$0xF] =	stream.strided.gather [hbm4b:s6+s15], $0x1000, s17, s15, $0x38;
	[tilespmem:$0x10A80] =	vst v63  }
0x109: {  	s6 =	simm.s32 $0x8;
	v9, _, _ =	vpop (xrf2)  }
0x10a: {  	s5 =	sand.u32 $0x7F, s5;
	_ =	swait.ge [sflag:s6], $0x1000  }
0x10b: {  	v29 =	vor.u32 s5, v0;
	[sflag:s6] =	ssyncset.done $0x0  }
0x10c: {  	v30 =	vor.u32 s5, v1;
	s5 =	simm.s32 $0x10;
	s4 =	sand.u32 $0x7F, s4;
	[sflag:s6] =	ssyncadd.s32 $0xFFFFF000  }
0x10d: {  	v31 =	vor.u32 s4, v0;
	_ =	swait.ge [sflag:s5], $0x1000  }
0x10e: {  	v15 =	vor.u32 s4, v1;
	[sflag:s5] =	ssyncset.done $0x0  }
0x10f: {  	s12 =	simm.s32 $0x7A80;
	[sflag:s5] =	ssyncadd.s32 $0xFFFFF000  }
0x110: {  	v12 =	vld.idx.msk [tilespmem:v29+s12+$0x0], $0xffff  }
0x111: {  	s18 =	simm.s32 $0xFA80;
	v13 =	vld.idx.msk [tilespmem:v30+s12+$0x0], $0xffff  }
0x112: {  	(v2sf) =	vpush v11, $0xF;
	v32 =	vld.idx.msk [tilespmem:v31+s18+$0x0], $0xffff  }
0x113: {  	(v2sf) =	vpush v10, $0xF;
	v33 =	vld.idx.msk [tilespmem:v15+s18+$0x0], $0xffff;
	_ =	sdelay $0x4  }
0x114: {  	v34 =	vmul.f32 v32, v12;
	v35 =	vmul.f32 v33, v13;
	_ =	sdelay $0x1  }
0x115: {  	v10 =	vadd.f32 v35, v34;
	_ =	sdelay $0x1  }
0x116: {  	(xrf2) =	vadd.scan.msk.f32 $0xffff, v10;
	_ =	sdelay $0x4  }
0x117: {  	s4 =	spop (v2sf)  }
0x118: {  	s0 =	sand.u32 $0xFFFFF80, s4;
	s3 =	spop (v2sf)  }
0x119: {  	s18 =	simm.s32 $0x1;
	s6 =	sadd.s32 s1, s0;
	s0 =	sand.u32 $0xFFFFF80, s3  }
0x11a: {  	[tilespmem:s12], [sflag:$0x8] =	stream.strided.gather [hbm4b:s6+s15], $0x1000, s17, s15, $0x38;
	[tilespmem:$0x10A80] =	vst v63  }
0x11b: {  	[dreg:$0x12] =	wrdreg s3;
	s12 =	simm.s32 $0xFA80;
	s6 =	sadd.s32 s2, s0  }
0x11c: {  	[tilespmem:s12], [sflag:$0x10] =	stream.strided.gather [hbm4b:s6+s15], $0x1000, s17, s15, $0x38;
	v10, _, _ =	vpop (xrf2);
	[tilespmem:$0x10A80] =	vst v63  }
0x11d: {  	_ =	swait.ge [sflag:s18], $0x1000  }
0x11e: {  	[sflag:s18] =	ssyncset.done $0x0  }
0x11f: {  	[sflag:s18] =	ssyncadd.s32 $0xFFFFF000  }
0x120: {  	_ =	swait.ge [sflag:s9], $0x1000  }
0x121: {  	p0 =	seq.s32 s23, $0x7C0;
	[sflag:s9] =	ssyncset.done $0x0  }
0x122: {  	s6 =	sshra.s32 @!p0 s23, $0x2;
	[sflag:s9] =	ssyncadd.s32 $0xFFFFF000  }
0x123: {  	v11 =	vld @!p0 [tilespmem:s6+$0x10]  }
0x124: {  	s13 =	sand.u32 $0x7F, s13  }
0x125: {  	v36 =	vor.u32 s13, v0  }
0x126: {  	s11 =	sand.u32 $0x7F, s11;
	v37 =	vor.u32 s13, v1  }
0x127: {  	v38 =	vor.u32 s11, v0  }
0x128: {  	v39 =	vor.u32 s11, v1;
	(v2sf) =	vpush @!p0 v11, $0x0;
	v11 =	vld @!p0 [tilespmem:s6+$0x210];
	_ =	sdelay $0x1  }
0x129: {  	v12 =	vld.idx.msk [tilespmem:v36+s7+$0x0], $0xffff  }
0x12a: {  	s3 =	simm.s32 $0x8A80;
	v13 =	vld.idx.msk [tilespmem:v37+s7+$0x0], $0xffff  }
0x12b: {  	v14 =	vld.idx.msk [tilespmem:v38+s3+$0x0], $0xffff  }
0x12c: {  	v15 =	vld.idx.msk [tilespmem:v39+s3+$0x0], $0xffff;
	(v2sf) =	vpush @!p0 v11, $0x0;
	_ =	sdelay $0x4  }
0x12d: {  	v40 =	vmul.f32 v14, v12;
	v41 =	vmul.f32 v15, v13;
	_ =	sdelay $0x1  }
0x12e: {  	v11 =	vadd.f32 v41, v40;
	_ =	sdelay $0x1  }
0x12f: {  	(xrf2) =	vadd.scan.msk.f32 $0xffff, v11;
	_ =	sdelay $0x1  }
0x130: {  	s11 =	spop @!p0 (v2sf)  }
0x131: {  	s13 =	simm.s32 @!p0 $0x7A1400;
	s11 =	sand.u32 @!p0 $0xFFFFF80, s11  }
0x132: {  	s7 =	simm.s32 @!p0 $0xA80;
	s3 =	sadd.s32 @!p0 s1, s11;
	s11 =	simm.s32 @!p0 $0x400  }
0x133: {  	[tilespmem:s7], [sflag:$0x1] =	stream.strided.gather @!p0 [hbm4b:s3+s11], $0x1000, s13, s11, $0x38;
	[tilespmem:$0x10A80] =	vst v63  }
0x134: {  	s3 =	spop @!p0 (v2sf)  }
0x135: {  	s3 =	sand.u32 @!p0 $0xFFFFF80, s3  }
0x136: {  	s7 =	simm.s32 @!p0 $0x8A80;
	s3 =	sadd.s32 @!p0 s2, s3  }
0x137: {  	[tilespmem:s7], [sflag:$0x9] =	stream.strided.gather @!p0 [hbm4b:s3+s11], $0x1000, s13, s11, $0x38;
	[tilespmem:$0x10A80] =	vst v63  }
0x138: {  	v11, _, _ =	vpop (xrf2);
	s7 =	simm.s32 $0x2  }
0x139: {  	_ =	swait.ge [sflag:s7], $0x1000  }
0x13a: {  	[sflag:s7] =	ssyncset.done $0x0  }
0x13b: {  	[sflag:s7] =	ssyncadd.s32 $0xFFFFF000  }
0x13c: {  	_ =	swait.ge [sflag:s24], $0x1000  }
0x13d: {  	[sflag:s24] =	ssyncset.done $0x0  }
0x13e: {  	[sflag:s24] =	ssyncadd.s32 $0xFFFFF000  }
0x13f: {  	s9 =	sand.u32 $0x7F, s14;
	v13 =	vld @!p0 [tilespmem:s6+$0x10]  }
0x140: {  	v42 =	vor.u32 s9, v0  }
0x141: {  	s0 =	sand.u32 $0x7F, s28;
	v43 =	vor.u32 s9, v1  }
0x142: {  	v44 =	vor.u32 s0, v0  }
0x143: {  	v16 =	vor.u32 s0, v1;
	v17 =	vld @!p0 [tilespmem:s6+$0x210]  }
0x144: {  	s14 =	simm.s32 $0x1A80;
	(v2sf) =	vpush @!p0 v13, $0x1  }
0x145: {  	v12 =	vld.idx.msk [tilespmem:v42+s14+$0x0], $0xffff  }
0x146: {  	s28 =	simm.s32 $0x9A80;
	v45 =	vld.idx.msk [tilespmem:v43+s14+$0x0], $0xffff  }
0x147: {  	v46 =	vld.idx.msk [tilespmem:v44+s28+$0x0], $0xffff  }
0x148: {  	v47 =	vld.idx.msk [tilespmem:v16+s28+$0x0], $0xffff;
	(v2sf) =	vpush @!p0 v17, $0x1;
	_ =	sdelay $0x4  }
0x149: {  	v12 =	vmul.f32 v46, v12;
	v13 =	vmul.f32 v47, v45;
	_ =	sdelay $0x1  }
0x14a: {  	v12 =	vadd.f32 v13, v12;
	_ =	sdelay $0x1  }
0x14b: {  	(xrf2) =	vadd.scan.msk.f32 $0xffff, v12;
	_ =	sdelay $0x1  }
0x14c: {  	s3 =	spop @!p0 (v2sf)  }
0x14d: {  	s3 =	sand.u32 @!p0 $0xFFFFF80, s3  }
0x14e: {  	s7 =	simm.s32 @!p0 $0x1A80;
	s3 =	sadd.s32 @!p0 s1, s3  }
0x14f: {  	[tilespmem:s7], [sflag:$0x2] =	stream.strided.gather @!p0 [hbm4b:s3+s11], $0x1000, s13, s11, $0x38;
	[tilespmem:$0x10A80] =	vst v63  }
0x150: {  	s3 =	spop @!p0 (v2sf)  }
0x151: {  	s3 =	sand.u32 @!p0 $0xFFFFF80, s3  }
0x152: {  	s7 =	simm.s32 @!p0 $0x9A80;
	s3 =	sadd.s32 @!p0 s2, s3  }
0x153: {  	[tilespmem:s7], [sflag:$0xA] =	stream.strided.gather @!p0 [hbm4b:s3+s11], $0x1000, s13, s11, $0x38;
	[tilespmem:$0x10A80] =	vst v63  }
0x154: {  	v12, _, _ =	vpop (xrf2);
	s7 =	simm.s32 $0x3  }
0x155: {  	_ =	swait.ge [sflag:s7], $0x1000  }
0x156: {  	[sflag:s7] =	ssyncset.done $0x0  }
0x157: {  	[sflag:s7] =	ssyncadd.s32 $0xFFFFF000  }
0x158: {  	_ =	swait.ge [sflag:s21], $0x1000  }
0x159: {  	[sflag:s21] =	ssyncset.done $0x0  }
0x15a: {  	s9 =	sand.u32 $0x7F, s16;
	[sflag:s21] =	ssyncadd.s32 $0xFFFFF000  }
0x15b: {  	v48 =	vor.u32 s9, v0;
	v14 =	vld @!p0 [tilespmem:s6+$0x10]  }
0x15c: {  	s0 =	sand.u32 $0x7F, s29;
	v49 =	vor.u32 s9, v1  }
0x15d: {  	v50 =	vor.u32 s0, v0  }
0x15e: {  	v51 =	vor.u32 s0, v1  }
0x15f: {  	s16 =	simm.s32 $0x2A80;
	v18 =	vld @!p0 [tilespmem:s6+$0x210]  }
0x160: {  	v13 =	vld.idx.msk [tilespmem:v48+s16+$0x0], $0xffff;
	(v2sf) =	vpush @!p0 v14, $0x2  }
0x161: {  	s29 =	simm.s32 $0xAA80;
	v52 =	vld.idx.msk [tilespmem:v49+s16+$0x0], $0xffff  }
0x162: {  	v53 =	vld.idx.msk [tilespmem:v50+s29+$0x0], $0xffff  }
0x163: {  	v54 =	vld.idx.msk [tilespmem:v51+s29+$0x0], $0xffff  }
0x164: {  	(v2sf) =	vpush @!p0 v18, $0x2;
	_ =	sdelay $0x3  }
0x165: {  	v13 =	vmul.f32 v53, v13;
	v14 =	vmul.f32 v54, v52;
	_ =	sdelay $0x1  }
0x166: {  	v13 =	vadd.f32 v14, v13;
	_ =	sdelay $0x1  }
0x167: {  	(xrf2) =	vadd.scan.msk.f32 $0xffff, v13;
	_ =	sdelay $0x2  }
0x168: {  	s3 =	spop @!p0 (v2sf)  }
0x169: {  	s3 =	sand.u32 @!p0 $0xFFFFF80, s3  }
0x16a: {  	s7 =	simm.s32 @!p0 $0x2A80;
	s3 =	sadd.s32 @!p0 s1, s3  }
0x16b: {  	[tilespmem:s7], [sflag:$0x3] =	stream.strided.gather @!p0 [hbm4b:s3+s11], $0x1000, s13, s11, $0x38;
	[tilespmem:$0x10A80] =	vst v63  }
0x16c: {  	s3 =	spop @!p0 (v2sf)  }
0x16d: {  	s3 =	sand.u32 @!p0 $0xFFFFF80, s3  }
0x16e: {  	s9 =	simm.s32 $0x4;
	s7 =	simm.s32 @!p0 $0xAA80;
	s3 =	sadd.s32 @!p0 s2, s3  }
0x16f: {  	v13, _, _ =	vpop (xrf2);
	[tilespmem:s7], [sflag:$0xB] =	stream.strided.gather @!p0 [hbm4b:s3+s11], $0x1000, s13, s11, $0x38;
	[tilespmem:$0x10A80] =	vst v63  }
0x170: {  	_ =	swait.ge [sflag:s9], $0x1000  }
0x171: {  	[sflag:s9] =	ssyncset.done $0x0  }
0x172: {  	[sflag:s9] =	ssyncadd.s32 $0xFFFFF000  }
0x173: {  	_ =	swait.ge [sflag:s10], $0x1000  }
0x174: {  	[sflag:s10] =	ssyncset.done $0x0  }
0x175: {  	[sflag:s10] =	ssyncadd.s32 $0xFFFFF000  }
0x176: {  	s0 =	sand.u32 $0x7F, s30;
	v15 =	vld @!p0 [tilespmem:s6+$0x10]  }
0x177: {  	v57 =	vor.u32 s0, v0  }
0x178: {  	v58 =	vor.u32 s0, v1;
	s10 =	sand.u32 $0x7F, s8  }
0x179: {  	v55 =	vor.u32 s10, v0  }
0x17a: {  	v56 =	vor.u32 s10, v1;
	v19 =	vld @!p0 [tilespmem:s6+$0x210]  }
0x17b: {  	s30 =	simm.s32 $0xBA80;
	(v2sf) =	vpush @!p0 v15, $0x3  }
0x17c: {  	v60 =	vld.idx.msk [tilespmem:v57+s30+$0x0], $0xffff  }
0x17d: {  	s8 =	simm.s32 $0x3A80;
	v61 =	vld.idx.msk [tilespmem:v58+s30+$0x0], $0xffff  }
0x17e: {  	v14 =	vld.idx.msk [tilespmem:v55+s8+$0x0], $0xffff  }
0x17f: {  	v59 =	vld.idx.msk [tilespmem:v56+s8+$0x0], $0xffff;
	(v2sf) =	vpush @!p0 v19, $0x3;
	_ =	sdelay $0x4  }
0x180: {  	v14 =	vmul.f32 v60, v14;
	v15 =	vmul.f32 v61, v59;
	_ =	sdelay $0x1  }
0x181: {  	v14 =	vadd.f32 v15, v14;
	_ =	sdelay $0x1  }
0x182: {  	(xrf2) =	vadd.scan.msk.f32 $0xffff, v14;
	_ =	sdelay $0x1  }
0x183: {  	s3 =	spop @!p0 (v2sf)  }
0x184: {  	s3 =	sand.u32 @!p0 $0xFFFFF80, s3  }
0x185: {  	s7 =	simm.s32 @!p0 $0x3A80;
	s3 =	sadd.s32 @!p0 s1, s3  }
0x186: {  	[tilespmem:s7], [sflag:$0x4] =	stream.strided.gather @!p0 [hbm4b:s3+s11], $0x1000, s13, s11, $0x38;
	[tilespmem:$0x10A80] =	vst v63  }
0x187: {  	s3 =	spop @!p0 (v2sf)  }
0x188: {  	s3 =	sand.u32 @!p0 $0xFFFFF80, s3  }
0x189: {  	s7 =	simm.s32 @!p0 $0xBA80;
	s3 =	sadd.s32 @!p0 s2, s3  }
0x18a: {  	[tilespmem:s7], [sflag:$0xC] =	stream.strided.gather @!p0 [hbm4b:s3+s11], $0x1000, s13, s11, $0x38;
	[tilespmem:$0x10A80] =	vst v63  }
0x18b: {  	v14, _, _ =	vpop (xrf2);
	s7 =	simm.s32 $0x5  }
0x18c: {  	_ =	swait.ge [sflag:s7], $0x1000  }
0x18d: {  	[sflag:s7] =	ssyncset.done $0x0  }
0x18e: {  	[sflag:s7] =	ssyncadd.s32 $0xFFFFF000  }
0x18f: {  	_ =	swait.ge [sflag:s19], $0x1000  }
0x190: {  	[sflag:s19] =	ssyncset.done $0x0  }
0x191: {  	s9 =	sand.u32 $0x7F, s31;
	[sflag:s19] =	ssyncadd.s32 $0xFFFFF000  }
0x192: {  	v62 =	vor.u32 s9, v0;
	s10 =	rddreg [dreg:$0x10];
	v16 =	vld @!p0 [tilespmem:s6+$0x10]  }
0x193: {  	v63 =	vor.u32 s9, v1;
	s0 =	sand.u32 $0x7F, s10  }
0x194: {  	v24 =	vor.u32 s0, v0  }
0x195: {  	v25 =	vor.u32 s0, v1  }
0x196: {  	s31 =	simm.s32 $0x4A80;
	v20 =	vld @!p0 [tilespmem:s6+$0x210]  }
0x197: {  	v15 =	vld.idx.msk [tilespmem:v62+s31+$0x0], $0xffff;
	(v2sf) =	vpush @!p0 v16, $0x4  }
0x198: {  	s9 =	simm.s32 $0xCA80;
	v26 =	vld.idx.msk [tilespmem:v63+s31+$0x0], $0xffff  }
0x199: {  	v27 =	vld.idx.msk [tilespmem:v24+s9+$0x0], $0xffff  }
0x19a: {  	v28 =	vld.idx.msk [tilespmem:v25+s9+$0x0], $0xffff  }
0x19b: {  	(v2sf) =	vpush @!p0 v20, $0x4;
	_ =	sdelay $0x3  }
0x19c: {  	v15 =	vmul.f32 v27, v15;
	v16 =	vmul.f32 v28, v26;
	_ =	sdelay $0x1  }
0x19d: {  	v15 =	vadd.f32 v16, v15;
	_ =	sdelay $0x1  }
0x19e: {  	(xrf2) =	vadd.scan.msk.f32 $0xffff, v15;
	_ =	sdelay $0x2  }
0x19f: {  	s3 =	spop @!p0 (v2sf)  }
0x1a0: {  	s3 =	sand.u32 @!p0 $0xFFFFF80, s3  }
0x1a1: {  	s7 =	simm.s32 @!p0 $0x4A80;
	s3 =	sadd.s32 @!p0 s1, s3  }
0x1a2: {  	[tilespmem:s7], [sflag:$0x5] =	stream.strided.gather @!p0 [hbm4b:s3+s11], $0x1000, s13, s11, $0x38;
	[tilespmem:$0x10A80] =	vst v63  }
0x1a3: {  	s3 =	spop @!p0 (v2sf)  }
0x1a4: {  	s3 =	sand.u32 @!p0 $0xFFFFF80, s3  }
0x1a5: {  	s10 =	simm.s32 $0x6;
	s7 =	simm.s32 @!p0 $0xCA80;
	s3 =	sadd.s32 @!p0 s2, s3  }
0x1a6: {  	v15, _, _ =	vpop (xrf2);
	[tilespmem:s7], [sflag:$0xD] =	stream.strided.gather @!p0 [hbm4b:s3+s11], $0x1000, s13, s11, $0x38;
	[tilespmem:$0x10A80] =	vst v63  }
0x1a7: {  	_ =	swait.ge [sflag:s10], $0x1000  }
0x1a8: {  	[sflag:s10] =	ssyncset.done $0x0  }
0x1a9: {  	[sflag:s10] =	ssyncadd.s32 $0xFFFFF000  }
0x1aa: {  	_ =	swait.ge [sflag:s22], $0x1000  }
0x1ab: {  	[sflag:s22] =	ssyncset.done $0x0  }
0x1ac: {  	s3 =	rddreg [dreg:$0xf];
	[sflag:s22] =	ssyncadd.s32 $0xFFFFF000  }
0x1ad: {  	s9 =	sand.u32 $0x7F, s3;
	v17 =	vld @!p0 [tilespmem:s6+$0x10]  }
0x1ae: {  	s10 =	rddreg [dreg:$0x11];
	v29 =	vor.u32 s9, v0  }
0x1af: {  	s0 =	sand.u32 $0x7F, s10;
	v30 =	vor.u32 s9, v1  }
0x1b0: {  	v31 =	vor.u32 s0, v0  }
0x1b1: {  	v32 =	vor.u32 s0, v1;
	v21 =	vld @!p0 [tilespmem:s6+$0x210]  }
0x1b2: {  	s9 =	simm.s32 $0x5A80;
	(v2sf) =	vpush @!p0 v17, $0x5  }
0x1b3: {  	v16 =	vld.idx.msk [tilespmem:v29+s9+$0x0], $0xffff  }
0x1b4: {  	s10 =	simm.s32 $0xDA80;
	v33 =	vld.idx.msk [tilespmem:v30+s9+$0x0], $0xffff  }
0x1b5: {  	v34 =	vld.idx.msk [tilespmem:v31+s10+$0x0], $0xffff  }
0x1b6: {  	v35 =	vld.idx.msk [tilespmem:v32+s10+$0x0], $0xffff;
	(v2sf) =	vpush @!p0 v21, $0x5;
	_ =	sdelay $0x4  }
0x1b7: {  	v16 =	vmul.f32 v34, v16;
	v17 =	vmul.f32 v35, v33;
	_ =	sdelay $0x1  }
0x1b8: {  	v16 =	vadd.f32 v17, v16;
	_ =	sdelay $0x1  }
0x1b9: {  	(xrf2) =	vadd.scan.msk.f32 $0xffff, v16;
	_ =	sdelay $0x1  }
0x1ba: {  	s0 =	spop @!p0 (v2sf)  }
0x1bb: {  	s0 =	sand.u32 @!p0 $0xFFFFF80, s0  }
0x1bc: {  	s3 =	simm.s32 @!p0 $0x5A80;
	s0 =	sadd.s32 @!p0 s1, s0  }
0x1bd: {  	[tilespmem:s3], [sflag:$0x6] =	stream.strided.gather @!p0 [hbm4b:s0+s11], $0x1000, s13, s11, $0x38;
	[tilespmem:$0x10A80] =	vst v63  }
0x1be: {  	s0 =	spop @!p0 (v2sf)  }
0x1bf: {  	s0 =	sand.u32 @!p0 $0xFFFFF80, s0  }
0x1c0: {  	s3 =	simm.s32 @!p0 $0xDA80;
	s0 =	sadd.s32 @!p0 s2, s0  }
0x1c1: {  	[tilespmem:s3], [sflag:$0xE] =	stream.strided.gather @!p0 [hbm4b:s0+s11], $0x1000, s13, s11, $0x38;
	[tilespmem:$0x10A80] =	vst v63  }
0x1c2: {  	v16, _, _ =	vpop (xrf2);
	s3 =	simm.s32 $0x7  }
0x1c3: {  	_ =	swait.ge [sflag:s3], $0x1000  }
0x1c4: {  	[sflag:s3] =	ssyncset.done $0x0  }
0x1c5: {  	[sflag:s3] =	ssyncadd.s32 $0xFFFFF000  }
0x1c6: {  	_ =	swait.ge [sflag:s20], $0x1000  }
0x1c7: {  	[sflag:s20] =	ssyncset.done $0x0  }
0x1c8: {  	s9 =	sand.u32 $0x7F, s26;
	[sflag:s20] =	ssyncadd.s32 $0xFFFFF000  }
0x1c9: {  	v36 =	vor.u32 s9, v0;
	v18 =	vld @!p0 [tilespmem:s6+$0x10]  }
0x1ca: {  	s10 =	sand.u32 $0x7F, s25;
	v37 =	vor.u32 s9, v1  }
0x1cb: {  	v38 =	vor.u32 s10, v0  }
0x1cc: {  	v39 =	vor.u32 s10, v1  }
0x1cd: {  	s26 =	simm.s32 $0x6A80;
	v22 =	vld @!p0 [tilespmem:s6+$0x210]  }
0x1ce: {  	v17 =	vld.idx.msk [tilespmem:v36+s26+$0x0], $0xffff;
	(v2sf) =	vpush @!p0 v18, $0x6  }
0x1cf: {  	s3 =	simm.s32 $0xEA80;
	v40 =	vld.idx.msk [tilespmem:v37+s26+$0x0], $0xffff  }
0x1d0: {  	v41 =	vld.idx.msk [tilespmem:v38+s3+$0x0], $0xffff  }
0x1d1: {  	v42 =	vld.idx.msk [tilespmem:v39+s3+$0x0], $0xffff  }
0x1d2: {  	(v2sf) =	vpush @!p0 v22, $0x6;
	_ =	sdelay $0x3  }
0x1d3: {  	v17 =	vmul.f32 v41, v17;
	v18 =	vmul.f32 v42, v40;
	_ =	sdelay $0x1  }
0x1d4: {  	v17 =	vadd.f32 v18, v17;
	_ =	sdelay $0x1  }
0x1d5: {  	(xrf2) =	vadd.scan.msk.f32 $0xffff, v17;
	_ =	sdelay $0x2  }
0x1d6: {  	s0 =	spop @!p0 (v2sf)  }
0x1d7: {  	s0 =	sand.u32 @!p0 $0xFFFFF80, s0  }
0x1d8: {  	s3 =	simm.s32 @!p0 $0x6A80;
	s0 =	sadd.s32 @!p0 s1, s0  }
0x1d9: {  	[tilespmem:s3], [sflag:$0x7] =	stream.strided.gather @!p0 [hbm4b:s0+s11], $0x1000, s13, s11, $0x38;
	[tilespmem:$0x10A80] =	vst v63  }
0x1da: {  	s0 =	spop @!p0 (v2sf)  }
0x1db: {  	s0 =	sand.u32 @!p0 $0xFFFFF80, s0  }
0x1dc: {  	s6 =	simm.s32 $0x8;
	s3 =	simm.s32 @!p0 $0xEA80;
	s0 =	sadd.s32 @!p0 s2, s0  }
0x1dd: {  	v17, _, _ =	vpop (xrf2);
	[tilespmem:s3], [sflag:$0xF] =	stream.strided.gather @!p0 [hbm4b:s0+s11], $0x1000, s13, s11, $0x38;
	[tilespmem:$0x10A80] =	vst v63  }
0x1de: {  	s9 =	sand.u32 $0x7F, s4;
	_ =	swait.ge [sflag:s6], $0x1000  }
0x1df: {  	s10 =	simm.s32 $0x8;
	v43 =	vor.u32 s9, v0;
	[sflag:s6] =	ssyncset.done $0x0;
	s11 =	rddreg [dreg:$0x12]  }
0x1e0: {  	v45 =	vor.u32 s9, v1;
	s3 =	sand.u32 $0x7F, s11;
	[sflag:s10] =	ssyncadd.s32 $0xFFFFF000  }
0x1e1: {  	v44 =	vor.u32 s3, v0;
	_ =	swait.ge [sflag:s5], $0x1000  }
0x1e2: {  	v46 =	vor.u32 s3, v1;
	[sflag:s5] =	ssyncset.done $0x0  }
0x1e3: {  	s25 =	simm.s32 $0x7A80;
	[sflag:s5] =	ssyncadd.s32 $0xFFFFF000  }
0x1e4: {  	v18 =	vld.idx.msk [tilespmem:v43+s25+$0x0], $0xffff  }
0x1e5: {  	v20 =	vld.idx.msk [tilespmem:v45+s25+$0x0], $0xffff  }
0x1e6: {  	v19 =	vld.idx.msk [tilespmem:v44+s12+$0x0], $0xffff  }
0x1e7: {  	v21 =	vld.idx.msk [tilespmem:v46+s12+$0x0], $0xffff;
	_ =	sdelay $0x2  }
0x1e8: {  	v3 =	vbroadcast v3, $0xF  }
0x1e9: {  	v4 =	vbroadcast v4, $0xF;
	v5 =	vbroadcast v5, $0xF  }
0x1ea: {  	v18 =	vmul.f32 v19, v18;
	v47 =	vmul.f32 v21, v20  }
0x1eb: {  	v3 =	vsel vm0, v3, v4;
	v48 =	vbroadcast v6, $0xF  }
0x1ec: {  	v3 =	vsel vm1, v3, v5;
	v50 =	vbroadcast v7, $0xF;
	v49 =	vadd.f32 v47, v18  }
0x1ed: {  	v51 =	vbroadcast v8, $0xF;
	v3 =	vsel vm2, v3, v48  }
0x1ee: {  	v3 =	vsel vm3, v3, v50;
	v52 =	vbroadcast v9, $0xF;
	(xrf2) =	vadd.scan.msk.f32 $0xffff, v49  }
0x1ef: {  	v3 =	vsel vm4, v3, v51;
	v53 =	vbroadcast v10, $0xF  }
0x1f0: {  	v54 =	vbroadcast v11, $0xF;
	v3 =	vsel vm5, v3, v52  }
0x1f1: {  	v3 =	vsel vm6, v3, v53;
	v55 =	vbroadcast v12, $0xF  }
0x1f2: {  	v3 =	vsel vm7, v3, v54;
	v56 =	vbroadcast v13, $0xF  }
0x1f3: {  	v3 =	vsel vm8, v55, v3;
	v57 =	vbroadcast v14, $0xF  }
0x1f4: {  	v3 =	vsel vm9, v56, v3;
	v58 =	vbroadcast v15, $0xF;
	s13 =	rddreg [dreg:$0xe]  }
0x1f5: {  	v3 =	vsel vm10, v57, v3;
	v59 =	vbroadcast v16, $0xF;
	v60 =	vld [tilespmem:s13+$0x400]  }
0x1f6: {  	v3 =	vsel vm11, v58, v3;
	v61 =	vbroadcast v17, $0xF  }
0x1f7: {  	v3 =	vsel vm12, v59, v3;
	v62 =	vld [tilespmem:s13+$0x600]  }
0x1f8: {  	v3 =	vsel vm13, v61, v3;
	v63, _, _ =	vpop (xrf2)  }
0x1f9: {  	v3 =	vsel vm14, v3, v63  }
0x1fa: {  	v3 =	vadd.f32 v3, v60;
	_ =	sdelay $0x1  }
0x1fb: {  	s23 =	sadd.s32 $0x40, s23;
	v3 =	vadd.f32 v3, v62  }
0x1fc: {  	p0 =	sne.s32 s23, $0x800  }
.Ltmp0:
0x1fd: {  	v3 =	vadd.f32 v3, v2;
	(pc) =	sbr.rel @p0 .LBB2_2-.Ltmp0, $4  }
0x1fe: {  	_ = 	snop  }
0x1ff: {  	v3 =	vmax.f32 v3, $1.000000000e+00  }
0x200: {  	v3 =	vmin.f32 v3, $1.000000000e+01  }
0x201: {  	s7 =	simm.s32 $0xA80;
	[tilespmem:s13+$0x880] =	vst v3  }
0x202: {  	s9 =	simm.s32 $0x0;
	s0 =	rddreg [dreg:$0xb];
	s3 =	simm.s32 $0x880  }
0x203: {  	[hbm4b:s0+s9] =	stream.linear.scatter [tilespmem:s3], [sflag:$0x13], $0x200, $0x38;
	[tilespmem:$0x10A80] =	vst v63  }
0x204: {  	s3 =	simm.s32 $0x13  }
0x205: {  	_ =	swait.ge [sflag:s3], $0x200  }
0x206: {  	s4 =	rddreg [dreg:$0xd]  }
0x207: {  	s23 =	rddreg [dreg:$0xc];
	s4 =	sadd.s32 $0x1, s4  }
0x208: {  	p0 =	sne.s32 s4, s23  }
.Ltmp1:
0x209: {  	_ = 	snop;
	(pc) =	sbr.rel @p0 .LBB2_1-.Ltmp1, $4  }
0x20a: {  	_ = 	snop  }
0x20b: {  	s6 =	simm.s32 $0x8A80  }
0x20c: {  	s10 =	simm.s32 $0xCA80;
	s11 =	simm.s32 $0x5A80;
	[sflag:s3] =	ssyncset.done $0x0  }
0x20d: {  	s13 =	simm.s32 $0xDA80;
	[sflag:s3] =	ssyncadd.s32 $0xFFFFFE00;
	s23 =	simm.s32 $0xEA80  }
0x20e: {  	_ =	sfence.sel $0x180000  }
0x20f: {  	[bflag:$0x0] =	sbarrier.arrive $0xFFFF  }
0x210: {  	_ =	strace $0x90000047  }
0x211: {  	s0 =	stileid.u32;
	[bflag:$0x2] =	sbarrier.arrive $0xFFFF  }
0x212: {  	p0 =	sne.s32 s0, $0x0;
	s0 =	rddreg [dreg:$0x8]  }
0x213: {  	s0 =	sadd.s32 @!p0 $0x100000, s0  }
0x214: {  	[sflag:s0] =	ssyncadd.tile.s32 @!p0 $0x1;
	_ =	shalt  }
.Lfunc_end2:
_tile_overlayer_lowered:
.L_overlay_start_2:
0x215: {  	(tag) =	ssettag $0x2  }
0x216: {  	s0 =	rddreg [dreg:$0x0];
	s2 =	stileid.u32  }
0x217: {  	s1 =	rddreg [dreg:$0x1];
	p0 =	sne.s32 s2, $0x0  }
0x218: {  	s3 =	rddreg [dreg:$0x2];
	[bflag:$0x3] =	sbarrier.arrive $0xFFFF;
	s2 =	simm.s32 @!p0 $0x1C13  }
0x219: {  	[timem:s3], [sflag:s2] =	dma.local @!p0 [hbm:s0], s1  }
0x21a: {  	s0 =	simm.s32 @!p0 $0x13  }
0x21b: {  	_ =	swait.ge @!p0 [sflag:s0], s1  }
0x21c: {  	s1 =	ssub.s32 @!p0 $0x0, s1;
	[sflag:s0] =	ssyncset.done @!p0 $0x0  }
0x21d: {  	[sflag:s0] =	ssyncadd.s32 @!p0 s1  }
0x21e: {  	[bflag:$0x3] =	sbarrier.arrive $0xFFFF  }
0x21f: {  	_ =	shalt  }

</sc_bundles>
